<compile_context>
chip_gen: v7x
topology: tpu7x:2x2x1
jax: 0.10.2.dev20260603
libtpu: 0.0.44.dev20260713+nightly
codegen_flags: <defaults>
</compile_context>

<pallas_src>
import functools

import jax
import jax.numpy as jnp
from jax import lax
from jax.experimental import pallas as pl
from jax.experimental.pallas import tpu as pltpu
from jax.experimental.pallas import tpu_sc as plsc

_N = 10000
_E = 160000
_DIN = 256
_DOUT = 256
_H = 8

_TILE_N = 1024
_GRID = 10
_NPAD = _TILE_N * _GRID

_NT = 16
_ET = _E // _NT
_K = 80
_NCH = _ET // _K
_NCH2 = _NCH // 2
_NVEC = _ET // 16
_NROW_T = _NPAD // _NT
_NEG = -3e38


def _tc_body(x_ref, wcat_ref, bcat_ref, atj_ref, abj_ref, tab_ref, stb_ref):
    xb = x_ref[...]
    tops = []
    bots = []
    for j in range(16):
        wh = jnp.dot(xb, wcat_ref[j], preferred_element_type=jnp.float32)
        wh = wh + bcat_ref[pl.ds(j, 1), :]
        tab_ref[j] = wh
        dn = (((1,), (1,)), ((), ()))
        tops.append(lax.dot_general(atj_ref[pl.ds(j, 1), :], wh, dn,
                                    preferred_element_type=jnp.float32))
        bots.append(lax.dot_general(abj_ref[pl.ds(j, 1), :], wh, dn,
                                    preferred_element_type=jnp.float32))
    topp = jnp.concatenate(tops, axis=0).reshape(8, 2, _TILE_N).sum(axis=1)
    botp = jnp.concatenate(bots, axis=0).reshape(8, 2, _TILE_N).sum(axis=1)
    stb_ref[...] = jnp.concatenate([topp, botp], axis=0)


def _tc_call(xp, wcat, bcat, atj, abj):
    return pl.pallas_call(
        _tc_body,
        grid=(_GRID,),
        in_specs=[
            pl.BlockSpec((_TILE_N, _DIN), lambda i: (i, 0)),
            pl.BlockSpec((16, _DIN, 128), lambda i: (0, 0, 0)),
            pl.BlockSpec((16, 128), lambda i: (0, 0)),
            pl.BlockSpec((16, 128), lambda i: (0, 0)),
            pl.BlockSpec((16, 128), lambda i: (0, 0)),
        ],
        out_specs=[
            pl.BlockSpec((16, _TILE_N, 128), lambda i: (0, i, 0)),
            pl.BlockSpec((16, _TILE_N), lambda i: (0, i)),
        ],
        out_shape=[
            jax.ShapeDtypeStruct((16, _NPAD, 128), jnp.float32),
            jax.ShapeDtypeStruct((16, _NPAD), jnp.float32),
        ],
    )(xp, wcat, bcat, atj, abj)


def _bfly_max(tmp, x):
    tmp[...] = x
    lane = lax.iota(jnp.int32, 16)
    for k in (8, 4, 2, 1):
        tmp[...] = jnp.maximum(tmp[...], plsc.load_gather(tmp, [lane ^ k]))
    return tmp[...]


def _bfly_sum(tmp, x):
    tmp[...] = x
    lane = lax.iota(jnp.int32, 16)
    for k in (8, 4, 2, 1):
        tmp[...] = tmp[...] + plsc.load_gather(tmp, [lane ^ k])
    return tmp[...]


def _sca_body(stb_hbm, rows_hbm, cols_hbm, gate_hbm, coef_hbm,
              row1, col1, stop_v, sbot_v, ev, redv, gate_v, vtmp,
              maxb, sumb):
    cid = lax.axis_index("c")
    sid = lax.axis_index("s")

    pltpu.sync_copy(rows_hbm.at[pl.ds(sid * _ET, _ET)], row1)
    pltpu.sync_copy(cols_hbm.at[pl.ds(sid * _ET, _ET)], col1)
    pltpu.sync_copy(gate_hbm, gate_v)

    lane = lax.iota(jnp.int32, 16)
    gmask = lane < _H
    gv = jnp.where(gmask, gate_v[...], jnp.float32(_NEG))
    gmx = _bfly_max(vtmp, gv)
    gexp = jnp.where(gmask, jnp.exp(gv - gmx), jnp.float32(0.0))
    gsum = _bfly_sum(vtmp, gexp)

    def head_body(hh, _):
        m = 2 * hh + cid
        pltpu.sync_copy(stb_hbm.at[pl.ds(m * _NPAD, _NPAD)], stop_v)
        pltpu.sync_copy(stb_hbm.at[pl.ds((m + _H) * _NPAD, _NPAD)], sbot_v)

        @plsc.parallel_loop(0, _NVEC, unroll=4,
                            carry=jnp.full((16,), _NEG, jnp.float32))
        def _p1(i, mx):
            ridx = row1[pl.ds(i * 16, 16)]
            cidx = col1[pl.ds(i * 16, 16)]
            s = (plsc.load_gather(stop_v, [ridx])
                 + plsc.load_gather(sbot_v, [cidx]))
            e = jnp.maximum(s, jnp.float32(0.01) * s)
            ev[pl.ds(i * 16, 16)] = e
            return jnp.maximum(mx, e)
        vtmp[...] = _p1

        pltpu.sync_copy(vtmp, maxb.at[pl.ds(sid * 16, 16)])
        plsc.subcore_barrier()
        pltpu.sync_copy(maxb, redv)
        rmx = redv[pl.ds(0, 16)]
        for t in range(1, _NT):
            rmx = jnp.maximum(rmx, redv[pl.ds(t * 16, 16)])
        gmaxv = _bfly_max(vtmp, rmx)
        plsc.subcore_barrier()

        @plsc.parallel_loop(0, _NVEC, unroll=4,
                            carry=jnp.zeros((16,), jnp.float32))
        def _p2(i, sm):
            v = jnp.exp(ev[pl.ds(i * 16, 16)] - gmaxv)
            ev[pl.ds(i * 16, 16)] = v
            return sm + v
        vtmp[...] = _p2

        pltpu.sync_copy(vtmp, sumb.at[pl.ds(sid * 16, 16)])
        plsc.subcore_barrier()
        pltpu.sync_copy(sumb, redv)
        rsm = redv[pl.ds(0, 16)]
        for t in range(1, _NT):
            rsm = rsm + redv[pl.ds(t * 16, 16)]
        total = _bfly_sum(vtmp, rsm)
        plsc.subcore_barrier()

        gm = _bfly_sum(vtmp, jnp.where(lane == m, gexp, jnp.float32(0.0)))
        scalev = gm / gsum / total

        @plsc.parallel_loop(0, _NVEC, unroll=4)
        def _p3(i):
            ev[pl.ds(i * 16, 16)] = ev[pl.ds(i * 16, 16)] * scalev

        pltpu.sync_copy(ev, coef_hbm.at[pl.ds(m * _E + sid * _ET, _ET)])
        return 0

    lax.fori_loop(0, _H // 2, head_body, 0)


def _sca_call(stb, rows_w, cols_w, gate16):
    mesh = plsc.VectorSubcoreMesh(core_axis_name="c", subcore_axis_name="s")
    f = functools.partial(
        pl.kernel,
        out_type=jax.ShapeDtypeStruct((_H * _E,), jnp.float32),
        mesh=mesh,
        scratch_types=[
            pltpu.VMEM((_ET,), jnp.int32),
            pltpu.VMEM((_ET,), jnp.int32),
            pltpu.VMEM((_NPAD,), jnp.float32),
            pltpu.VMEM((_NPAD,), jnp.float32),
            pltpu.VMEM((_ET,), jnp.float32),
            pltpu.VMEM((256,), jnp.float32),
            pltpu.VMEM((16,), jnp.float32),
            pltpu.VMEM((16,), jnp.float32),
            pltpu.VMEM_SHARED((256,), jnp.float32),
            pltpu.VMEM_SHARED((256,), jnp.float32),
        ],
        compiler_params=pltpu.CompilerParams(needs_layout_passes=False),
    )(_sca_body)
    return f(stb, rows_w, cols_w, gate16)


def _scb_body(tab_hbm, coef_hbm, rows_hbm, cols_hbm, out_hbm,
              row3, col1, cb0, cb1, gb0, gb1, acc, gs0, gs1, cs0, cs1):
    cid = lax.axis_index("c")
    sid = lax.axis_index("s")

    pltpu.sync_copy(rows_hbm.at[sid], row3)
    pltpu.sync_copy(cols_hbm.at[pl.ds(sid * _ET, _ET)], col1)

    def _zb(i, _1):
        for w in range(8):
            gb0[i, pl.ds(w * 16, 16)] = jnp.zeros((16,), jnp.float32)
        return 0
    lax.fori_loop(0, _K, _zb, 0)
    for k in range(_NROW_T // _K):
        pltpu.sync_copy(gb0, acc.at[pl.ds(sid * _NROW_T + k * _K, _K)])
    plsc.subcore_barrier()

    def _scale(gb, cb):
        @plsc.parallel_loop(0, _K, unroll=4)
        def _rr(r):
            cv = cb[pl.ds(r, 16)]
            coeff = jnp.broadcast_to(cv[0], (16,))
            for w in range(8):
                gb[r, pl.ds(w * 16, 16)] = gb[r, pl.ds(w * 16, 16)] * coeff

    def head_body(m, _):
        jtab = 2 * m + cid
        tabm = tab_hbm.at[jtab]
        cbase = m * _E + sid * _ET

        def gsl(c):
            return col1.at[pl.ds(c * _K, _K)]

        def csl(c):
            return coef_hbm.at[pl.ds(cbase + c * _K, _K)]

        pltpu.async_copy(tabm.at[gsl(0)], gb0, gs0)
        pltpu.async_copy(csl(0), cb0.at[pl.ds(0, _K)], cs0)

        def _ch2(c2, _1):
            c0 = 2 * c2
            c1 = c0 + 1
            cn = jnp.where(c2 + 1 < _NCH2, c0 + 2, _NCH - 1)
            pltpu.async_copy(tabm.at[gsl(c1)], gb1, gs1)
            pltpu.async_copy(csl(c1), cb1.at[pl.ds(0, _K)], cs1)
            pltpu.make_async_copy(tabm.at[gsl(c0)], gb0, gs0).wait()
            pltpu.make_async_copy(csl(c0), cb0.at[pl.ds(0, _K)], cs0).wait()
            _scale(gb0, cb0)
            s0 = pltpu.async_copy(gb0, acc.at[row3.at[c0]], gs0, add=True)
            pltpu.make_async_copy(tabm.at[gsl(c1)], gb1, gs1).wait()
            pltpu.make_async_copy(csl(c1), cb1.at[pl.ds(0, _K)], cs1).wait()
            _scale(gb1, cb1)
            s1 = pltpu.async_copy(gb1, acc.at[row3.at[c1]], gs1, add=True)
            s0.wait()
            pltpu.async_copy(tabm.at[gsl(cn)], gb0, gs0)
            pltpu.async_copy(csl(cn), cb0.at[pl.ds(0, _K)], cs0)
            s1.wait()
            return 0
        lax.fori_loop(0, _NCH2, _ch2, 0)

        ct = _NCH - 1
        pltpu.make_async_copy(tabm.at[gsl(ct)], gb0, gs0).wait()
        pltpu.make_async_copy(csl(ct), cb0.at[pl.ds(0, _K)], cs0).wait()
        _scale(gb0, cb0)
        pltpu.async_copy(gb0, acc.at[row3.at[ct]], gs0, add=True).wait()
        return 0

    lax.fori_loop(0, _H, head_body, 0)
    plsc.subcore_barrier()

    pltpu.sync_copy(
        acc.at[pl.ds(sid * _NROW_T, _NROW_T)],
        out_hbm.at[pl.ds(sid * _NROW_T, _NROW_T), pl.ds(cid * 128, 128)])


def _scb_call(tab, coef, rows_r, cols_r):
    mesh = plsc.VectorSubcoreMesh(core_axis_name="c", subcore_axis_name="s")
    f = functools.partial(
        pl.kernel,
        out_type=jax.ShapeDtypeStruct((_NPAD, _DOUT), jnp.float32),
        mesh=mesh,
        scratch_types=[
            pltpu.VMEM((_NCH, _K), jnp.int32),
            pltpu.VMEM((_ET,), jnp.int32),
            pltpu.VMEM((_K + 16,), jnp.float32),
            pltpu.VMEM((_K + 16,), jnp.float32),
            pltpu.VMEM((_K, 128), jnp.float32),
            pltpu.VMEM((_K, 128), jnp.float32),
            pltpu.VMEM_SHARED((_NPAD, 128), jnp.float32),
            pltpu.SemaphoreType.DMA,
            pltpu.SemaphoreType.DMA,
            pltpu.SemaphoreType.DMA,
            pltpu.SemaphoreType.DMA,
        ],
        compiler_params=pltpu.CompilerParams(needs_layout_passes=False),
    )(_scb_body)
    return f(tab, coef, rows_r, cols_r)


def kernel(x, edge_index, W_w, W_b, a, gate):
    xp = jnp.pad(x, ((0, _NPAD - _N), (0, 0)))
    wcat = W_w.reshape(_H, _DIN, 2, 128).transpose(0, 2, 1, 3).reshape(16, _DIN, 128)
    bcat = W_b.reshape(16, 128)
    a2 = jnp.squeeze(a, axis=-1)
    atj = a2[:, :_DOUT].reshape(16, 128)
    abj = a2[:, _DOUT:].reshape(16, 128)
    ei = edge_index.astype(jnp.int32)
    rows_w = ei[0]
    cols_w = ei[1]
    rows_r = ei[0].reshape(_NT, _NCH, _K)
    gate16 = jnp.pad(gate.astype(jnp.float32), (0, 16 - _H))

    tab, stb = _tc_call(xp, wcat, bcat, atj, abj)
    stbf = stb.reshape(16 * _NPAD)
    coef = _sca_call(stbf, rows_w, cols_w, gate16)
    res = _scb_call(tab, coef, rows_r, cols_w)
    return res[:_N]

# --- scband reference (transcript-rebuilt; emitter-appended) ---
"""Pipeline reference for scband-egalayer-17042430230828 (READ-ONLY COPY).

The authoritative reference and input builder live on the scoring server;
editing this copy changes nothing except your own understanding.
"""

import jax, jax.numpy as jnp
import numpy as np

N = 10000
E = 160000
IN_DIM = 256
OUT_DIM = 256
HEADS = 8


def setup_inputs(seed: int = 0) -> dict:
    key = jax.random.key(seed)
    k1, k2, k3, k4, k5 = jax.random.split(key, 5)
    x = jax.random.normal(k1, (N, IN_DIM), dtype=jnp.float32)
    edge_index = jax.random.randint(k2, (2, E), 0, N, dtype=jnp.int64)
    # Learned parameters: per-head Linear (weight + bias), attention vectors a, and gate
    W_w = jax.random.normal(k3, (HEADS, IN_DIM, OUT_DIM), dtype=jnp.float32) * 0.05
    W_b = jax.random.normal(k4, (HEADS, OUT_DIM), dtype=jnp.float32) * 0.05
    a = jax.random.normal(k5, (HEADS, 2 * OUT_DIM, 1), dtype=jnp.float32)
    gate = jnp.ones((HEADS,), dtype=jnp.float32)
    return {"x": x, "edge_index": edge_index, "W_w": W_w, "W_b": W_b, "a": a, "gate": gate}


def reference(x, edge_index, W_w, W_b, a, gate):
    row = edge_index[0]
    col = edge_index[1]
    outputs = []
    for m in range(HEADS):
        Wh = x @ W_w[m] + W_b[m]                      # [N, OUT]
        e = jnp.concatenate([Wh[row], Wh[col]], axis=1)  # [E, 2*OUT] (gather)
        e = jax.nn.leaky_relu(jnp.squeeze(e @ a[m], axis=-1))  # [E]
        # NOTE: faithful to original: softmax over ALL edges (dim=0), not per-node
        alpha = jax.nn.softmax(e, axis=0)             # [E]
        out = jnp.zeros_like(Wh).at[row].add(alpha[:, None] * Wh[col])  # scatter-add
        outputs.append(out)
    g = jax.nn.softmax(gate, axis=0)
    h = outputs[0] * g[0]
    for m in range(1, HEADS):
        h = h + g[m] * outputs[m]
    return h

if __name__ == "__main__":
    import jax
    _d = setup_inputs()
    print(jax.jit(kernel)(*tuple(_d.values())))

</pallas_src>

<mosaic_0001>
#map = affine_map<(d0, d1) -> (0)>
module attributes {stable_mosaic.version = 14 : i64} {
  func.func @_sca_body(%arg0: i32, %arg1: i32, %arg2: memref<163840xf32, #tpu.memory_space<hbm>>, %arg3: memref<160000xi32, #tpu.memory_space<hbm>>, %arg4: memref<160000xi32, #tpu.memory_space<hbm>>, %arg5: memref<16xf32, #tpu.memory_space<hbm>>, %arg6: memref<1280000xf32, #tpu.memory_space<hbm>>, %arg7: memref<10000xi32, #tpu.memory_space<vmem>>, %arg8: memref<10000xi32, #tpu.memory_space<vmem>>, %arg9: memref<10240xf32, #tpu.memory_space<vmem>>, %arg10: memref<10240xf32, #tpu.memory_space<vmem>>, %arg11: memref<10000xf32, #tpu.memory_space<vmem>>, %arg12: memref<256xf32, #tpu.memory_space<vmem>>, %arg13: memref<16xf32, #tpu.memory_space<vmem>>, %arg14: memref<16xf32, #tpu.memory_space<vmem>>, %arg15: memref<256xf32, #tpu.memory_space<vmem_shared>>, %arg16: memref<256xf32, #tpu.memory_space<vmem_shared>>) attributes {dimension_semantics = [#tpu.dimension_semantics<core_parallel>, #tpu.dimension_semantics<subcore_parallel>], iteration_bounds = array<i64: 2, 16>, scalar_prefetch = 0 : i64, scratch_operands = 10 : i64, tpu.core_type = #tpu.core_type<sc_vector_subcore>, window_params = [{transform_indices = #map}, {transform_indices = #map}, {transform_indices = #map}, {transform_indices = #map}, {transform_indices = #map}]} {
    %mul3A = arith.constant 10000 : i32
    %mul3A_0 = arith.muli %arg1, %mul3A : i32
    "tpu.region"() ({
      %run_scoped3A = tpu.sem_alloc : memref<!tpu.dma_semaphore, #tpu.memory_space<semaphore_mem>>
      %dma_start3A = tpu.memref_slice %arg3[%mul3A_0] : memref<160000xi32, #tpu.memory_space<hbm>> -> memref<10000xi32, #tpu.memory_space<hbm>>
      %dma_start3A_92 = tpu.memref_slice %arg3[%mul3A_0] : memref<160000xi32, #tpu.memory_space<hbm>> -> memref<10000xi32, #tpu.memory_space<hbm>>
      tpu.enqueue_dma source(%dma_start3A_92 : memref<10000xi32, #tpu.memory_space<hbm>>) target(%arg7 : memref<10000xi32, #tpu.memory_space<vmem>>) target_semaphore(%run_scoped3A : memref<!tpu.dma_semaphore, #tpu.memory_space<semaphore_mem>>)
      %dma_wait3A = tpu.memref_slice %arg3[%mul3A_0] : memref<160000xi32, #tpu.memory_space<hbm>> -> memref<10000xi32, #tpu.memory_space<hbm>>
      %dma_wait3A_93 = tpu.memref_slice %arg3[%mul3A_0] : memref<160000xi32, #tpu.memory_space<hbm>> -> memref<10000xi32, #tpu.memory_space<hbm>>
      tpu.wait_dma2 semaphore(%run_scoped3A : memref<!tpu.dma_semaphore, #tpu.memory_space<semaphore_mem>>) src(%dma_wait3A_93 : memref<10000xi32, #tpu.memory_space<hbm>>) dst(%arg7 : memref<10000xi32, #tpu.memory_space<vmem>>)
      tpu.yield
    }) : () -> ()
    %mul3A_1 = arith.constant 10000 : i32
    %mul3A_2 = arith.muli %arg1, %mul3A_1 : i32
    "tpu.region"() ({
      %run_scoped3A = tpu.sem_alloc : memref<!tpu.dma_semaphore, #tpu.memory_space<semaphore_mem>>
      %dma_start3A = tpu.memref_slice %arg4[%mul3A_2] : memref<160000xi32, #tpu.memory_space<hbm>> -> memref<10000xi32, #tpu.memory_space<hbm>>
      %dma_start3A_92 = tpu.memref_slice %arg4[%mul3A_2] : memref<160000xi32, #tpu.memory_space<hbm>> -> memref<10000xi32, #tpu.memory_space<hbm>>
      tpu.enqueue_dma source(%dma_start3A_92 : memref<10000xi32, #tpu.memory_space<hbm>>) target(%arg8 : memref<10000xi32, #tpu.memory_space<vmem>>) target_semaphore(%run_scoped3A : memref<!tpu.dma_semaphore, #tpu.memory_space<semaphore_mem>>)
      %dma_wait3A = tpu.memref_slice %arg4[%mul3A_2] : memref<160000xi32, #tpu.memory_space<hbm>> -> memref<10000xi32, #tpu.memory_space<hbm>>
      %dma_wait3A_93 = tpu.memref_slice %arg4[%mul3A_2] : memref<160000xi32, #tpu.memory_space<hbm>> -> memref<10000xi32, #tpu.memory_space<hbm>>
      tpu.wait_dma2 semaphore(%run_scoped3A : memref<!tpu.dma_semaphore, #tpu.memory_space<semaphore_mem>>) src(%dma_wait3A_93 : memref<10000xi32, #tpu.memory_space<hbm>>) dst(%arg8 : memref<10000xi32, #tpu.memory_space<vmem>>)
      tpu.yield
    }) : () -> ()
    "tpu.region"() ({
      %run_scoped3A = tpu.sem_alloc : memref<!tpu.dma_semaphore, #tpu.memory_space<semaphore_mem>>
      tpu.enqueue_dma source(%arg5 : memref<16xf32, #tpu.memory_space<hbm>>) target(%arg13 : memref<16xf32, #tpu.memory_space<vmem>>) target_semaphore(%run_scoped3A : memref<!tpu.dma_semaphore, #tpu.memory_space<semaphore_mem>>)
      tpu.wait_dma2 semaphore(%run_scoped3A : memref<!tpu.dma_semaphore, #tpu.memory_space<semaphore_mem>>) src(%arg5 : memref<16xf32, #tpu.memory_space<hbm>>) dst(%arg13 : memref<16xf32, #tpu.memory_space<vmem>>)
      tpu.yield
    }) : () -> ()
    %iota3A = tpu.iota {dimensions = array<i32: 0>} : vector<16xi32>
    %lt3A = arith.constant 8 : i32
    %lt3A_3 = vector.broadcast %lt3A : i32 to vector<16xi32>
    %lt3A_4 = arith.cmpi slt, %iota3A, %lt3A_3 : vector<16xi32>
    %get3A = arith.constant 0 : index
    %get3A_5 = tpu.vector_load %arg13[%get3A] {strides = array<i32>} : memref<16xf32, #tpu.memory_space<vmem>>, vector<16xf32>,
    %jit3A = arith.constant -3.000000e+38 : f32
    %broadcast_in_dim3A = vector.broadcast %jit3A : f32 to vector<16xf32>
    %select_n3A = arith.select %lt3A_4, %get3A_5, %broadcast_in_dim3A : vector<16xi1>, vector<16xf32>
    %swap3A = arith.constant 0 : index
    %swap3A_6 = tpu.vector_load %arg14[%swap3A] {strides = array<i32>} : memref<16xf32, #tpu.memory_space<vmem>>, vector<16xf32>,
    tpu.vector_store %arg14[%swap3A], %select_n3A {strides = array<i32>} : memref<16xf32, #tpu.memory_space<vmem>>, vector<16xf32>,
    %iota3A_7 = tpu.iota {dimensions = array<i32: 0>} : vector<16xi32>
    %get3A_8 = arith.constant 0 : index
    %get3A_9 = tpu.vector_load %arg14[%get3A_8] {strides = array<i32>} : memref<16xf32, #tpu.memory_space<vmem>>, vector<16xf32>,
    %xor3A = arith.constant 8 : i32
    %xor3A_10 = vector.broadcast %xor3A : i32 to vector<16xi32>
    %xor3A_11 = arith.xori %iota3A_7, %xor3A_10 : vector<16xi32>
    %gather3A = tpu.vector_load_idx %arg14[%xor3A_11] : memref<16xf32, #tpu.memory_space<vmem>>[vector<16xi32>], vector<16xf32>,
    %max3A = arith.maximumf %get3A_9, %gather3A : vector<16xf32>
    %swap3A_12 = arith.constant 0 : index
    %swap3A_13 = tpu.vector_load %arg14[%swap3A_12] {strides = array<i32>} : memref<16xf32, #tpu.memory_space<vmem>>, vector<16xf32>,
    tpu.vector_store %arg14[%swap3A_12], %max3A {strides = array<i32>} : memref<16xf32, #tpu.memory_space<vmem>>, vector<16xf32>,
    %get3A_14 = arith.constant 0 : index
    %get3A_15 = tpu.vector_load %arg14[%get3A_14] {strides = array<i32>} : memref<16xf32, #tpu.memory_space<vmem>>, vector<16xf32>,
    %xor3A_16 = arith.constant 4 : i32
    %xor3A_17 = vector.broadcast %xor3A_16 : i32 to vector<16xi32>
    %xor3A_18 = arith.xori %iota3A_7, %xor3A_17 : vector<16xi32>
    %gather3A_19 = tpu.vector_load_idx %arg14[%xor3A_18] : memref<16xf32, #tpu.memory_space<vmem>>[vector<16xi32>], vector<16xf32>,
    %max3A_20 = arith.maximumf %get3A_15, %gather3A_19 : vector<16xf32>
    %swap3A_21 = arith.constant 0 : index
    %swap3A_22 = tpu.vector_load %arg14[%swap3A_21] {strides = array<i32>} : memref<16xf32, #tpu.memory_space<vmem>>, vector<16xf32>,
    tpu.vector_store %arg14[%swap3A_21], %max3A_20 {strides = array<i32>} : memref<16xf32, #tpu.memory_space<vmem>>, vector<16xf32>,
    %get3A_23 = arith.constant 0 : index
    %get3A_24 = tpu.vector_load %arg14[%get3A_23] {strides = array<i32>} : memref<16xf32, #tpu.memory_space<vmem>>, vector<16xf32>,
    %xor3A_25 = arith.constant 2 : i32
    %xor3A_26 = vector.broadcast %xor3A_25 : i32 to vector<16xi32>
    %xor3A_27 = arith.xori %iota3A_7, %xor3A_26 : vector<16xi32>
    %gather3A_28 = tpu.vector_load_idx %arg14[%xor3A_27] : memref<16xf32, #tpu.memory_space<vmem>>[vector<16xi32>], vector<16xf32>,
    %max3A_29 = arith.maximumf %get3A_24, %gather3A_28 : vector<16xf32>
    %swap3A_30 = arith.constant 0 : index
    %swap3A_31 = tpu.vector_load %arg14[%swap3A_30] {strides = array<i32>} : memref<16xf32, #tpu.memory_space<vmem>>, vector<16xf32>,
    tpu.vector_store %arg14[%swap3A_30], %max3A_29 {strides = array<i32>} : memref<16xf32, #tpu.memory_space<vmem>>, vector<16xf32>,
    %get3A_32 = arith.constant 0 : index
    %get3A_33 = tpu.vector_load %arg14[%get3A_32] {strides = array<i32>} : memref<16xf32, #tpu.memory_space<vmem>>, vector<16xf32>,
    %xor3A_34 = arith.constant 1 : i32
    %xor3A_35 = vector.broadcast %xor3A_34 : i32 to vector<16xi32>
    %xor3A_36 = arith.xori %iota3A_7, %xor3A_35 : vector<16xi32>
    %gather3A_37 = tpu.vector_load_idx %arg14[%xor3A_36] : memref<16xf32, #tpu.memory_space<vmem>>[vector<16xi32>], vector<16xf32>,
    %max3A_38 = arith.maximumf %get3A_33, %gather3A_37 : vector<16xf32>
    %swap3A_39 = arith.constant 0 : index
    %swap3A_40 = tpu.vector_load %arg14[%swap3A_39] {strides = array<i32>} : memref<16xf32, #tpu.memory_space<vmem>>, vector<16xf32>,
    tpu.vector_store %arg14[%swap3A_39], %max3A_38 {strides = array<i32>} : memref<16xf32, #tpu.memory_space<vmem>>, vector<16xf32>,
    %get3A_41 = arith.constant 0 : index
    %get3A_42 = tpu.vector_load %arg14[%get3A_41] {strides = array<i32>} : memref<16xf32, #tpu.memory_space<vmem>>, vector<16xf32>,
    %sub3A = arith.subf %select_n3A, %get3A_42 : vector<16xf32>
    %exp3A = math.exp %sub3A : vector<16xf32>
    %jit3A_43 = arith.constant 0.000000e+00 : f32
    %broadcast_in_dim3A_44 = vector.broadcast %jit3A_43 : f32 to vector<16xf32>
    %select_n3A_45 = arith.select %lt3A_4, %exp3A, %broadcast_in_dim3A_44 : vector<16xi1>, vector<16xf32>
    %swap3A_46 = arith.constant 0 : index
    %swap3A_47 = tpu.vector_load %arg14[%swap3A_46] {strides = array<i32>} : memref<16xf32, #tpu.memory_space<vmem>>, vector<16xf32>,
    tpu.vector_store %arg14[%swap3A_46], %select_n3A_45 {strides = array<i32>} : memref<16xf32, #tpu.memory_space<vmem>>, vector<16xf32>,
    %iota3A_48 = tpu.iota {dimensions = array<i32: 0>} : vector<16xi32>
    %get3A_49 = arith.constant 0 : index
    %get3A_50 = tpu.vector_load %arg14[%get3A_49] {strides = array<i32>} : memref<16xf32, #tpu.memory_space<vmem>>, vector<16xf32>,
    %xor3A_51 = arith.constant 8 : i32
    %xor3A_52 = vector.broadcast %xor3A_51 : i32 to vector<16xi32>
    %xor3A_53 = arith.xori %iota3A_48, %xor3A_52 : vector<16xi32>
    %gather3A_54 = tpu.vector_load_idx %arg14[%xor3A_53] : memref<16xf32, #tpu.memory_space<vmem>>[vector<16xi32>], vector<16xf32>,
    %add3A = arith.addf %get3A_50, %gather3A_54 : vector<16xf32>
    %swap3A_55 = arith.constant 0 : index
    %swap3A_56 = tpu.vector_load %arg14[%swap3A_55] {strides = array<i32>} : memref<16xf32, #tpu.memory_space<vmem>>, vector<16xf32>,
    tpu.vector_store %arg14[%swap3A_55], %add3A {strides = array<i32>} : memref<16xf32, #tpu.memory_space<vmem>>, vector<16xf32>,
    %get3A_57 = arith.constant 0 : index
    %get3A_58 = tpu.vector_load %arg14[%get3A_57] {strides = array<i32>} : memref<16xf32, #tpu.memory_space<vmem>>, vector<16xf32>,
    %xor3A_59 = arith.constant 4 : i32
    %xor3A_60 = vector.broadcast %xor3A_59 : i32 to vector<16xi32>
    %xor3A_61 = arith.xori %iota3A_48, %xor3A_60 : vector<16xi32>
    %gather3A_62 = tpu.vector_load_idx %arg14[%xor3A_61] : memref<16xf32, #tpu.memory_space<vmem>>[vector<16xi32>], vector<16xf32>,
    %add3A_63 = arith.addf %get3A_58, %gather3A_62 : vector<16xf32>
    %swap3A_64 = arith.constant 0 : index
    %swap3A_65 = tpu.vector_load %arg14[%swap3A_64] {strides = array<i32>} : memref<16xf32, #tpu.memory_space<vmem>>, vector<16xf32>,
    tpu.vector_store %arg14[%swap3A_64], %add3A_63 {strides = array<i32>} : memref<16xf32, #tpu.memory_space<vmem>>, vector<16xf32>,
    %get3A_66 = arith.constant 0 : index
    %get3A_67 = tpu.vector_load %arg14[%get3A_66] {strides = array<i32>} : memref<16xf32, #tpu.memory_space<vmem>>, vector<16xf32>,
    %xor3A_68 = arith.constant 2 : i32
    %xor3A_69 = vector.broadcast %xor3A_68 : i32 to vector<16xi32>
    %xor3A_70 = arith.xori %iota3A_48, %xor3A_69 : vector<16xi32>
    %gather3A_71 = tpu.vector_load_idx %arg14[%xor3A_70] : memref<16xf32, #tpu.memory_space<vmem>>[vector<16xi32>], vector<16xf32>,
    %add3A_72 = arith.addf %get3A_67, %gather3A_71 : vector<16xf32>
    %swap3A_73 = arith.constant 0 : index
    %swap3A_74 = tpu.vector_load %arg14[%swap3A_73] {strides = array<i32>} : memref<16xf32, #tpu.memory_space<vmem>>, vector<16xf32>,
    tpu.vector_store %arg14[%swap3A_73], %add3A_72 {strides = array<i32>} : memref<16xf32, #tpu.memory_space<vmem>>, vector<16xf32>,
    %get3A_75 = arith.constant 0 : index
    %get3A_76 = tpu.vector_load %arg14[%get3A_75] {strides = array<i32>} : memref<16xf32, #tpu.memory_space<vmem>>, vector<16xf32>,
    %xor3A_77 = arith.constant 1 : i32
    %xor3A_78 = vector.broadcast %xor3A_77 : i32 to vector<16xi32>
    %xor3A_79 = arith.xori %iota3A_48, %xor3A_78 : vector<16xi32>
    %gather3A_80 = tpu.vector_load_idx %arg14[%xor3A_79] : memref<16xf32, #tpu.memory_space<vmem>>[vector<16xi32>], vector<16xf32>,
    %add3A_81 = arith.addf %get3A_76, %gather3A_80 : vector<16xf32>
    %swap3A_82 = arith.constant 0 : index
    %swap3A_83 = tpu.vector_load %arg14[%swap3A_82] {strides = array<i32>} : memref<16xf32, #tpu.memory_space<vmem>>, vector<16xf32>,
    tpu.vector_store %arg14[%swap3A_82], %add3A_81 {strides = array<i32>} : memref<16xf32, #tpu.memory_space<vmem>>, vector<16xf32>,
    %get3A_84 = arith.constant 0 : index
    %get3A_85 = tpu.vector_load %arg14[%get3A_84] {strides = array<i32>} : memref<16xf32, #tpu.memory_space<vmem>>, vector<16xf32>,
    %scan3A = arith.constant 0 : i32
    %scan3A_86 = arith.constant 0 : i32
    %scan3A_87 = arith.constant 4 : i32
    %scan3A_88 = arith.addi %scan3A_86, %scan3A_87 : i32
    %scan3A_89 = arith.constant 1 : i32
    %scan3A_90 = scf.for %scan3A_92 = %scan3A_86 to %scan3A_88 step %scan3A_89 iter_args(%scan3A_93 = %scan3A) -> (i32)  : i32 {
      %mul3A_94 = arith.constant 2 : i32
      %mul3A_95 = arith.muli %mul3A_94, %scan3A_92 : i32
      %add3A_96 = arith.addi %mul3A_95, %arg0 : i32
      %mul3A_97 = arith.constant 10240 : i32
      %mul3A_98 = arith.muli %add3A_96, %mul3A_97 : i32
      "tpu.region"() ({
        %run_scoped3A = tpu.sem_alloc : memref<!tpu.dma_semaphore, #tpu.memory_space<semaphore_mem>>
        %dma_start3A = tpu.memref_slice %arg2[%mul3A_98] : memref<163840xf32, #tpu.memory_space<hbm>> -> memref<10240xf32, #tpu.memory_space<hbm>>
        %dma_start3A_356 = tpu.memref_slice %arg2[%mul3A_98] : memref<163840xf32, #tpu.memory_space<hbm>> -> memref<10240xf32, #tpu.memory_space<hbm>>
        tpu.enqueue_dma source(%dma_start3A_356 : memref<10240xf32, #tpu.memory_space<hbm>>) target(%arg9 : memref<10240xf32, #tpu.memory_space<vmem>>) target_semaphore(%run_scoped3A : memref<!tpu.dma_semaphore, #tpu.memory_space<semaphore_mem>>)
        %dma_wait3A = tpu.memref_slice %arg2[%mul3A_98] : memref<163840xf32, #tpu.memory_space<hbm>> -> memref<10240xf32, #tpu.memory_space<hbm>>
        %dma_wait3A_357 = tpu.memref_slice %arg2[%mul3A_98] : memref<163840xf32, #tpu.memory_space<hbm>> -> memref<10240xf32, #tpu.memory_space<hbm>>
        tpu.wait_dma2 semaphore(%run_scoped3A : memref<!tpu.dma_semaphore, #tpu.memory_space<semaphore_mem>>) src(%dma_wait3A_357 : memref<10240xf32, #tpu.memory_space<hbm>>) dst(%arg9 : memref<10240xf32, #tpu.memory_space<vmem>>)
        tpu.yield
      }) : () -> ()
      %add3A_99 = arith.constant 8 : i32
      %add3A_100 = arith.addi %add3A_96, %add3A_99 : i32
      %mul3A_101 = arith.constant 10240 : i32
      %mul3A_102 = arith.muli %add3A_100, %mul3A_101 : i32
      "tpu.region"() ({
        %run_scoped3A = tpu.sem_alloc : memref<!tpu.dma_semaphore, #tpu.memory_space<semaphore_mem>>
        %dma_start3A = tpu.memref_slice %arg2[%mul3A_102] : memref<163840xf32, #tpu.memory_space<hbm>> -> memref<10240xf32, #tpu.memory_space<hbm>>
        %dma_start3A_356 = tpu.memref_slice %arg2[%mul3A_102] : memref<163840xf32, #tpu.memory_space<hbm>> -> memref<10240xf32, #tpu.memory_space<hbm>>
        tpu.enqueue_dma source(%dma_start3A_356 : memref<10240xf32, #tpu.memory_space<hbm>>) target(%arg10 : memref<10240xf32, #tpu.memory_space<vmem>>) target_semaphore(%run_scoped3A : memref<!tpu.dma_semaphore, #tpu.memory_space<semaphore_mem>>)
        %dma_wait3A = tpu.memref_slice %arg2[%mul3A_102] : memref<163840xf32, #tpu.memory_space<hbm>> -> memref<10240xf32, #tpu.memory_space<hbm>>
        %dma_wait3A_357 = tpu.memref_slice %arg2[%mul3A_102] : memref<163840xf32, #tpu.memory_space<hbm>> -> memref<10240xf32, #tpu.memory_space<hbm>>
        tpu.wait_dma2 semaphore(%run_scoped3A : memref<!tpu.dma_semaphore, #tpu.memory_space<semaphore_mem>>) src(%dma_wait3A_357 : memref<10240xf32, #tpu.memory_space<hbm>>) dst(%arg10 : memref<10240xf32, #tpu.memory_space<vmem>>)
        tpu.yield
      }) : () -> ()
      %broadcast_in_dim3A_103 = arith.constant -3.000000e+38 : f32
      %broadcast_in_dim3A_104 = vector.broadcast %broadcast_in_dim3A_103 : f32 to vector<16xf32>
      %parallel_loop3A = arith.constant 0 : i32
      %parallel_loop3A_105 = arith.constant 625 : i32
      %parallel_loop3A_106 = arith.constant 1 : i32
      %parallel_loop3A_107 = scf.for %parallel_loop3A_356 = %parallel_loop3A to %parallel_loop3A_105 step %parallel_loop3A_106 iter_args(%parallel_loop3A_357 = %broadcast_in_dim3A_104) -> (vector<16xf32>)  : i32 {
        %parallel_loop3A_358 = arith.constant 16 : i32
        %parallel_loop3A_359 = arith.muli %parallel_loop3A_356, %parallel_loop3A_358 : i32
        %parallel_loop3A_360 = arith.index_cast %parallel_loop3A_359 : i32 to index
        %parallel_loop3A_361 = tpu.vector_load %arg7[%parallel_loop3A_360] {strides = array<i32>} : memref<10000xi32, #tpu.memory_space<vmem>>, vector<16xi32>,
        %parallel_loop3A_362 = arith.constant 16 : i32
        %parallel_loop3A_363 = arith.muli %parallel_loop3A_356, %parallel_loop3A_362 : i32
        %parallel_loop3A_364 = arith.index_cast %parallel_loop3A_363 : i32 to index
        %parallel_loop3A_365 = tpu.vector_load %arg8[%parallel_loop3A_364] {strides = array<i32>} : memref<10000xi32, #tpu.memory_space<vmem>>, vector<16xi32>,
        %parallel_loop3A_366 = tpu.vector_load_idx %arg9[%parallel_loop3A_361] : memref<10240xf32, #tpu.memory_space<vmem>>[vector<16xi32>], vector<16xf32>,
        %parallel_loop3A_367 = tpu.vector_load_idx %arg10[%parallel_loop3A_365] : memref<10240xf32, #tpu.memory_space<vmem>>[vector<16xi32>], vector<16xf32>,
        %parallel_loop3A_368 = arith.addf %parallel_loop3A_366, %parallel_loop3A_367 : vector<16xf32>
        %parallel_loop3A_369 = arith.constant 0.00999999977 : f32
        %parallel_loop3A_370 = vector.broadcast %parallel_loop3A_369 : f32 to vector<16xf32>
        %parallel_loop3A_371 = arith.mulf %parallel_loop3A_370, %parallel_loop3A_368 : vector<16xf32>
        %parallel_loop3A_372 = arith.maximumf %parallel_loop3A_368, %parallel_loop3A_371 : vector<16xf32>
        %parallel_loop3A_373 = arith.constant 16 : i32
        %parallel_loop3A_374 = arith.muli %parallel_loop3A_356, %parallel_loop3A_373 : i32
        %parallel_loop3A_375 = arith.index_cast %parallel_loop3A_374 : i32 to index
        %parallel_loop3A_376 = tpu.vector_load %arg11[%parallel_loop3A_375] {strides = array<i32>} : memref<10000xf32, #tpu.memory_space<vmem>>, vector<16xf32>,
        tpu.vector_store %arg11[%parallel_loop3A_375], %parallel_loop3A_372 {strides = array<i32>} : memref<10000xf32, #tpu.memory_space<vmem>>, vector<16xf32>,
        %parallel_loop3A_377 = arith.maximumf %parallel_loop3A_357, %parallel_loop3A_372 : vector<16xf32>
        scf.yield %parallel_loop3A_377 : vector<16xf32>
      } {sc.loop_unroll_factor = 4 : i64, sc.parallel_access}
      %swap3A_108 = arith.constant 0 : index
      %swap3A_109 = tpu.vector_load %arg14[%swap3A_108] {strides = array<i32>} : memref<16xf32, #tpu.memory_space<vmem>>, vector<16xf32>,
      tpu.vector_store %arg14[%swap3A_108], %parallel_loop3A_107 {strides = array<i32>} : memref<16xf32, #tpu.memory_space<vmem>>, vector<16xf32>,
      %mul3A_110 = arith.constant 16 : i32
      %mul3A_111 = arith.muli %arg1, %mul3A_110 : i32
      "tpu.region"() ({
        %run_scoped3A = tpu.sem_alloc : memref<!tpu.dma_semaphore, #tpu.memory_space<semaphore_mem>>
        %dma_start3A = tpu.memref_slice %arg15[%mul3A_111] : memref<256xf32, #tpu.memory_space<vmem_shared>> -> memref<16xf32, #tpu.memory_space<vmem_shared>>
        %dma_start3A_356 = tpu.memref_slice %arg15[%mul3A_111] : memref<256xf32, #tpu.memory_space<vmem_shared>> -> memref<16xf32, #tpu.memory_space<vmem_shared>>
        tpu.enqueue_dma source(%arg14 : memref<16xf32, #tpu.memory_space<vmem>>) target(%dma_start3A_356 : memref<16xf32, #tpu.memory_space<vmem_shared>>) target_semaphore(%run_scoped3A : memref<!tpu.dma_semaphore, #tpu.memory_space<semaphore_mem>>)
        %dma_wait3A = tpu.memref_slice %arg15[%mul3A_111] : memref<256xf32, #tpu.memory_space<vmem_shared>> -> memref<16xf32, #tpu.memory_space<vmem_shared>>
        %dma_wait3A_357 = tpu.memref_slice %arg15[%mul3A_111] : memref<256xf32, #tpu.memory_space<vmem_shared>> -> memref<16xf32, #tpu.memory_space<vmem_shared>>
        tpu.wait_dma2 semaphore(%run_scoped3A : memref<!tpu.dma_semaphore, #tpu.memory_space<semaphore_mem>>) src(%arg14 : memref<16xf32, #tpu.memory_space<vmem>>) dst(%dma_wait3A_357 : memref<16xf32, #tpu.memory_space<vmem_shared>>)
        tpu.yield
      }) : () -> ()
      %barrier3A = arith.constant 0 : index
      tpu.barrier barrier_id(%barrier3A)
      "tpu.region"() ({
        %run_scoped3A = tpu.sem_alloc : memref<!tpu.dma_semaphore, #tpu.memory_space<semaphore_mem>>
        tpu.enqueue_dma source(%arg15 : memref<256xf32, #tpu.memory_space<vmem_shared>>) target(%arg12 : memref<256xf32, #tpu.memory_space<vmem>>) target_semaphore(%run_scoped3A : memref<!tpu.dma_semaphore, #tpu.memory_space<semaphore_mem>>)
        tpu.wait_dma2 semaphore(%run_scoped3A : memref<!tpu.dma_semaphore, #tpu.memory_space<semaphore_mem>>) src(%arg15 : memref<256xf32, #tpu.memory_space<vmem_shared>>) dst(%arg12 : memref<256xf32, #tpu.memory_space<vmem>>)
        tpu.yield
      }) : () -> ()
      %get3A_112 = arith.constant 0 : index
      %get3A_113 = tpu.vector_load %arg12[%get3A_112] {strides = array<i32>} : memref<256xf32, #tpu.memory_space<vmem>>, vector<16xf32>,
      %get3A_114 = arith.constant 16 : index
      %get3A_115 = tpu.vector_load %arg12[%get3A_114] {strides = array<i32>} : memref<256xf32, #tpu.memory_space<vmem>>, vector<16xf32>,
      %max3A_116 = arith.maximumf %get3A_113, %get3A_115 : vector<16xf32>
      %get3A_117 = arith.constant 32 : index
      %get3A_118 = tpu.vector_load %arg12[%get3A_117] {strides = array<i32>} : memref<256xf32, #tpu.memory_space<vmem>>, vector<16xf32>,
      %max3A_119 = arith.maximumf %max3A_116, %get3A_118 : vector<16xf32>
      %get3A_120 = arith.constant 48 : index
      %get3A_121 = tpu.vector_load %arg12[%get3A_120] {strides = array<i32>} : memref<256xf32, #tpu.memory_space<vmem>>, vector<16xf32>,
      %max3A_122 = arith.maximumf %max3A_119, %get3A_121 : vector<16xf32>
      %get3A_123 = arith.constant 64 : index
      %get3A_124 = tpu.vector_load %arg12[%get3A_123] {strides = array<i32>} : memref<256xf32, #tpu.memory_space<vmem>>, vector<16xf32>,
      %max3A_125 = arith.maximumf %max3A_122, %get3A_124 : vector<16xf32>
      %get3A_126 = arith.constant 80 : index
      %get3A_127 = tpu.vector_load %arg12[%get3A_126] {strides = array<i32>} : memref<256xf32, #tpu.memory_space<vmem>>, vector<16xf32>,
      %max3A_128 = arith.maximumf %max3A_125, %get3A_127 : vector<16xf32>
      %get3A_129 = arith.constant 96 : index
      %get3A_130 = tpu.vector_load %arg12[%get3A_129] {strides = array<i32>} : memref<256xf32, #tpu.memory_space<vmem>>, vector<16xf32>,
      %max3A_131 = arith.maximumf %max3A_128, %get3A_130 : vector<16xf32>
      %get3A_132 = arith.constant 112 : index
      %get3A_133 = tpu.vector_load %arg12[%get3A_132] {strides = array<i32>} : memref<256xf32, #tpu.memory_space<vmem>>, vector<16xf32>,
      %max3A_134 = arith.maximumf %max3A_131, %get3A_133 : vector<16xf32>
      %get3A_135 = arith.constant 128 : index
      %get3A_136 = tpu.vector_load %arg12[%get3A_135] {strides = array<i32>} : memref<256xf32, #tpu.memory_space<vmem>>, vector<16xf32>,
      %max3A_137 = arith.maximumf %max3A_134, %get3A_136 : vector<16xf32>
      %get3A_138 = arith.constant 144 : index
      %get3A_139 = tpu.vector_load %arg12[%get3A_138] {strides = array<i32>} : memref<256xf32, #tpu.memory_space<vmem>>, vector<16xf32>,
      %max3A_140 = arith.maximumf %max3A_137, %get3A_139 : vector<16xf32>
      %get3A_141 = arith.constant 160 : index
      %get3A_142 = tpu.vector_load %arg12[%get3A_141] {strides = array<i32>} : memref<256xf32, #tpu.memory_space<vmem>>, vector<16xf32>,
      %max3A_143 = arith.maximumf %max3A_140, %get3A_142 : vector<16xf32>
      %get3A_144 = arith.constant 176 : index
      %get3A_145 = tpu.vector_load %arg12[%get3A_144] {strides = array<i32>} : memref<256xf32, #tpu.memory_space<vmem>>, vector<16xf32>,
      %max3A_146 = arith.maximumf %max3A_143, %get3A_145 : vector<16xf32>
      %get3A_147 = arith.constant 192 : index
      %get3A_148 = tpu.vector_load %arg12[%get3A_147] {strides = array<i32>} : memref<256xf32, #tpu.memory_space<vmem>>, vector<16xf32>,
      %max3A_149 = arith.maximumf %max3A_146, %get3A_148 : vector<16xf32>
      %get3A_150 = arith.constant 208 : index
      %get3A_151 = tpu.vector_load %arg12[%get3A_150] {strides = array<i32>} : memref<256xf32, #tpu.memory_space<vmem>>, vector<16xf32>,
      %max3A_152 = arith.maximumf %max3A_149, %get3A_151 : vector<16xf32>
      %get3A_153 = arith.constant 224 : index
      %get3A_154 = tpu.vector_load %arg12[%get3A_153] {strides = array<i32>} : memref<256xf32, #tpu.memory_space<vmem>>, vector<16xf32>,
      %max3A_155 = arith.maximumf %max3A_152, %get3A_154 : vector<16xf32>
      %get3A_156 = arith.constant 240 : index
      %get3A_157 = tpu.vector_load %arg12[%get3A_156] {strides = array<i32>} : memref<256xf32, #tpu.memory_space<vmem>>, vector<16xf32>,
      %max3A_158 = arith.maximumf %max3A_155, %get3A_157 : vector<16xf32>
      %swap3A_159 = arith.constant 0 : index
      %swap3A_160 = tpu.vector_load %arg14[%swap3A_159] {strides = array<i32>} : memref<16xf32, #tpu.memory_space<vmem>>, vector<16xf32>,
      tpu.vector_store %arg14[%swap3A_159], %max3A_158 {strides = array<i32>} : memref<16xf32, #tpu.memory_space<vmem>>, vector<16xf32>,
      %iota3A_161 = tpu.iota {dimensions = array<i32: 0>} : vector<16xi32>
      %get3A_162 = arith.constant 0 : index
      %get3A_163 = tpu.vector_load %arg14[%get3A_162] {strides = array<i32>} : memref<16xf32, #tpu.memory_space<vmem>>, vector<16xf32>,
      %xor3A_164 = arith.constant 8 : i32
      %xor3A_165 = vector.broadcast %xor3A_164 : i32 to vector<16xi32>
      %xor3A_166 = arith.xori %iota3A_161, %xor3A_165 : vector<16xi32>
      %gather3A_167 = tpu.vector_load_idx %arg14[%xor3A_166] : memref<16xf32, #tpu.memory_space<vmem>>[vector<16xi32>], vector<16xf32>,
      %max3A_168 = arith.maximumf %get3A_163, %gather3A_167 : vector<16xf32>
      %swap3A_169 = arith.constant 0 : index
      %swap3A_170 = tpu.vector_load %arg14[%swap3A_169] {strides = array<i32>} : memref<16xf32, #tpu.memory_space<vmem>>, vector<16xf32>,
      tpu.vector_store %arg14[%swap3A_169], %max3A_168 {strides = array<i32>} : memref<16xf32, #tpu.memory_space<vmem>>, vector<16xf32>,
      %get3A_171 = arith.constant 0 : index
      %get3A_172 = tpu.vector_load %arg14[%get3A_171] {strides = array<i32>} : memref<16xf32, #tpu.memory_space<vmem>>, vector<16xf32>,
      %xor3A_173 = arith.constant 4 : i32
      %xor3A_174 = vector.broadcast %xor3A_173 : i32 to vector<16xi32>
      %xor3A_175 = arith.xori %iota3A_161, %xor3A_174 : vector<16xi32>
      %gather3A_176 = tpu.vector_load_idx %arg14[%xor3A_175] : memref<16xf32, #tpu.memory_space<vmem>>[vector<16xi32>], vector<16xf32>,
      %max3A_177 = arith.maximumf %get3A_172, %gather3A_176 : vector<16xf32>
      %swap3A_178 = arith.constant 0 : index
      %swap3A_179 = tpu.vector_load %arg14[%swap3A_178] {strides = array<i32>} : memref<16xf32, #tpu.memory_space<vmem>>, vector<16xf32>,
      tpu.vector_store %arg14[%swap3A_178], %max3A_177 {strides = array<i32>} : memref<16xf32, #tpu.memory_space<vmem>>, vector<16xf32>,
      %get3A_180 = arith.constant 0 : index
      %get3A_181 = tpu.vector_load %arg14[%get3A_180] {strides = array<i32>} : memref<16xf32, #tpu.memory_space<vmem>>, vector<16xf32>,
      %xor3A_182 = arith.constant 2 : i32
      %xor3A_183 = vector.broadcast %xor3A_182 : i32 to vector<16xi32>
      %xor3A_184 = arith.xori %iota3A_161, %xor3A_183 : vector<16xi32>
      %gather3A_185 = tpu.vector_load_idx %arg14[%xor3A_184] : memref<16xf32, #tpu.memory_space<vmem>>[vector<16xi32>], vector<16xf32>,
      %max3A_186 = arith.maximumf %get3A_181, %gather3A_185 : vector<16xf32>
      %swap3A_187 = arith.constant 0 : index
      %swap3A_188 = tpu.vector_load %arg14[%swap3A_187] {strides = array<i32>} : memref<16xf32, #tpu.memory_space<vmem>>, vector<16xf32>,
      tpu.vector_store %arg14[%swap3A_187], %max3A_186 {strides = array<i32>} : memref<16xf32, #tpu.memory_space<vmem>>, vector<16xf32>,
      %get3A_189 = arith.constant 0 : index
      %get3A_190 = tpu.vector_load %arg14[%get3A_189] {strides = array<i32>} : memref<16xf32, #tpu.memory_space<vmem>>, vector<16xf32>,
      %xor3A_191 = arith.constant 1 : i32
      %xor3A_192 = vector.broadcast %xor3A_191 : i32 to vector<16xi32>
      %xor3A_193 = arith.xori %iota3A_161, %xor3A_192 : vector<16xi32>
      %gather3A_194 = tpu.vector_load_idx %arg14[%xor3A_193] : memref<16xf32, #tpu.memory_space<vmem>>[vector<16xi32>], vector<16xf32>,
      %max3A_195 = arith.maximumf %get3A_190, %gather3A_194 : vector<16xf32>
      %swap3A_196 = arith.constant 0 : index
      %swap3A_197 = tpu.vector_load %arg14[%swap3A_196] {strides = array<i32>} : memref<16xf32, #tpu.memory_space<vmem>>, vector<16xf32>,
      tpu.vector_store %arg14[%swap3A_196], %max3A_195 {strides = array<i32>} : memref<16xf32, #tpu.memory_space<vmem>>, vector<16xf32>,
      %get3A_198 = arith.constant 0 : index
      %get3A_199 = tpu.vector_load %arg14[%get3A_198] {strides = array<i32>} : memref<16xf32, #tpu.memory_space<vmem>>, vector<16xf32>,
      %barrier3A_200 = arith.constant 0 : index
      tpu.barrier barrier_id(%barrier3A_200)
      %broadcast_in_dim3A_201 = arith.constant 0.000000e+00 : f32
      %broadcast_in_dim3A_202 = vector.broadcast %broadcast_in_dim3A_201 : f32 to vector<16xf32>
      %parallel_loop3A_203 = arith.constant 0 : i32
      %parallel_loop3A_204 = arith.constant 625 : i32
      %parallel_loop3A_205 = arith.constant 1 : i32
      %parallel_loop3A_206 = scf.for %parallel_loop3A_356 = %parallel_loop3A_203 to %parallel_loop3A_204 step %parallel_loop3A_205 iter_args(%parallel_loop3A_357 = %broadcast_in_dim3A_202) -> (vector<16xf32>)  : i32 {
        %parallel_loop3A_358 = arith.constant 16 : i32
        %parallel_loop3A_359 = arith.muli %parallel_loop3A_356, %parallel_loop3A_358 : i32
        %parallel_loop3A_360 = arith.index_cast %parallel_loop3A_359 : i32 to index
        %parallel_loop3A_361 = tpu.vector_load %arg11[%parallel_loop3A_360] {strides = array<i32>} : memref<10000xf32, #tpu.memory_space<vmem>>, vector<16xf32>,
        %parallel_loop3A_362 = arith.subf %parallel_loop3A_361, %get3A_199 : vector<16xf32>
        %parallel_loop3A_363 = math.exp %parallel_loop3A_362 : vector<16xf32>
        %parallel_loop3A_364 = arith.constant 16 : i32
        %parallel_loop3A_365 = arith.muli %parallel_loop3A_356, %parallel_loop3A_364 : i32
        %parallel_loop3A_366 = arith.index_cast %parallel_loop3A_365 : i32 to index
        %parallel_loop3A_367 = tpu.vector_load %arg11[%parallel_loop3A_366] {strides = array<i32>} : memref<10000xf32, #tpu.memory_space<vmem>>, vector<16xf32>,
        tpu.vector_store %arg11[%parallel_loop3A_366], %parallel_loop3A_363 {strides = array<i32>} : memref<10000xf32, #tpu.memory_space<vmem>>, vector<16xf32>,
        %parallel_loop3A_368 = arith.addf %parallel_loop3A_357, %parallel_loop3A_363 : vector<16xf32>
        scf.yield %parallel_loop3A_368 : vector<16xf32>
      } {sc.loop_unroll_factor = 4 : i64, sc.parallel_access}
      %swap3A_207 = arith.constant 0 : index
      %swap3A_208 = tpu.vector_load %arg14[%swap3A_207] {strides = array<i32>} : memref<16xf32, #tpu.memory_space<vmem>>, vector<16xf32>,
      tpu.vector_store %arg14[%swap3A_207], %parallel_loop3A_206 {strides = array<i32>} : memref<16xf32, #tpu.memory_space<vmem>>, vector<16xf32>,
      %mul3A_209 = arith.constant 16 : i32
      %mul3A_210 = arith.muli %arg1, %mul3A_209 : i32
      "tpu.region"() ({
        %run_scoped3A = tpu.sem_alloc : memref<!tpu.dma_semaphore, #tpu.memory_space<semaphore_mem>>
        %dma_start3A = tpu.memref_slice %arg16[%mul3A_210] : memref<256xf32, #tpu.memory_space<vmem_shared>> -> memref<16xf32, #tpu.memory_space<vmem_shared>>
        %dma_start3A_356 = tpu.memref_slice %arg16[%mul3A_210] : memref<256xf32, #tpu.memory_space<vmem_shared>> -> memref<16xf32, #tpu.memory_space<vmem_shared>>
        tpu.enqueue_dma source(%arg14 : memref<16xf32, #tpu.memory_space<vmem>>) target(%dma_start3A_356 : memref<16xf32, #tpu.memory_space<vmem_shared>>) target_semaphore(%run_scoped3A : memref<!tpu.dma_semaphore, #tpu.memory_space<semaphore_mem>>)
        %dma_wait3A = tpu.memref_slice %arg16[%mul3A_210] : memref<256xf32, #tpu.memory_space<vmem_shared>> -> memref<16xf32, #tpu.memory_space<vmem_shared>>
        %dma_wait3A_357 = tpu.memref_slice %arg16[%mul3A_210] : memref<256xf32, #tpu.memory_space<vmem_shared>> -> memref<16xf32, #tpu.memory_space<vmem_shared>>
        tpu.wait_dma2 semaphore(%run_scoped3A : memref<!tpu.dma_semaphore, #tpu.memory_space<semaphore_mem>>) src(%arg14 : memref<16xf32, #tpu.memory_space<vmem>>) dst(%dma_wait3A_357 : memref<16xf32, #tpu.memory_space<vmem_shared>>)
        tpu.yield
      }) : () -> ()
      %barrier3A_211 = arith.constant 0 : index
      tpu.barrier barrier_id(%barrier3A_211)
      "tpu.region"() ({
        %run_scoped3A = tpu.sem_alloc : memref<!tpu.dma_semaphore, #tpu.memory_space<semaphore_mem>>
        tpu.enqueue_dma source(%arg16 : memref<256xf32, #tpu.memory_space<vmem_shared>>) target(%arg12 : memref<256xf32, #tpu.memory_space<vmem>>) target_semaphore(%run_scoped3A : memref<!tpu.dma_semaphore, #tpu.memory_space<semaphore_mem>>)
        tpu.wait_dma2 semaphore(%run_scoped3A : memref<!tpu.dma_semaphore, #tpu.memory_space<semaphore_mem>>) src(%arg16 : memref<256xf32, #tpu.memory_space<vmem_shared>>) dst(%arg12 : memref<256xf32, #tpu.memory_space<vmem>>)
        tpu.yield
      }) : () -> ()
      %get3A_212 = arith.constant 0 : index
      %get3A_213 = tpu.vector_load %arg12[%get3A_212] {strides = array<i32>} : memref<256xf32, #tpu.memory_space<vmem>>, vector<16xf32>,
      %get3A_214 = arith.constant 16 : index
      %get3A_215 = tpu.vector_load %arg12[%get3A_214] {strides = array<i32>} : memref<256xf32, #tpu.memory_space<vmem>>, vector<16xf32>,
      %add3A_216 = arith.addf %get3A_213, %get3A_215 : vector<16xf32>
      %get3A_217 = arith.constant 32 : index
      %get3A_218 = tpu.vector_load %arg12[%get3A_217] {strides = array<i32>} : memref<256xf32, #tpu.memory_space<vmem>>, vector<16xf32>,
      %add3A_219 = arith.addf %add3A_216, %get3A_218 : vector<16xf32>
      %get3A_220 = arith.constant 48 : index
      %get3A_221 = tpu.vector_load %arg12[%get3A_220] {strides = array<i32>} : memref<256xf32, #tpu.memory_space<vmem>>, vector<16xf32>,
      %add3A_222 = arith.addf %add3A_219, %get3A_221 : vector<16xf32>
      %get3A_223 = arith.constant 64 : index
      %get3A_224 = tpu.vector_load %arg12[%get3A_223] {strides = array<i32>} : memref<256xf32, #tpu.memory_space<vmem>>, vector<16xf32>,
      %add3A_225 = arith.addf %add3A_222, %get3A_224 : vector<16xf32>
      %get3A_226 = arith.constant 80 : index
      %get3A_227 = tpu.vector_load %arg12[%get3A_226] {strides = array<i32>} : memref<256xf32, #tpu.memory_space<vmem>>, vector<16xf32>,
      %add3A_228 = arith.addf %add3A_225, %get3A_227 : vector<16xf32>
      %get3A_229 = arith.constant 96 : index
      %get3A_230 = tpu.vector_load %arg12[%get3A_229] {strides = array<i32>} : memref<256xf32, #tpu.memory_space<vmem>>, vector<16xf32>,
      %add3A_231 = arith.addf %add3A_228, %get3A_230 : vector<16xf32>
      %get3A_232 = arith.constant 112 : index
      %get3A_233 = tpu.vector_load %arg12[%get3A_232] {strides = array<i32>} : memref<256xf32, #tpu.memory_space<vmem>>, vector<16xf32>,
      %add3A_234 = arith.addf %add3A_231, %get3A_233 : vector<16xf32>
      %get3A_235 = arith.constant 128 : index
      %get3A_236 = tpu.vector_load %arg12[%get3A_235] {strides = array<i32>} : memref<256xf32, #tpu.memory_space<vmem>>, vector<16xf32>,
      %add3A_237 = arith.addf %add3A_234, %get3A_236 : vector<16xf32>
      %get3A_238 = arith.constant 144 : index
      %get3A_239 = tpu.vector_load %arg12[%get3A_238] {strides = array<i32>} : memref<256xf32, #tpu.memory_space<vmem>>, vector<16xf32>,
      %add3A_240 = arith.addf %add3A_237, %get3A_239 : vector<16xf32>
      %get3A_241 = arith.constant 160 : index
      %get3A_242 = tpu.vector_load %arg12[%get3A_241] {strides = array<i32>} : memref<256xf32, #tpu.memory_space<vmem>>, vector<16xf32>,
      %add3A_243 = arith.addf %add3A_240, %get3A_242 : vector<16xf32>
      %get3A_244 = arith.constant 176 : index
      %get3A_245 = tpu.vector_load %arg12[%get3A_244] {strides = array<i32>} : memref<256xf32, #tpu.memory_space<vmem>>, vector<16xf32>,
      %add3A_246 = arith.addf %add3A_243, %get3A_245 : vector<16xf32>
      %get3A_247 = arith.constant 192 : index
      %get3A_248 = tpu.vector_load %arg12[%get3A_247] {strides = array<i32>} : memref<256xf32, #tpu.memory_space<vmem>>, vector<16xf32>,
      %add3A_249 = arith.addf %add3A_246, %get3A_248 : vector<16xf32>
      %get3A_250 = arith.constant 208 : index
      %get3A_251 = tpu.vector_load %arg12[%get3A_250] {strides = array<i32>} : memref<256xf32, #tpu.memory_space<vmem>>, vector<16xf32>,
      %add3A_252 = arith.addf %add3A_249, %get3A_251 : vector<16xf32>
      %get3A_253 = arith.constant 224 : index
      %get3A_254 = tpu.vector_load %arg12[%get3A_253] {strides = array<i32>} : memref<256xf32, #tpu.memory_space<vmem>>, vector<16xf32>,
      %add3A_255 = arith.addf %add3A_252, %get3A_254 : vector<16xf32>
      %get3A_256 = arith.constant 240 : index
      %get3A_257 = tpu.vector_load %arg12[%get3A_256] {strides = array<i32>} : memref<256xf32, #tpu.memory_space<vmem>>, vector<16xf32>,
      %add3A_258 = arith.addf %add3A_255, %get3A_257 : vector<16xf32>
      %swap3A_259 = arith.constant 0 : index
      %swap3A_260 = tpu.vector_load %arg14[%swap3A_259] {strides = array<i32>} : memref<16xf32, #tpu.memory_space<vmem>>, vector<16xf32>,
      tpu.vector_store %arg14[%swap3A_259], %add3A_258 {strides = array<i32>} : memref<16xf32, #tpu.memory_space<vmem>>, vector<16xf32>,
      %iota3A_261 = tpu.iota {dimensions = array<i32: 0>} : vector<16xi32>
      %get3A_262 = arith.constant 0 : index
      %get3A_263 = tpu.vector_load %arg14[%get3A_262] {strides = array<i32>} : memref<16xf32, #tpu.memory_space<vmem>>, vector<16xf32>,
      %xor3A_264 = arith.constant 8 : i32
      %xor3A_265 = vector.broadcast %xor3A_264 : i32 to vector<16xi32>
      %xor3A_266 = arith.xori %iota3A_261, %xor3A_265 : vector<16xi32>
      %gather3A_267 = tpu.vector_load_idx %arg14[%xor3A_266] : memref<16xf32, #tpu.memory_space<vmem>>[vector<16xi32>], vector<16xf32>,
      %add3A_268 = arith.addf %get3A_263, %gather3A_267 : vector<16xf32>
      %swap3A_269 = arith.constant 0 : index
      %swap3A_270 = tpu.vector_load %arg14[%swap3A_269] {strides = array<i32>} : memref<16xf32, #tpu.memory_space<vmem>>, vector<16xf32>,
      tpu.vector_store %arg14[%swap3A_269], %add3A_268 {strides = array<i32>} : memref<16xf32, #tpu.memory_space<vmem>>, vector<16xf32>,
      %get3A_271 = arith.constant 0 : index
      %get3A_272 = tpu.vector_load %arg14[%get3A_271] {strides = array<i32>} : memref<16xf32, #tpu.memory_space<vmem>>, vector<16xf32>,
      %xor3A_273 = arith.constant 4 : i32
      %xor3A_274 = vector.broadcast %xor3A_273 : i32 to vector<16xi32>
      %xor3A_275 = arith.xori %iota3A_261, %xor3A_274 : vector<16xi32>
      %gather3A_276 = tpu.vector_load_idx %arg14[%xor3A_275] : memref<16xf32, #tpu.memory_space<vmem>>[vector<16xi32>], vector<16xf32>,
      %add3A_277 = arith.addf %get3A_272, %gather3A_276 : vector<16xf32>
      %swap3A_278 = arith.constant 0 : index
      %swap3A_279 = tpu.vector_load %arg14[%swap3A_278] {strides = array<i32>} : memref<16xf32, #tpu.memory_space<vmem>>, vector<16xf32>,
      tpu.vector_store %arg14[%swap3A_278], %add3A_277 {strides = array<i32>} : memref<16xf32, #tpu.memory_space<vmem>>, vector<16xf32>,
      %get3A_280 = arith.constant 0 : index
      %get3A_281 = tpu.vector_load %arg14[%get3A_280] {strides = array<i32>} : memref<16xf32, #tpu.memory_space<vmem>>, vector<16xf32>,
      %xor3A_282 = arith.constant 2 : i32
      %xor3A_283 = vector.broadcast %xor3A_282 : i32 to vector<16xi32>
      %xor3A_284 = arith.xori %iota3A_261, %xor3A_283 : vector<16xi32>
      %gather3A_285 = tpu.vector_load_idx %arg14[%xor3A_284] : memref<16xf32, #tpu.memory_space<vmem>>[vector<16xi32>], vector<16xf32>,
      %add3A_286 = arith.addf %get3A_281, %gather3A_285 : vector<16xf32>
      %swap3A_287 = arith.constant 0 : index
      %swap3A_288 = tpu.vector_load %arg14[%swap3A_287] {strides = array<i32>} : memref<16xf32, #tpu.memory_space<vmem>>, vector<16xf32>,
      tpu.vector_store %arg14[%swap3A_287], %add3A_286 {strides = array<i32>} : memref<16xf32, #tpu.memory_space<vmem>>, vector<16xf32>,
      %get3A_289 = arith.constant 0 : index
      %get3A_290 = tpu.vector_load %arg14[%get3A_289] {strides = array<i32>} : memref<16xf32, #tpu.memory_space<vmem>>, vector<16xf32>,
      %xor3A_291 = arith.constant 1 : i32
      %xor3A_292 = vector.broadcast %xor3A_291 : i32 to vector<16xi32>
      %xor3A_293 = arith.xori %iota3A_261, %xor3A_292 : vector<16xi32>
      %gather3A_294 = tpu.vector_load_idx %arg14[%xor3A_293] : memref<16xf32, #tpu.memory_space<vmem>>[vector<16xi32>], vector<16xf32>,
      %add3A_295 = arith.addf %get3A_290, %gather3A_294 : vector<16xf32>
      %swap3A_296 = arith.constant 0 : index
      %swap3A_297 = tpu.vector_load %arg14[%swap3A_296] {strides = array<i32>} : memref<16xf32, #tpu.memory_space<vmem>>, vector<16xf32>,
      tpu.vector_store %arg14[%swap3A_296], %add3A_295 {strides = array<i32>} : memref<16xf32, #tpu.memory_space<vmem>>, vector<16xf32>,
      %get3A_298 = arith.constant 0 : index
      %get3A_299 = tpu.vector_load %arg14[%get3A_298] {strides = array<i32>} : memref<16xf32, #tpu.memory_space<vmem>>, vector<16xf32>,
      %barrier3A_300 = arith.constant 0 : index
      tpu.barrier barrier_id(%barrier3A_300)
      %eq3A = vector.broadcast %add3A_96 : i32 to vector<16xi32>
      %eq3A_301 = arith.cmpi eq, %iota3A, %eq3A : vector<16xi32>
      %jit3A_302 = arith.constant 0.000000e+00 : f32
      %broadcast_in_dim3A_303 = vector.broadcast %jit3A_302 : f32 to vector<16xf32>
      %select_n3A_304 = arith.select %eq3A_301, %select_n3A_45, %broadcast_in_dim3A_303 : vector<16xi1>, vector<16xf32>
      %swap3A_305 = arith.constant 0 : index
      %swap3A_306 = tpu.vector_load %arg14[%swap3A_305] {strides = array<i32>} : memref<16xf32, #tpu.memory_space<vmem>>, vector<16xf32>,
      tpu.vector_store %arg14[%swap3A_305], %select_n3A_304 {strides = array<i32>} : memref<16xf32, #tpu.memory_space<vmem>>, vector<16xf32>,
      %iota3A_307 = tpu.iota {dimensions = array<i32: 0>} : vector<16xi32>
      %get3A_308 = arith.constant 0 : index
      %get3A_309 = tpu.vector_load %arg14[%get3A_308] {strides = array<i32>} : memref<16xf32, #tpu.memory_space<vmem>>, vector<16xf32>,
      %xor3A_310 = arith.constant 8 : i32
      %xor3A_311 = vector.broadcast %xor3A_310 : i32 to vector<16xi32>
      %xor3A_312 = arith.xori %iota3A_307, %xor3A_311 : vector<16xi32>
      %gather3A_313 = tpu.vector_load_idx %arg14[%xor3A_312] : memref<16xf32, #tpu.memory_space<vmem>>[vector<16xi32>], vector<16xf32>,
      %add3A_314 = arith.addf %get3A_309, %gather3A_313 : vector<16xf32>
      %swap3A_315 = arith.constant 0 : index
      %swap3A_316 = tpu.vector_load %arg14[%swap3A_315] {strides = array<i32>} : memref<16xf32, #tpu.memory_space<vmem>>, vector<16xf32>,
      tpu.vector_store %arg14[%swap3A_315], %add3A_314 {strides = array<i32>} : memref<16xf32, #tpu.memory_space<vmem>>, vector<16xf32>,
      %get3A_317 = arith.constant 0 : index
      %get3A_318 = tpu.vector_load %arg14[%get3A_317] {strides = array<i32>} : memref<16xf32, #tpu.memory_space<vmem>>, vector<16xf32>,
      %xor3A_319 = arith.constant 4 : i32
      %xor3A_320 = vector.broadcast %xor3A_319 : i32 to vector<16xi32>
      %xor3A_321 = arith.xori %iota3A_307, %xor3A_320 : vector<16xi32>
      %gather3A_322 = tpu.vector_load_idx %arg14[%xor3A_321] : memref<16xf32, #tpu.memory_space<vmem>>[vector<16xi32>], vector<16xf32>,
      %add3A_323 = arith.addf %get3A_318, %gather3A_322 : vector<16xf32>
      %swap3A_324 = arith.constant 0 : index
      %swap3A_325 = tpu.vector_load %arg14[%swap3A_324] {strides = array<i32>} : memref<16xf32, #tpu.memory_space<vmem>>, vector<16xf32>,
      tpu.vector_store %arg14[%swap3A_324], %add3A_323 {strides = array<i32>} : memref<16xf32, #tpu.memory_space<vmem>>, vector<16xf32>,
      %get3A_326 = arith.constant 0 : index
      %get3A_327 = tpu.vector_load %arg14[%get3A_326] {strides = array<i32>} : memref<16xf32, #tpu.memory_space<vmem>>, vector<16xf32>,
      %xor3A_328 = arith.constant 2 : i32
      %xor3A_329 = vector.broadcast %xor3A_328 : i32 to vector<16xi32>
      %xor3A_330 = arith.xori %iota3A_307, %xor3A_329 : vector<16xi32>
      %gather3A_331 = tpu.vector_load_idx %arg14[%xor3A_330] : memref<16xf32, #tpu.memory_space<vmem>>[vector<16xi32>], vector<16xf32>,
      %add3A_332 = arith.addf %get3A_327, %gather3A_331 : vector<16xf32>
      %swap3A_333 = arith.constant 0 : index
      %swap3A_334 = tpu.vector_load %arg14[%swap3A_333] {strides = array<i32>} : memref<16xf32, #tpu.memory_space<vmem>>, vector<16xf32>,
      tpu.vector_store %arg14[%swap3A_333], %add3A_332 {strides = array<i32>} : memref<16xf32, #tpu.memory_space<vmem>>, vector<16xf32>,
      %get3A_335 = arith.constant 0 : index
      %get3A_336 = tpu.vector_load %arg14[%get3A_335] {strides = array<i32>} : memref<16xf32, #tpu.memory_space<vmem>>, vector<16xf32>,
      %xor3A_337 = arith.constant 1 : i32
      %xor3A_338 = vector.broadcast %xor3A_337 : i32 to vector<16xi32>
      %xor3A_339 = arith.xori %iota3A_307, %xor3A_338 : vector<16xi32>
      %gather3A_340 = tpu.vector_load_idx %arg14[%xor3A_339] : memref<16xf32, #tpu.memory_space<vmem>>[vector<16xi32>], vector<16xf32>,
      %add3A_341 = arith.addf %get3A_336, %gather3A_340 : vector<16xf32>
      %swap3A_342 = arith.constant 0 : index
      %swap3A_343 = tpu.vector_load %arg14[%swap3A_342] {strides = array<i32>} : memref<16xf32, #tpu.memory_space<vmem>>, vector<16xf32>,
      tpu.vector_store %arg14[%swap3A_342], %add3A_341 {strides = array<i32>} : memref<16xf32, #tpu.memory_space<vmem>>, vector<16xf32>,
      %get3A_344 = arith.constant 0 : index
      %get3A_345 = tpu.vector_load %arg14[%get3A_344] {strides = array<i32>} : memref<16xf32, #tpu.memory_space<vmem>>, vector<16xf32>,
      %div3A = arith.divf %get3A_345, %get3A_85 : vector<16xf32>
      %div3A_346 = arith.divf %div3A, %get3A_299 : vector<16xf32>
      %parallel_loop3A_347 = arith.constant 0 : i32
      %parallel_loop3A_348 = arith.constant 625 : i32
      %parallel_loop3A_349 = arith.constant 1 : i32
      scf.for %parallel_loop3A_356 = %parallel_loop3A_347 to %parallel_loop3A_348 step %parallel_loop3A_349  : i32 {
        %parallel_loop3A_357 = arith.constant 16 : i32
        %parallel_loop3A_358 = arith.muli %parallel_loop3A_356, %parallel_loop3A_357 : i32
        %parallel_loop3A_359 = arith.index_cast %parallel_loop3A_358 : i32 to index
        %parallel_loop3A_360 = tpu.vector_load %arg11[%parallel_loop3A_359] {strides = array<i32>} : memref<10000xf32, #tpu.memory_space<vmem>>, vector<16xf32>,
        %parallel_loop3A_361 = arith.mulf %parallel_loop3A_360, %div3A_346 : vector<16xf32>
        %parallel_loop3A_362 = arith.constant 16 : i32
        %parallel_loop3A_363 = arith.muli %parallel_loop3A_356, %parallel_loop3A_362 : i32
        %parallel_loop3A_364 = arith.index_cast %parallel_loop3A_363 : i32 to index
        %parallel_loop3A_365 = tpu.vector_load %arg11[%parallel_loop3A_364] {strides = array<i32>} : memref<10000xf32, #tpu.memory_space<vmem>>, vector<16xf32>,
        tpu.vector_store %arg11[%parallel_loop3A_364], %parallel_loop3A_361 {strides = array<i32>} : memref<10000xf32, #tpu.memory_space<vmem>>, vector<16xf32>,
      } {sc.loop_unroll_factor = 4 : i64, sc.parallel_access}
      %mul3A_350 = arith.constant 160000 : i32
      %mul3A_351 = arith.muli %add3A_96, %mul3A_350 : i32
      %mul3A_352 = arith.constant 10000 : i32
      %mul3A_353 = arith.muli %arg1, %mul3A_352 : i32
      %add3A_354 = arith.addi %mul3A_351, %mul3A_353 : i32
      "tpu.region"() ({
        %run_scoped3A = tpu.sem_alloc : memref<!tpu.dma_semaphore, #tpu.memory_space<semaphore_mem>>
        %dma_start3A = tpu.memref_slice %arg6[%add3A_354] : memref<1280000xf32, #tpu.memory_space<hbm>> -> memref<10000xf32, #tpu.memory_space<hbm>>
        %dma_start3A_356 = tpu.memref_slice %arg6[%add3A_354] : memref<1280000xf32, #tpu.memory_space<hbm>> -> memref<10000xf32, #tpu.memory_space<hbm>>
        tpu.enqueue_dma source(%arg11 : memref<10000xf32, #tpu.memory_space<vmem>>) target(%dma_start3A_356 : memref<10000xf32, #tpu.memory_space<hbm>>) target_semaphore(%run_scoped3A : memref<!tpu.dma_semaphore, #tpu.memory_space<semaphore_mem>>)
        %dma_wait3A = tpu.memref_slice %arg6[%add3A_354] : memref<1280000xf32, #tpu.memory_space<hbm>> -> memref<10000xf32, #tpu.memory_space<hbm>>
        %dma_wait3A_357 = tpu.memref_slice %arg6[%add3A_354] : memref<1280000xf32, #tpu.memory_space<hbm>> -> memref<10000xf32, #tpu.memory_space<hbm>>
        tpu.wait_dma2 semaphore(%run_scoped3A : memref<!tpu.dma_semaphore, #tpu.memory_space<semaphore_mem>>) src(%arg11 : memref<10000xf32, #tpu.memory_space<vmem>>) dst(%dma_wait3A_357 : memref<10000xf32, #tpu.memory_space<hbm>>)
        tpu.yield
      }) : () -> ()
      %scan3A_355 = arith.constant 0 : i32
      scf.yield %scan3A_355 : i32
    }
    %scan3A_91 = arith.constant 4 : i32
    return
  }
}

#map = affine_map<(d0, d1) -> (0, 0, 0)>
#map1 = affine_map<(d0, d1) -> (0)>
#map2 = affine_map<(d0, d1) -> (0, 0)>
module attributes {stable_mosaic.version = 14 : i64} {
  func.func @_scb_body(%arg0: i32, %arg1: i32, %arg2: memref<16x10240x128xf32, #tpu.memory_space<hbm>>, %arg3: memref<1280000xf32, #tpu.memory_space<hbm>>, %arg4: memref<16x125x80xi32, #tpu.memory_space<hbm>>, %arg5: memref<160000xi32, #tpu.memory_space<hbm>>, %arg6: memref<10240x256xf32, #tpu.memory_space<hbm>>, %arg7: memref<125x80xi32, #tpu.memory_space<vmem>>, %arg8: memref<10000xi32, #tpu.memory_space<vmem>>, %arg9: memref<96xf32, #tpu.memory_space<vmem>>, %arg10: memref<96xf32, #tpu.memory_space<vmem>>, %arg11: memref<80x128xf32, #tpu.memory_space<vmem>>, %arg12: memref<80x128xf32, #tpu.memory_space<vmem>>, %arg13: memref<10240x128xf32, #tpu.memory_space<vmem_shared>>, %arg14: memref<!tpu.dma_semaphore, #tpu.memory_space<semaphore_mem>>, %arg15: memref<!tpu.dma_semaphore, #tpu.memory_space<semaphore_mem>>, %arg16: memref<!tpu.dma_semaphore, #tpu.memory_space<semaphore_mem>>, %arg17: memref<!tpu.dma_semaphore, #tpu.memory_space<semaphore_mem>>) attributes {dimension_semantics = [#tpu.dimension_semantics<core_parallel>, #tpu.dimension_semantics<subcore_parallel>], iteration_bounds = array<i64: 2, 16>, scalar_prefetch = 0 : i64, scratch_operands = 11 : i64, tpu.core_type = #tpu.core_type<sc_vector_subcore>, window_params = [{transform_indices = #map}, {transform_indices = #map1}, {transform_indices = #map}, {transform_indices = #map1}, {transform_indices = #map2}]} {
    "tpu.region"() ({
      %run_scoped3A = tpu.sem_alloc : memref<!tpu.dma_semaphore, #tpu.memory_space<semaphore_mem>>
      %dma_start3A = arith.constant 0 : i32
      %dma_start3A_52 = arith.constant 0 : i32
      %dma_start3A_53 = tpu.memref_slice %arg4[%arg1, %dma_start3A, %dma_start3A_52] : memref<16x125x80xi32, #tpu.memory_space<hbm>> -> memref<1x125x80xi32, #tpu.memory_space<hbm>>
      %dma_start3A_54 = tpu.memref_squeeze %dma_start3A_53 : memref<1x125x80xi32, #tpu.memory_space<hbm>> -> memref<125x80xi32, #tpu.memory_space<hbm>>
      %dma_start3A_55 = arith.constant 0 : i32
      %dma_start3A_56 = arith.constant 0 : i32
      %dma_start3A_57 = tpu.memref_slice %arg4[%arg1, %dma_start3A_55, %dma_start3A_56] : memref<16x125x80xi32, #tpu.memory_space<hbm>> -> memref<1x125x80xi32, #tpu.memory_space<hbm>>
      %dma_start3A_58 = tpu.memref_squeeze %dma_start3A_57 : memref<1x125x80xi32, #tpu.memory_space<hbm>> -> memref<125x80xi32, #tpu.memory_space<hbm>>
      tpu.enqueue_dma source(%dma_start3A_58 : memref<125x80xi32, #tpu.memory_space<hbm>>) target(%arg7 : memref<125x80xi32, #tpu.memory_space<vmem>>) target_semaphore(%run_scoped3A : memref<!tpu.dma_semaphore, #tpu.memory_space<semaphore_mem>>)
      %dma_wait3A = arith.constant 0 : i32
      %dma_wait3A_59 = arith.constant 0 : i32
      %dma_wait3A_60 = tpu.memref_slice %arg4[%arg1, %dma_wait3A, %dma_wait3A_59] : memref<16x125x80xi32, #tpu.memory_space<hbm>> -> memref<1x125x80xi32, #tpu.memory_space<hbm>>
      %dma_wait3A_61 = tpu.memref_squeeze %dma_wait3A_60 : memref<1x125x80xi32, #tpu.memory_space<hbm>> -> memref<125x80xi32, #tpu.memory_space<hbm>>
      %dma_wait3A_62 = arith.constant 0 : i32
      %dma_wait3A_63 = arith.constant 0 : i32
      %dma_wait3A_64 = tpu.memref_slice %arg4[%arg1, %dma_wait3A_62, %dma_wait3A_63] : memref<16x125x80xi32, #tpu.memory_space<hbm>> -> memref<1x125x80xi32, #tpu.memory_space<hbm>>
      %dma_wait3A_65 = tpu.memref_squeeze %dma_wait3A_64 : memref<1x125x80xi32, #tpu.memory_space<hbm>> -> memref<125x80xi32, #tpu.memory_space<hbm>>
      tpu.wait_dma2 semaphore(%run_scoped3A : memref<!tpu.dma_semaphore, #tpu.memory_space<semaphore_mem>>) src(%dma_wait3A_65 : memref<125x80xi32, #tpu.memory_space<hbm>>) dst(%arg7 : memref<125x80xi32, #tpu.memory_space<vmem>>)
      tpu.yield
    }) : () -> ()
    %mul3A = arith.constant 10000 : i32
    %mul3A_0 = arith.muli %arg1, %mul3A : i32
    "tpu.region"() ({
      %run_scoped3A = tpu.sem_alloc : memref<!tpu.dma_semaphore, #tpu.memory_space<semaphore_mem>>
      %dma_start3A = tpu.memref_slice %arg5[%mul3A_0] : memref<160000xi32, #tpu.memory_space<hbm>> -> memref<10000xi32, #tpu.memory_space<hbm>>
      %dma_start3A_52 = tpu.memref_slice %arg5[%mul3A_0] : memref<160000xi32, #tpu.memory_space<hbm>> -> memref<10000xi32, #tpu.memory_space<hbm>>
      tpu.enqueue_dma source(%dma_start3A_52 : memref<10000xi32, #tpu.memory_space<hbm>>) target(%arg8 : memref<10000xi32, #tpu.memory_space<vmem>>) target_semaphore(%run_scoped3A : memref<!tpu.dma_semaphore, #tpu.memory_space<semaphore_mem>>)
      %dma_wait3A = tpu.memref_slice %arg5[%mul3A_0] : memref<160000xi32, #tpu.memory_space<hbm>> -> memref<10000xi32, #tpu.memory_space<hbm>>
      %dma_wait3A_53 = tpu.memref_slice %arg5[%mul3A_0] : memref<160000xi32, #tpu.memory_space<hbm>> -> memref<10000xi32, #tpu.memory_space<hbm>>
      tpu.wait_dma2 semaphore(%run_scoped3A : memref<!tpu.dma_semaphore, #tpu.memory_space<semaphore_mem>>) src(%dma_wait3A_53 : memref<10000xi32, #tpu.memory_space<hbm>>) dst(%arg8 : memref<10000xi32, #tpu.memory_space<vmem>>)
      tpu.yield
    }) : () -> ()
    %scan3A = arith.constant 0 : i32
    %scan3A_1 = arith.constant 0 : i32
    %scan3A_2 = arith.constant 80 : i32
    %scan3A_3 = arith.addi %scan3A_1, %scan3A_2 : i32
    %scan3A_4 = arith.constant 1 : i32
    %scan3A_5 = scf.for %scan3A_52 = %scan3A_1 to %scan3A_3 step %scan3A_4 iter_args(%scan3A_53 = %scan3A) -> (i32)  : i32 {
      %broadcast_in_dim3A = arith.constant 0.000000e+00 : f32
      %broadcast_in_dim3A_54 = vector.broadcast %broadcast_in_dim3A : f32 to vector<16xf32>
      %swap3A = arith.index_cast %scan3A_52 : i32 to index
      %swap3A_55 = arith.constant 0 : index
      %swap3A_56 = tpu.vector_load %arg11[%swap3A, %swap3A_55] {strides = array<i32>} : memref<80x128xf32, #tpu.memory_space<vmem>>, vector<16xf32>,
      tpu.vector_store %arg11[%swap3A, %swap3A_55], %broadcast_in_dim3A_54 {strides = array<i32>} : memref<80x128xf32, #tpu.memory_space<vmem>>, vector<16xf32>,
      %broadcast_in_dim3A_57 = arith.constant 0.000000e+00 : f32
      %broadcast_in_dim3A_58 = vector.broadcast %broadcast_in_dim3A_57 : f32 to vector<16xf32>
      %swap3A_59 = arith.index_cast %scan3A_52 : i32 to index
      %swap3A_60 = arith.constant 16 : index
      %swap3A_61 = tpu.vector_load %arg11[%swap3A_59, %swap3A_60] {strides = array<i32>} : memref<80x128xf32, #tpu.memory_space<vmem>>, vector<16xf32>,
      tpu.vector_store %arg11[%swap3A_59, %swap3A_60], %broadcast_in_dim3A_58 {strides = array<i32>} : memref<80x128xf32, #tpu.memory_space<vmem>>, vector<16xf32>,
      %broadcast_in_dim3A_62 = arith.constant 0.000000e+00 : f32
      %broadcast_in_dim3A_63 = vector.broadcast %broadcast_in_dim3A_62 : f32 to vector<16xf32>
      %swap3A_64 = arith.index_cast %scan3A_52 : i32 to index
      %swap3A_65 = arith.constant 32 : index
      %swap3A_66 = tpu.vector_load %arg11[%swap3A_64, %swap3A_65] {strides = array<i32>} : memref<80x128xf32, #tpu.memory_space<vmem>>, vector<16xf32>,
      tpu.vector_store %arg11[%swap3A_64, %swap3A_65], %broadcast_in_dim3A_63 {strides = array<i32>} : memref<80x128xf32, #tpu.memory_space<vmem>>, vector<16xf32>,
      %broadcast_in_dim3A_67 = arith.constant 0.000000e+00 : f32
      %broadcast_in_dim3A_68 = vector.broadcast %broadcast_in_dim3A_67 : f32 to vector<16xf32>
      %swap3A_69 = arith.index_cast %scan3A_52 : i32 to index
      %swap3A_70 = arith.constant 48 : index
      %swap3A_71 = tpu.vector_load %arg11[%swap3A_69, %swap3A_70] {strides = array<i32>} : memref<80x128xf32, #tpu.memory_space<vmem>>, vector<16xf32>,
      tpu.vector_store %arg11[%swap3A_69, %swap3A_70], %broadcast_in_dim3A_68 {strides = array<i32>} : memref<80x128xf32, #tpu.memory_space<vmem>>, vector<16xf32>,
      %broadcast_in_dim3A_72 = arith.constant 0.000000e+00 : f32
      %broadcast_in_dim3A_73 = vector.broadcast %broadcast_in_dim3A_72 : f32 to vector<16xf32>
      %swap3A_74 = arith.index_cast %scan3A_52 : i32 to index
      %swap3A_75 = arith.constant 64 : index
      %swap3A_76 = tpu.vector_load %arg11[%swap3A_74, %swap3A_75] {strides = array<i32>} : memref<80x128xf32, #tpu.memory_space<vmem>>, vector<16xf32>,
      tpu.vector_store %arg11[%swap3A_74, %swap3A_75], %broadcast_in_dim3A_73 {strides = array<i32>} : memref<80x128xf32, #tpu.memory_space<vmem>>, vector<16xf32>,
      %broadcast_in_dim3A_77 = arith.constant 0.000000e+00 : f32
      %broadcast_in_dim3A_78 = vector.broadcast %broadcast_in_dim3A_77 : f32 to vector<16xf32>
      %swap3A_79 = arith.index_cast %scan3A_52 : i32 to index
      %swap3A_80 = arith.constant 80 : index
      %swap3A_81 = tpu.vector_load %arg11[%swap3A_79, %swap3A_80] {strides = array<i32>} : memref<80x128xf32, #tpu.memory_space<vmem>>, vector<16xf32>,
      tpu.vector_store %arg11[%swap3A_79, %swap3A_80], %broadcast_in_dim3A_78 {strides = array<i32>} : memref<80x128xf32, #tpu.memory_space<vmem>>, vector<16xf32>,
      %broadcast_in_dim3A_82 = arith.constant 0.000000e+00 : f32
      %broadcast_in_dim3A_83 = vector.broadcast %broadcast_in_dim3A_82 : f32 to vector<16xf32>
      %swap3A_84 = arith.index_cast %scan3A_52 : i32 to index
      %swap3A_85 = arith.constant 96 : index
      %swap3A_86 = tpu.vector_load %arg11[%swap3A_84, %swap3A_85] {strides = array<i32>} : memref<80x128xf32, #tpu.memory_space<vmem>>, vector<16xf32>,
      tpu.vector_store %arg11[%swap3A_84, %swap3A_85], %broadcast_in_dim3A_83 {strides = array<i32>} : memref<80x128xf32, #tpu.memory_space<vmem>>, vector<16xf32>,
      %broadcast_in_dim3A_87 = arith.constant 0.000000e+00 : f32
      %broadcast_in_dim3A_88 = vector.broadcast %broadcast_in_dim3A_87 : f32 to vector<16xf32>
      %swap3A_89 = arith.index_cast %scan3A_52 : i32 to index
      %swap3A_90 = arith.constant 112 : index
      %swap3A_91 = tpu.vector_load %arg11[%swap3A_89, %swap3A_90] {strides = array<i32>} : memref<80x128xf32, #tpu.memory_space<vmem>>, vector<16xf32>,
      tpu.vector_store %arg11[%swap3A_89, %swap3A_90], %broadcast_in_dim3A_88 {strides = array<i32>} : memref<80x128xf32, #tpu.memory_space<vmem>>, vector<16xf32>,
      %scan3A_92 = arith.constant 0 : i32
      scf.yield %scan3A_92 : i32
    }
    %scan3A_6 = arith.constant 80 : i32
    %mul3A_7 = arith.constant 640 : i32
    %mul3A_8 = arith.muli %arg1, %mul3A_7 : i32
    %add3A = arith.constant 0 : i32
    %add3A_9 = arith.addi %mul3A_8, %add3A : i32
    "tpu.region"() ({
      %run_scoped3A = tpu.sem_alloc : memref<!tpu.dma_semaphore, #tpu.memory_space<semaphore_mem>>
      %dma_start3A = arith.constant 0 : i32
      %dma_start3A_52 = tpu.memref_slice %arg13[%add3A_9, %dma_start3A] : memref<10240x128xf32, #tpu.memory_space<vmem_shared>> -> memref<80x128xf32, #tpu.memory_space<vmem_shared>>
      %dma_start3A_53 = arith.constant 0 : i32
      %dma_start3A_54 = tpu.memref_slice %arg13[%add3A_9, %dma_start3A_53] : memref<10240x128xf32, #tpu.memory_space<vmem_shared>> -> memref<80x128xf32, #tpu.memory_space<vmem_shared>>
      tpu.enqueue_dma source(%arg11 : memref<80x128xf32, #tpu.memory_space<vmem>>) target(%dma_start3A_54 : memref<80x128xf32, #tpu.memory_space<vmem_shared>>) target_semaphore(%run_scoped3A : memref<!tpu.dma_semaphore, #tpu.memory_space<semaphore_mem>>)
      %dma_wait3A = arith.constant 0 : i32
      %dma_wait3A_55 = tpu.memref_slice %arg13[%add3A_9, %dma_wait3A] : memref<10240x128xf32, #tpu.memory_space<vmem_shared>> -> memref<80x128xf32, #tpu.memory_space<vmem_shared>>
      %dma_wait3A_56 = arith.constant 0 : i32
      %dma_wait3A_57 = tpu.memref_slice %arg13[%add3A_9, %dma_wait3A_56] : memref<10240x128xf32, #tpu.memory_space<vmem_shared>> -> memref<80x128xf32, #tpu.memory_space<vmem_shared>>
      tpu.wait_dma2 semaphore(%run_scoped3A : memref<!tpu.dma_semaphore, #tpu.memory_space<semaphore_mem>>) src(%arg11 : memref<80x128xf32, #tpu.memory_space<vmem>>) dst(%dma_wait3A_57 : memref<80x128xf32, #tpu.memory_space<vmem_shared>>)
      tpu.yield
    }) : () -> ()
    %mul3A_10 = arith.constant 640 : i32
    %mul3A_11 = arith.muli %arg1, %mul3A_10 : i32
    %add3A_12 = arith.constant 80 : i32
    %add3A_13 = arith.addi %mul3A_11, %add3A_12 : i32
    "tpu.region"() ({
      %run_scoped3A = tpu.sem_alloc : memref<!tpu.dma_semaphore, #tpu.memory_space<semaphore_mem>>
      %dma_start3A = arith.constant 0 : i32
      %dma_start3A_52 = tpu.memref_slice %arg13[%add3A_13, %dma_start3A] : memref<10240x128xf32, #tpu.memory_space<vmem_shared>> -> memref<80x128xf32, #tpu.memory_space<vmem_shared>>
      %dma_start3A_53 = arith.constant 0 : i32
      %dma_start3A_54 = tpu.memref_slice %arg13[%add3A_13, %dma_start3A_53] : memref<10240x128xf32, #tpu.memory_space<vmem_shared>> -> memref<80x128xf32, #tpu.memory_space<vmem_shared>>
      tpu.enqueue_dma source(%arg11 : memref<80x128xf32, #tpu.memory_space<vmem>>) target(%dma_start3A_54 : memref<80x128xf32, #tpu.memory_space<vmem_shared>>) target_semaphore(%run_scoped3A : memref<!tpu.dma_semaphore, #tpu.memory_space<semaphore_mem>>)
      %dma_wait3A = arith.constant 0 : i32
      %dma_wait3A_55 = tpu.memref_slice %arg13[%add3A_13, %dma_wait3A] : memref<10240x128xf32, #tpu.memory_space<vmem_shared>> -> memref<80x128xf32, #tpu.memory_space<vmem_shared>>
      %dma_wait3A_56 = arith.constant 0 : i32
      %dma_wait3A_57 = tpu.memref_slice %arg13[%add3A_13, %dma_wait3A_56] : memref<10240x128xf32, #tpu.memory_space<vmem_shared>> -> memref<80x128xf32, #tpu.memory_space<vmem_shared>>
      tpu.wait_dma2 semaphore(%run_scoped3A : memref<!tpu.dma_semaphore, #tpu.memory_space<semaphore_mem>>) src(%arg11 : memref<80x128xf32, #tpu.memory_space<vmem>>) dst(%dma_wait3A_57 : memref<80x128xf32, #tpu.memory_space<vmem_shared>>)
      tpu.yield
    }) : () -> ()
    %mul3A_14 = arith.constant 640 : i32
    %mul3A_15 = arith.muli %arg1, %mul3A_14 : i32
    %add3A_16 = arith.constant 160 : i32
    %add3A_17 = arith.addi %mul3A_15, %add3A_16 : i32
    "tpu.region"() ({
      %run_scoped3A = tpu.sem_alloc : memref<!tpu.dma_semaphore, #tpu.memory_space<semaphore_mem>>
      %dma_start3A = arith.constant 0 : i32
      %dma_start3A_52 = tpu.memref_slice %arg13[%add3A_17, %dma_start3A] : memref<10240x128xf32, #tpu.memory_space<vmem_shared>> -> memref<80x128xf32, #tpu.memory_space<vmem_shared>>
      %dma_start3A_53 = arith.constant 0 : i32
      %dma_start3A_54 = tpu.memref_slice %arg13[%add3A_17, %dma_start3A_53] : memref<10240x128xf32, #tpu.memory_space<vmem_shared>> -> memref<80x128xf32, #tpu.memory_space<vmem_shared>>
      tpu.enqueue_dma source(%arg11 : memref<80x128xf32, #tpu.memory_space<vmem>>) target(%dma_start3A_54 : memref<80x128xf32, #tpu.memory_space<vmem_shared>>) target_semaphore(%run_scoped3A : memref<!tpu.dma_semaphore, #tpu.memory_space<semaphore_mem>>)
      %dma_wait3A = arith.constant 0 : i32
      %dma_wait3A_55 = tpu.memref_slice %arg13[%add3A_17, %dma_wait3A] : memref<10240x128xf32, #tpu.memory_space<vmem_shared>> -> memref<80x128xf32, #tpu.memory_space<vmem_shared>>
      %dma_wait3A_56 = arith.constant 0 : i32
      %dma_wait3A_57 = tpu.memref_slice %arg13[%add3A_17, %dma_wait3A_56] : memref<10240x128xf32, #tpu.memory_space<vmem_shared>> -> memref<80x128xf32, #tpu.memory_space<vmem_shared>>
      tpu.wait_dma2 semaphore(%run_scoped3A : memref<!tpu.dma_semaphore, #tpu.memory_space<semaphore_mem>>) src(%arg11 : memref<80x128xf32, #tpu.memory_space<vmem>>) dst(%dma_wait3A_57 : memref<80x128xf32, #tpu.memory_space<vmem_shared>>)
      tpu.yield
    }) : () -> ()
    %mul3A_18 = arith.constant 640 : i32
    %mul3A_19 = arith.muli %arg1, %mul3A_18 : i32
    %add3A_20 = arith.constant 240 : i32
    %add3A_21 = arith.addi %mul3A_19, %add3A_20 : i32
    "tpu.region"() ({
      %run_scoped3A = tpu.sem_alloc : memref<!tpu.dma_semaphore, #tpu.memory_space<semaphore_mem>>
      %dma_start3A = arith.constant 0 : i32
      %dma_start3A_52 = tpu.memref_slice %arg13[%add3A_21, %dma_start3A] : memref<10240x128xf32, #tpu.memory_space<vmem_shared>> -> memref<80x128xf32, #tpu.memory_space<vmem_shared>>
      %dma_start3A_53 = arith.constant 0 : i32
      %dma_start3A_54 = tpu.memref_slice %arg13[%add3A_21, %dma_start3A_53] : memref<10240x128xf32, #tpu.memory_space<vmem_shared>> -> memref<80x128xf32, #tpu.memory_space<vmem_shared>>
      tpu.enqueue_dma source(%arg11 : memref<80x128xf32, #tpu.memory_space<vmem>>) target(%dma_start3A_54 : memref<80x128xf32, #tpu.memory_space<vmem_shared>>) target_semaphore(%run_scoped3A : memref<!tpu.dma_semaphore, #tpu.memory_space<semaphore_mem>>)
      %dma_wait3A = arith.constant 0 : i32
      %dma_wait3A_55 = tpu.memref_slice %arg13[%add3A_21, %dma_wait3A] : memref<10240x128xf32, #tpu.memory_space<vmem_shared>> -> memref<80x128xf32, #tpu.memory_space<vmem_shared>>
      %dma_wait3A_56 = arith.constant 0 : i32
      %dma_wait3A_57 = tpu.memref_slice %arg13[%add3A_21, %dma_wait3A_56] : memref<10240x128xf32, #tpu.memory_space<vmem_shared>> -> memref<80x128xf32, #tpu.memory_space<vmem_shared>>
      tpu.wait_dma2 semaphore(%run_scoped3A : memref<!tpu.dma_semaphore, #tpu.memory_space<semaphore_mem>>) src(%arg11 : memref<80x128xf32, #tpu.memory_space<vmem>>) dst(%dma_wait3A_57 : memref<80x128xf32, #tpu.memory_space<vmem_shared>>)
      tpu.yield
    }) : () -> ()
    %mul3A_22 = arith.constant 640 : i32
    %mul3A_23 = arith.muli %arg1, %mul3A_22 : i32
    %add3A_24 = arith.constant 320 : i32
    %add3A_25 = arith.addi %mul3A_23, %add3A_24 : i32
    "tpu.region"() ({
      %run_scoped3A = tpu.sem_alloc : memref<!tpu.dma_semaphore, #tpu.memory_space<semaphore_mem>>
      %dma_start3A = arith.constant 0 : i32
      %dma_start3A_52 = tpu.memref_slice %arg13[%add3A_25, %dma_start3A] : memref<10240x128xf32, #tpu.memory_space<vmem_shared>> -> memref<80x128xf32, #tpu.memory_space<vmem_shared>>
      %dma_start3A_53 = arith.constant 0 : i32
      %dma_start3A_54 = tpu.memref_slice %arg13[%add3A_25, %dma_start3A_53] : memref<10240x128xf32, #tpu.memory_space<vmem_shared>> -> memref<80x128xf32, #tpu.memory_space<vmem_shared>>
      tpu.enqueue_dma source(%arg11 : memref<80x128xf32, #tpu.memory_space<vmem>>) target(%dma_start3A_54 : memref<80x128xf32, #tpu.memory_space<vmem_shared>>) target_semaphore(%run_scoped3A : memref<!tpu.dma_semaphore, #tpu.memory_space<semaphore_mem>>)
      %dma_wait3A = arith.constant 0 : i32
      %dma_wait3A_55 = tpu.memref_slice %arg13[%add3A_25, %dma_wait3A] : memref<10240x128xf32, #tpu.memory_space<vmem_shared>> -> memref<80x128xf32, #tpu.memory_space<vmem_shared>>
      %dma_wait3A_56 = arith.constant 0 : i32
      %dma_wait3A_57 = tpu.memref_slice %arg13[%add3A_25, %dma_wait3A_56] : memref<10240x128xf32, #tpu.memory_space<vmem_shared>> -> memref<80x128xf32, #tpu.memory_space<vmem_shared>>
      tpu.wait_dma2 semaphore(%run_scoped3A : memref<!tpu.dma_semaphore, #tpu.memory_space<semaphore_mem>>) src(%arg11 : memref<80x128xf32, #tpu.memory_space<vmem>>) dst(%dma_wait3A_57 : memref<80x128xf32, #tpu.memory_space<vmem_shared>>)
      tpu.yield
    }) : () -> ()
    %mul3A_26 = arith.constant 640 : i32
    %mul3A_27 = arith.muli %arg1, %mul3A_26 : i32
    %add3A_28 = arith.constant 400 : i32
    %add3A_29 = arith.addi %mul3A_27, %add3A_28 : i32
    "tpu.region"() ({
      %run_scoped3A = tpu.sem_alloc : memref<!tpu.dma_semaphore, #tpu.memory_space<semaphore_mem>>
      %dma_start3A = arith.constant 0 : i32
      %dma_start3A_52 = tpu.memref_slice %arg13[%add3A_29, %dma_start3A] : memref<10240x128xf32, #tpu.memory_space<vmem_shared>> -> memref<80x128xf32, #tpu.memory_space<vmem_shared>>
      %dma_start3A_53 = arith.constant 0 : i32
      %dma_start3A_54 = tpu.memref_slice %arg13[%add3A_29, %dma_start3A_53] : memref<10240x128xf32, #tpu.memory_space<vmem_shared>> -> memref<80x128xf32, #tpu.memory_space<vmem_shared>>
      tpu.enqueue_dma source(%arg11 : memref<80x128xf32, #tpu.memory_space<vmem>>) target(%dma_start3A_54 : memref<80x128xf32, #tpu.memory_space<vmem_shared>>) target_semaphore(%run_scoped3A : memref<!tpu.dma_semaphore, #tpu.memory_space<semaphore_mem>>)
      %dma_wait3A = arith.constant 0 : i32
      %dma_wait3A_55 = tpu.memref_slice %arg13[%add3A_29, %dma_wait3A] : memref<10240x128xf32, #tpu.memory_space<vmem_shared>> -> memref<80x128xf32, #tpu.memory_space<vmem_shared>>
      %dma_wait3A_56 = arith.constant 0 : i32
      %dma_wait3A_57 = tpu.memref_slice %arg13[%add3A_29, %dma_wait3A_56] : memref<10240x128xf32, #tpu.memory_space<vmem_shared>> -> memref<80x128xf32, #tpu.memory_space<vmem_shared>>
      tpu.wait_dma2 semaphore(%run_scoped3A : memref<!tpu.dma_semaphore, #tpu.memory_space<semaphore_mem>>) src(%arg11 : memref<80x128xf32, #tpu.memory_space<vmem>>) dst(%dma_wait3A_57 : memref<80x128xf32, #tpu.memory_space<vmem_shared>>)
      tpu.yield
    }) : () -> ()
    %mul3A_30 = arith.constant 640 : i32
    %mul3A_31 = arith.muli %arg1, %mul3A_30 : i32
    %add3A_32 = arith.constant 480 : i32
    %add3A_33 = arith.addi %mul3A_31, %add3A_32 : i32
    "tpu.region"() ({
      %run_scoped3A = tpu.sem_alloc : memref<!tpu.dma_semaphore, #tpu.memory_space<semaphore_mem>>
      %dma_start3A = arith.constant 0 : i32
      %dma_start3A_52 = tpu.memref_slice %arg13[%add3A_33, %dma_start3A] : memref<10240x128xf32, #tpu.memory_space<vmem_shared>> -> memref<80x128xf32, #tpu.memory_space<vmem_shared>>
      %dma_start3A_53 = arith.constant 0 : i32
      %dma_start3A_54 = tpu.memref_slice %arg13[%add3A_33, %dma_start3A_53] : memref<10240x128xf32, #tpu.memory_space<vmem_shared>> -> memref<80x128xf32, #tpu.memory_space<vmem_shared>>
      tpu.enqueue_dma source(%arg11 : memref<80x128xf32, #tpu.memory_space<vmem>>) target(%dma_start3A_54 : memref<80x128xf32, #tpu.memory_space<vmem_shared>>) target_semaphore(%run_scoped3A : memref<!tpu.dma_semaphore, #tpu.memory_space<semaphore_mem>>)
      %dma_wait3A = arith.constant 0 : i32
      %dma_wait3A_55 = tpu.memref_slice %arg13[%add3A_33, %dma_wait3A] : memref<10240x128xf32, #tpu.memory_space<vmem_shared>> -> memref<80x128xf32, #tpu.memory_space<vmem_shared>>
      %dma_wait3A_56 = arith.constant 0 : i32
      %dma_wait3A_57 = tpu.memref_slice %arg13[%add3A_33, %dma_wait3A_56] : memref<10240x128xf32, #tpu.memory_space<vmem_shared>> -> memref<80x128xf32, #tpu.memory_space<vmem_shared>>
      tpu.wait_dma2 semaphore(%run_scoped3A : memref<!tpu.dma_semaphore, #tpu.memory_space<semaphore_mem>>) src(%arg11 : memref<80x128xf32, #tpu.memory_space<vmem>>) dst(%dma_wait3A_57 : memref<80x128xf32, #tpu.memory_space<vmem_shared>>)
      tpu.yield
    }) : () -> ()
    %mul3A_34 = arith.constant 640 : i32
    %mul3A_35 = arith.muli %arg1, %mul3A_34 : i32
    %add3A_36 = arith.constant 560 : i32
    %add3A_37 = arith.addi %mul3A_35, %add3A_36 : i32
    "tpu.region"() ({
      %run_scoped3A = tpu.sem_alloc : memref<!tpu.dma_semaphore, #tpu.memory_space<semaphore_mem>>
      %dma_start3A = arith.constant 0 : i32
      %dma_start3A_52 = tpu.memref_slice %arg13[%add3A_37, %dma_start3A] : memref<10240x128xf32, #tpu.memory_space<vmem_shared>> -> memref<80x128xf32, #tpu.memory_space<vmem_shared>>
      %dma_start3A_53 = arith.constant 0 : i32
      %dma_start3A_54 = tpu.memref_slice %arg13[%add3A_37, %dma_start3A_53] : memref<10240x128xf32, #tpu.memory_space<vmem_shared>> -> memref<80x128xf32, #tpu.memory_space<vmem_shared>>
      tpu.enqueue_dma source(%arg11 : memref<80x128xf32, #tpu.memory_space<vmem>>) target(%dma_start3A_54 : memref<80x128xf32, #tpu.memory_space<vmem_shared>>) target_semaphore(%run_scoped3A : memref<!tpu.dma_semaphore, #tpu.memory_space<semaphore_mem>>)
      %dma_wait3A = arith.constant 0 : i32
      %dma_wait3A_55 = tpu.memref_slice %arg13[%add3A_37, %dma_wait3A] : memref<10240x128xf32, #tpu.memory_space<vmem_shared>> -> memref<80x128xf32, #tpu.memory_space<vmem_shared>>
      %dma_wait3A_56 = arith.constant 0 : i32
      %dma_wait3A_57 = tpu.memref_slice %arg13[%add3A_37, %dma_wait3A_56] : memref<10240x128xf32, #tpu.memory_space<vmem_shared>> -> memref<80x128xf32, #tpu.memory_space<vmem_shared>>
      tpu.wait_dma2 semaphore(%run_scoped3A : memref<!tpu.dma_semaphore, #tpu.memory_space<semaphore_mem>>) src(%arg11 : memref<80x128xf32, #tpu.memory_space<vmem>>) dst(%dma_wait3A_57 : memref<80x128xf32, #tpu.memory_space<vmem_shared>>)
      tpu.yield
    }) : () -> ()
    %barrier3A = arith.constant 0 : index
    tpu.barrier barrier_id(%barrier3A)
    %scan3A_38 = arith.constant 0 : i32
    %scan3A_39 = arith.constant 0 : i32
    %scan3A_40 = arith.constant 8 : i32
    %scan3A_41 = arith.addi %scan3A_39, %scan3A_40 : i32
    %scan3A_42 = arith.constant 1 : i32
    %scan3A_43 = scf.for %scan3A_52 = %scan3A_39 to %scan3A_41 step %scan3A_42 iter_args(%scan3A_53 = %scan3A_38) -> (i32)  : i32 {
      %mul3A_54 = arith.constant 2 : i32
      %mul3A_55 = arith.muli %mul3A_54, %scan3A_52 : i32
      %add3A_56 = arith.addi %mul3A_55, %arg0 : i32
      %mul3A_57 = arith.constant 160000 : i32
      %mul3A_58 = arith.muli %scan3A_52, %mul3A_57 : i32
      %mul3A_59 = arith.constant 10000 : i32
      %mul3A_60 = arith.muli %arg1, %mul3A_59 : i32
      %add3A_61 = arith.addi %mul3A_58, %mul3A_60 : i32
      %dma_start3A = arith.constant 0 : i32
      %dma_start3A_62 = tpu.memref_slice %arg8[%dma_start3A] : memref<10000xi32, #tpu.memory_space<vmem>> -> memref<80xi32, #tpu.memory_space<vmem>>
      %dma_start3A_63 = arith.constant 0 : i32
      %dma_start3A_64 = arith.constant 0 : i32
      %dma_start3A_65 = tpu.memref_slice %arg2[%add3A_56, %dma_start3A_63, %dma_start3A_64] : memref<16x10240x128xf32, #tpu.memory_space<hbm>> -> memref<1x10240x128xf32, #tpu.memory_space<hbm>>
      %dma_start3A_66 = tpu.memref_squeeze %dma_start3A_65 : memref<1x10240x128xf32, #tpu.memory_space<hbm>> -> memref<10240x128xf32, #tpu.memory_space<hbm>>
      %dma_start3A_67 = arith.constant 0 : i32
      %dma_start3A_68 = arith.constant 0 : i32
      %dma_start3A_69 = tpu.memref_slice %dma_start3A_66[%dma_start3A_67, %dma_start3A_68] : memref<10240x128xf32, #tpu.memory_space<hbm>> -> memref<10240x128xf32, #tpu.memory_space<hbm>>
      tpu.enqueue_indirect_dma source(%dma_start3A_69 : memref<10240x128xf32, #tpu.memory_space<hbm>>) target(%arg11 : memref<80x128xf32, #tpu.memory_space<vmem>>) offsets(%dma_start3A_62 : memref<80xi32, #tpu.memory_space<vmem>>) semaphore(%arg14 : memref<!tpu.dma_semaphore, #tpu.memory_space<semaphore_mem>>)
      %add3A_70 = arith.constant 0 : i32
      %add3A_71 = arith.addi %add3A_61, %add3A_70 : i32
      %dma_start3A_72 = arith.constant 0 : i32
      %dma_start3A_73 = tpu.memref_slice %arg9[%dma_start3A_72] : memref<96xf32, #tpu.memory_space<vmem>> -> memref<80xf32, #tpu.memory_space<vmem>>
      %dma_start3A_74 = tpu.memref_slice %arg3[%add3A_71] : memref<1280000xf32, #tpu.memory_space<hbm>> -> memref<80xf32, #tpu.memory_space<hbm>>
      %dma_start3A_75 = arith.constant 0 : i32
      %dma_start3A_76 = tpu.memref_slice %arg9[%dma_start3A_75] : memref<96xf32, #tpu.memory_space<vmem>> -> memref<80xf32, #tpu.memory_space<vmem>>
      %dma_start3A_77 = tpu.memref_slice %arg3[%add3A_71] : memref<1280000xf32, #tpu.memory_space<hbm>> -> memref<80xf32, #tpu.memory_space<hbm>>
      tpu.enqueue_dma source(%dma_start3A_77 : memref<80xf32, #tpu.memory_space<hbm>>) target(%dma_start3A_76 : memref<80xf32, #tpu.memory_space<vmem>>) target_semaphore(%arg16 : memref<!tpu.dma_semaphore, #tpu.memory_space<semaphore_mem>>)
      %scan3A_78 = arith.constant 0 : i32
      %scan3A_79 = arith.constant 0 : i32
      %scan3A_80 = arith.constant 62 : i32
      %scan3A_81 = arith.addi %scan3A_79, %scan3A_80 : i32
      %scan3A_82 = arith.constant 1 : i32
      %scan3A_83 = scf.for %scan3A_118 = %scan3A_79 to %scan3A_81 step %scan3A_82 iter_args(%scan3A_119 = %scan3A_78) -> (i32)  : i32 {
        %mul3A_120 = arith.constant 2 : i32
        %mul3A_121 = arith.muli %mul3A_120, %scan3A_118 : i32
        %add3A_122 = arith.constant 1 : i32
        %add3A_123 = arith.addi %mul3A_121, %add3A_122 : i32
        %add3A_124 = arith.constant 1 : i32
        %add3A_125 = arith.addi %scan3A_118, %add3A_124 : i32
        %lt3A = arith.constant 62 : i32
        %lt3A_126 = arith.cmpi slt, %add3A_125, %lt3A : i32
        %add3A_127 = arith.constant 2 : i32
        %add3A_128 = arith.addi %mul3A_121, %add3A_127 : i32
        %jit3A = arith.constant 124 : i32
        %select_n3A = arith.select %lt3A_126, %add3A_128, %jit3A : i32
        %mul3A_129 = arith.constant 80 : i32
        %mul3A_130 = arith.muli %add3A_123, %mul3A_129 : i32
        %dma_start3A_131 = tpu.memref_slice %arg8[%mul3A_130] : memref<10000xi32, #tpu.memory_space<vmem>> -> memref<80xi32, #tpu.memory_space<vmem>>
        %dma_start3A_132 = arith.constant 0 : i32
        %dma_start3A_133 = arith.constant 0 : i32
        %dma_start3A_134 = tpu.memref_slice %arg2[%add3A_56, %dma_start3A_132, %dma_start3A_133] : memref<16x10240x128xf32, #tpu.memory_space<hbm>> -> memref<1x10240x128xf32, #tpu.memory_space<hbm>>
        %dma_start3A_135 = tpu.memref_squeeze %dma_start3A_134 : memref<1x10240x128xf32, #tpu.memory_space<hbm>> -> memref<10240x128xf32, #tpu.memory_space<hbm>>
        %dma_start3A_136 = arith.constant 0 : i32
        %dma_start3A_137 = arith.constant 0 : i32
        %dma_start3A_138 = tpu.memref_slice %dma_start3A_135[%dma_start3A_136, %dma_start3A_137] : memref<10240x128xf32, #tpu.memory_space<hbm>> -> memref<10240x128xf32, #tpu.memory_space<hbm>>
        tpu.enqueue_indirect_dma source(%dma_start3A_138 : memref<10240x128xf32, #tpu.memory_space<hbm>>) target(%arg12 : memref<80x128xf32, #tpu.memory_space<vmem>>) offsets(%dma_start3A_131 : memref<80xi32, #tpu.memory_space<vmem>>) semaphore(%arg15 : memref<!tpu.dma_semaphore, #tpu.memory_space<semaphore_mem>>)
        %mul3A_139 = arith.constant 80 : i32
        %mul3A_140 = arith.muli %add3A_123, %mul3A_139 : i32
        %add3A_141 = arith.addi %add3A_61, %mul3A_140 : i32
        %dma_start3A_142 = arith.constant 0 : i32
        %dma_start3A_143 = tpu.memref_slice %arg10[%dma_start3A_142] : memref<96xf32, #tpu.memory_space<vmem>> -> memref<80xf32, #tpu.memory_space<vmem>>
        %dma_start3A_144 = tpu.memref_slice %arg3[%add3A_141] : memref<1280000xf32, #tpu.memory_space<hbm>> -> memref<80xf32, #tpu.memory_space<hbm>>
        %dma_start3A_145 = arith.constant 0 : i32
        %dma_start3A_146 = tpu.memref_slice %arg10[%dma_start3A_145] : memref<96xf32, #tpu.memory_space<vmem>> -> memref<80xf32, #tpu.memory_space<vmem>>
        %dma_start3A_147 = tpu.memref_slice %arg3[%add3A_141] : memref<1280000xf32, #tpu.memory_space<hbm>> -> memref<80xf32, #tpu.memory_space<hbm>>
        tpu.enqueue_dma source(%dma_start3A_147 : memref<80xf32, #tpu.memory_space<hbm>>) target(%dma_start3A_146 : memref<80xf32, #tpu.memory_space<vmem>>) target_semaphore(%arg17 : memref<!tpu.dma_semaphore, #tpu.memory_space<semaphore_mem>>)
        %mul3A_148 = arith.constant 80 : i32
        %mul3A_149 = arith.muli %mul3A_121, %mul3A_148 : i32
        %dma_wait3A_150 = tpu.memref_slice %arg8[%mul3A_149] : memref<10000xi32, #tpu.memory_space<vmem>> -> memref<80xi32, #tpu.memory_space<vmem>>
        %dma_wait3A_151 = arith.constant 0 : i32
        %dma_wait3A_152 = arith.constant 0 : i32
        %dma_wait3A_153 = tpu.memref_slice %arg2[%add3A_56, %dma_wait3A_151, %dma_wait3A_152] : memref<16x10240x128xf32, #tpu.memory_space<hbm>> -> memref<1x10240x128xf32, #tpu.memory_space<hbm>>
        %dma_wait3A_154 = tpu.memref_squeeze %dma_wait3A_153 : memref<1x10240x128xf32, #tpu.memory_space<hbm>> -> memref<10240x128xf32, #tpu.memory_space<hbm>>
        %dma_wait3A_155 = arith.constant 0 : i32
        %dma_wait3A_156 = arith.constant 0 : i32
        %dma_wait3A_157 = tpu.memref_slice %dma_wait3A_154[%dma_wait3A_155, %dma_wait3A_156] : memref<10240x128xf32, #tpu.memory_space<hbm>> -> memref<10240x128xf32, #tpu.memory_space<hbm>>
        tpu.wait_indirect_dma semaphore(%arg14 : memref<!tpu.dma_semaphore, #tpu.memory_space<semaphore_mem>>) src(%dma_wait3A_157 : memref<10240x128xf32, #tpu.memory_space<hbm>>) dst(%arg11 : memref<80x128xf32, #tpu.memory_space<vmem>>)
        %mul3A_158 = arith.constant 80 : i32
        %mul3A_159 = arith.muli %mul3A_121, %mul3A_158 : i32
        %add3A_160 = arith.addi %add3A_61, %mul3A_159 : i32
        %dma_wait3A_161 = arith.constant 0 : i32
        %dma_wait3A_162 = tpu.memref_slice %arg9[%dma_wait3A_161] : memref<96xf32, #tpu.memory_space<vmem>> -> memref<80xf32, #tpu.memory_space<vmem>>
        %dma_wait3A_163 = tpu.memref_slice %arg3[%add3A_160] : memref<1280000xf32, #tpu.memory_space<hbm>> -> memref<80xf32, #tpu.memory_space<hbm>>
        %dma_wait3A_164 = arith.constant 0 : i32
        %dma_wait3A_165 = tpu.memref_slice %arg9[%dma_wait3A_164] : memref<96xf32, #tpu.memory_space<vmem>> -> memref<80xf32, #tpu.memory_space<vmem>>
        %dma_wait3A_166 = tpu.memref_slice %arg3[%add3A_160] : memref<1280000xf32, #tpu.memory_space<hbm>> -> memref<80xf32, #tpu.memory_space<hbm>>
        tpu.wait_dma2 semaphore(%arg16 : memref<!tpu.dma_semaphore, #tpu.memory_space<semaphore_mem>>) src(%dma_wait3A_166 : memref<80xf32, #tpu.memory_space<hbm>>) dst(%dma_wait3A_165 : memref<80xf32, #tpu.memory_space<vmem>>)
        %parallel_loop3A_167 = arith.constant 0 : i32
        %parallel_loop3A_168 = arith.constant 80 : i32
        %parallel_loop3A_169 = arith.constant 1 : i32
        scf.for %parallel_loop3A_236 = %parallel_loop3A_167 to %parallel_loop3A_168 step %parallel_loop3A_169  : i32 {
          %parallel_loop3A_237 = arith.index_cast %parallel_loop3A_236 : i32 to index
          %parallel_loop3A_238 = tpu.vector_load %arg9[%parallel_loop3A_237] {strides = array<i32>} : memref<96xf32, #tpu.memory_space<vmem>>, vector<16xf32>,
          %parallel_loop3A_239 = vector.extract_strided_slice %parallel_loop3A_238 {offsets = [0], sizes = [1], strides = [1]} : vector<16xf32> to vector<1xf32>
          %parallel_loop3A_240 = vector.extract %parallel_loop3A_239[0] : f32 from vector<1xf32>
          %parallel_loop3A_241 = vector.broadcast %parallel_loop3A_240 : f32 to vector<16xf32>
          %parallel_loop3A_242 = arith.index_cast %parallel_loop3A_236 : i32 to index
          %parallel_loop3A_243 = arith.constant 0 : index
          %parallel_loop3A_244 = tpu.vector_load %arg11[%parallel_loop3A_242, %parallel_loop3A_243] {strides = array<i32>} : memref<80x128xf32, #tpu.memory_space<vmem>>, vector<16xf32>,
          %parallel_loop3A_245 = arith.mulf %parallel_loop3A_244, %parallel_loop3A_241 : vector<16xf32>
          %parallel_loop3A_246 = arith.index_cast %parallel_loop3A_236 : i32 to index
          %parallel_loop3A_247 = arith.constant 0 : index
          %parallel_loop3A_248 = tpu.vector_load %arg11[%parallel_loop3A_246, %parallel_loop3A_247] {strides = array<i32>} : memref<80x128xf32, #tpu.memory_space<vmem>>, vector<16xf32>,
          tpu.vector_store %arg11[%parallel_loop3A_246, %parallel_loop3A_247], %parallel_loop3A_245 {strides = array<i32>} : memref<80x128xf32, #tpu.memory_space<vmem>>, vector<16xf32>,
          %parallel_loop3A_249 = arith.index_cast %parallel_loop3A_236 : i32 to index
          %parallel_loop3A_250 = arith.constant 16 : index
          %parallel_loop3A_251 = tpu.vector_load %arg11[%parallel_loop3A_249, %parallel_loop3A_250] {strides = array<i32>} : memref<80x128xf32, #tpu.memory_space<vmem>>, vector<16xf32>,
          %parallel_loop3A_252 = arith.mulf %parallel_loop3A_251, %parallel_loop3A_241 : vector<16xf32>
          %parallel_loop3A_253 = arith.index_cast %parallel_loop3A_236 : i32 to index
          %parallel_loop3A_254 = arith.constant 16 : index
          %parallel_loop3A_255 = tpu.vector_load %arg11[%parallel_loop3A_253, %parallel_loop3A_254] {strides = array<i32>} : memref<80x128xf32, #tpu.memory_space<vmem>>, vector<16xf32>,
          tpu.vector_store %arg11[%parallel_loop3A_253, %parallel_loop3A_254], %parallel_loop3A_252 {strides = array<i32>} : memref<80x128xf32, #tpu.memory_space<vmem>>, vector<16xf32>,
          %parallel_loop3A_256 = arith.index_cast %parallel_loop3A_236 : i32 to index
          %parallel_loop3A_257 = arith.constant 32 : index
          %parallel_loop3A_258 = tpu.vector_load %arg11[%parallel_loop3A_256, %parallel_loop3A_257] {strides = array<i32>} : memref<80x128xf32, #tpu.memory_space<vmem>>, vector<16xf32>,
          %parallel_loop3A_259 = arith.mulf %parallel_loop3A_258, %parallel_loop3A_241 : vector<16xf32>
          %parallel_loop3A_260 = arith.index_cast %parallel_loop3A_236 : i32 to index
          %parallel_loop3A_261 = arith.constant 32 : index
          %parallel_loop3A_262 = tpu.vector_load %arg11[%parallel_loop3A_260, %parallel_loop3A_261] {strides = array<i32>} : memref<80x128xf32, #tpu.memory_space<vmem>>, vector<16xf32>,
          tpu.vector_store %arg11[%parallel_loop3A_260, %parallel_loop3A_261], %parallel_loop3A_259 {strides = array<i32>} : memref<80x128xf32, #tpu.memory_space<vmem>>, vector<16xf32>,
          %parallel_loop3A_263 = arith.index_cast %parallel_loop3A_236 : i32 to index
          %parallel_loop3A_264 = arith.constant 48 : index
          %parallel_loop3A_265 = tpu.vector_load %arg11[%parallel_loop3A_263, %parallel_loop3A_264] {strides = array<i32>} : memref<80x128xf32, #tpu.memory_space<vmem>>, vector<16xf32>,
          %parallel_loop3A_266 = arith.mulf %parallel_loop3A_265, %parallel_loop3A_241 : vector<16xf32>
          %parallel_loop3A_267 = arith.index_cast %parallel_loop3A_236 : i32 to index
          %parallel_loop3A_268 = arith.constant 48 : index
          %parallel_loop3A_269 = tpu.vector_load %arg11[%parallel_loop3A_267, %parallel_loop3A_268] {strides = array<i32>} : memref<80x128xf32, #tpu.memory_space<vmem>>, vector<16xf32>,
          tpu.vector_store %arg11[%parallel_loop3A_267, %parallel_loop3A_268], %parallel_loop3A_266 {strides = array<i32>} : memref<80x128xf32, #tpu.memory_space<vmem>>, vector<16xf32>,
          %parallel_loop3A_270 = arith.index_cast %parallel_loop3A_236 : i32 to index
          %parallel_loop3A_271 = arith.constant 64 : index
          %parallel_loop3A_272 = tpu.vector_load %arg11[%parallel_loop3A_270, %parallel_loop3A_271] {strides = array<i32>} : memref<80x128xf32, #tpu.memory_space<vmem>>, vector<16xf32>,
          %parallel_loop3A_273 = arith.mulf %parallel_loop3A_272, %parallel_loop3A_241 : vector<16xf32>
          %parallel_loop3A_274 = arith.index_cast %parallel_loop3A_236 : i32 to index
          %parallel_loop3A_275 = arith.constant 64 : index
          %parallel_loop3A_276 = tpu.vector_load %arg11[%parallel_loop3A_274, %parallel_loop3A_275] {strides = array<i32>} : memref<80x128xf32, #tpu.memory_space<vmem>>, vector<16xf32>,
          tpu.vector_store %arg11[%parallel_loop3A_274, %parallel_loop3A_275], %parallel_loop3A_273 {strides = array<i32>} : memref<80x128xf32, #tpu.memory_space<vmem>>, vector<16xf32>,
          %parallel_loop3A_277 = arith.index_cast %parallel_loop3A_236 : i32 to index
          %parallel_loop3A_278 = arith.constant 80 : index
          %parallel_loop3A_279 = tpu.vector_load %arg11[%parallel_loop3A_277, %parallel_loop3A_278] {strides = array<i32>} : memref<80x128xf32, #tpu.memory_space<vmem>>, vector<16xf32>,
          %parallel_loop3A_280 = arith.mulf %parallel_loop3A_279, %parallel_loop3A_241 : vector<16xf32>
          %parallel_loop3A_281 = arith.index_cast %parallel_loop3A_236 : i32 to index
          %parallel_loop3A_282 = arith.constant 80 : index
          %parallel_loop3A_283 = tpu.vector_load %arg11[%parallel_loop3A_281, %parallel_loop3A_282] {strides = array<i32>} : memref<80x128xf32, #tpu.memory_space<vmem>>, vector<16xf32>,
          tpu.vector_store %arg11[%parallel_loop3A_281, %parallel_loop3A_282], %parallel_loop3A_280 {strides = array<i32>} : memref<80x128xf32, #tpu.memory_space<vmem>>, vector<16xf32>,
          %parallel_loop3A_284 = arith.index_cast %parallel_loop3A_236 : i32 to index
          %parallel_loop3A_285 = arith.constant 96 : index
          %parallel_loop3A_286 = tpu.vector_load %arg11[%parallel_loop3A_284, %parallel_loop3A_285] {strides = array<i32>} : memref<80x128xf32, #tpu.memory_space<vmem>>, vector<16xf32>,
          %parallel_loop3A_287 = arith.mulf %parallel_loop3A_286, %parallel_loop3A_241 : vector<16xf32>
          %parallel_loop3A_288 = arith.index_cast %parallel_loop3A_236 : i32 to index
          %parallel_loop3A_289 = arith.constant 96 : index
          %parallel_loop3A_290 = tpu.vector_load %arg11[%parallel_loop3A_288, %parallel_loop3A_289] {strides = array<i32>} : memref<80x128xf32, #tpu.memory_space<vmem>>, vector<16xf32>,
          tpu.vector_store %arg11[%parallel_loop3A_288, %parallel_loop3A_289], %parallel_loop3A_287 {strides = array<i32>} : memref<80x128xf32, #tpu.memory_space<vmem>>, vector<16xf32>,
          %parallel_loop3A_291 = arith.index_cast %parallel_loop3A_236 : i32 to index
          %parallel_loop3A_292 = arith.constant 112 : index
          %parallel_loop3A_293 = tpu.vector_load %arg11[%parallel_loop3A_291, %parallel_loop3A_292] {strides = array<i32>} : memref<80x128xf32, #tpu.memory_space<vmem>>, vector<16xf32>,
          %parallel_loop3A_294 = arith.mulf %parallel_loop3A_293, %parallel_loop3A_241 : vector<16xf32>
          %parallel_loop3A_295 = arith.index_cast %parallel_loop3A_236 : i32 to index
          %parallel_loop3A_296 = arith.constant 112 : index
          %parallel_loop3A_297 = tpu.vector_load %arg11[%parallel_loop3A_295, %parallel_loop3A_296] {strides = array<i32>} : memref<80x128xf32, #tpu.memory_space<vmem>>, vector<16xf32>,
          tpu.vector_store %arg11[%parallel_loop3A_295, %parallel_loop3A_296], %parallel_loop3A_294 {strides = array<i32>} : memref<80x128xf32, #tpu.memory_space<vmem>>, vector<16xf32>,
        } {sc.loop_unroll_factor = 4 : i64, sc.parallel_access}
        %dma_start3A_170 = arith.constant 0 : i32
        %dma_start3A_171 = tpu.memref_slice %arg7[%mul3A_121, %dma_start3A_170] : memref<125x80xi32, #tpu.memory_space<vmem>> -> memref<1x80xi32, #tpu.memory_space<vmem>>
        %dma_start3A_172 = tpu.memref_squeeze %dma_start3A_171 : memref<1x80xi32, #tpu.memory_space<vmem>> -> memref<80xi32, #tpu.memory_space<vmem>>
        %dma_start3A_173 = arith.constant 0 : i32
        %dma_start3A_174 = arith.constant 0 : i32
        %dma_start3A_175 = tpu.memref_slice %arg13[%dma_start3A_173, %dma_start3A_174] : memref<10240x128xf32, #tpu.memory_space<vmem_shared>> -> memref<10240x128xf32, #tpu.memory_space<vmem_shared>>
        tpu.enqueue_indirect_dma source(%arg11 : memref<80x128xf32, #tpu.memory_space<vmem>>) target(%dma_start3A_175 : memref<10240x128xf32, #tpu.memory_space<vmem_shared>>) offsets(%dma_start3A_172 : memref<80xi32, #tpu.memory_space<vmem>>) semaphore(%arg14 : memref<!tpu.dma_semaphore, #tpu.memory_space<semaphore_mem>>) {add = true}
        %mul3A_176 = arith.constant 80 : i32
        %mul3A_177 = arith.muli %add3A_123, %mul3A_176 : i32
        %dma_wait3A_178 = tpu.memref_slice %arg8[%mul3A_177] : memref<10000xi32, #tpu.memory_space<vmem>> -> memref<80xi32, #tpu.memory_space<vmem>>
        %dma_wait3A_179 = arith.constant 0 : i32
        %dma_wait3A_180 = arith.constant 0 : i32
        %dma_wait3A_181 = tpu.memref_slice %arg2[%add3A_56, %dma_wait3A_179, %dma_wait3A_180] : memref<16x10240x128xf32, #tpu.memory_space<hbm>> -> memref<1x10240x128xf32, #tpu.memory_space<hbm>>
        %dma_wait3A_182 = tpu.memref_squeeze %dma_wait3A_181 : memref<1x10240x128xf32, #tpu.memory_space<hbm>> -> memref<10240x128xf32, #tpu.memory_space<hbm>>
        %dma_wait3A_183 = arith.constant 0 : i32
        %dma_wait3A_184 = arith.constant 0 : i32
        %dma_wait3A_185 = tpu.memref_slice %dma_wait3A_182[%dma_wait3A_183, %dma_wait3A_184] : memref<10240x128xf32, #tpu.memory_space<hbm>> -> memref<10240x128xf32, #tpu.memory_space<hbm>>
        tpu.wait_indirect_dma semaphore(%arg15 : memref<!tpu.dma_semaphore, #tpu.memory_space<semaphore_mem>>) src(%dma_wait3A_185 : memref<10240x128xf32, #tpu.memory_space<hbm>>) dst(%arg12 : memref<80x128xf32, #tpu.memory_space<vmem>>)
        %mul3A_186 = arith.constant 80 : i32
        %mul3A_187 = arith.muli %add3A_123, %mul3A_186 : i32
        %add3A_188 = arith.addi %add3A_61, %mul3A_187 : i32
        %dma_wait3A_189 = arith.constant 0 : i32
        %dma_wait3A_190 = tpu.memref_slice %arg10[%dma_wait3A_189] : memref<96xf32, #tpu.memory_space<vmem>> -> memref<80xf32, #tpu.memory_space<vmem>>
        %dma_wait3A_191 = tpu.memref_slice %arg3[%add3A_188] : memref<1280000xf32, #tpu.memory_space<hbm>> -> memref<80xf32, #tpu.memory_space<hbm>>
        %dma_wait3A_192 = arith.constant 0 : i32
        %dma_wait3A_193 = tpu.memref_slice %arg10[%dma_wait3A_192] : memref<96xf32, #tpu.memory_space<vmem>> -> memref<80xf32, #tpu.memory_space<vmem>>
        %dma_wait3A_194 = tpu.memref_slice %arg3[%add3A_188] : memref<1280000xf32, #tpu.memory_space<hbm>> -> memref<80xf32, #tpu.memory_space<hbm>>
        tpu.wait_dma2 semaphore(%arg17 : memref<!tpu.dma_semaphore, #tpu.memory_space<semaphore_mem>>) src(%dma_wait3A_194 : memref<80xf32, #tpu.memory_space<hbm>>) dst(%dma_wait3A_193 : memref<80xf32, #tpu.memory_space<vmem>>)
        %parallel_loop3A_195 = arith.constant 0 : i32
        %parallel_loop3A_196 = arith.constant 80 : i32
        %parallel_loop3A_197 = arith.constant 1 : i32
        scf.for %parallel_loop3A_236 = %parallel_loop3A_195 to %parallel_loop3A_196 step %parallel_loop3A_197  : i32 {
          %parallel_loop3A_237 = arith.index_cast %parallel_loop3A_236 : i32 to index
          %parallel_loop3A_238 = tpu.vector_load %arg10[%parallel_loop3A_237] {strides = array<i32>} : memref<96xf32, #tpu.memory_space<vmem>>, vector<16xf32>,
          %parallel_loop3A_239 = vector.extract_strided_slice %parallel_loop3A_238 {offsets = [0], sizes = [1], strides = [1]} : vector<16xf32> to vector<1xf32>
          %parallel_loop3A_240 = vector.extract %parallel_loop3A_239[0] : f32 from vector<1xf32>
          %parallel_loop3A_241 = vector.broadcast %parallel_loop3A_240 : f32 to vector<16xf32>
          %parallel_loop3A_242 = arith.index_cast %parallel_loop3A_236 : i32 to index
          %parallel_loop3A_243 = arith.constant 0 : index
          %parallel_loop3A_244 = tpu.vector_load %arg12[%parallel_loop3A_242, %parallel_loop3A_243] {strides = array<i32>} : memref<80x128xf32, #tpu.memory_space<vmem>>, vector<16xf32>,
          %parallel_loop3A_245 = arith.mulf %parallel_loop3A_244, %parallel_loop3A_241 : vector<16xf32>
          %parallel_loop3A_246 = arith.index_cast %parallel_loop3A_236 : i32 to index
          %parallel_loop3A_247 = arith.constant 0 : index
          %parallel_loop3A_248 = tpu.vector_load %arg12[%parallel_loop3A_246, %parallel_loop3A_247] {strides = array<i32>} : memref<80x128xf32, #tpu.memory_space<vmem>>, vector<16xf32>,
          tpu.vector_store %arg12[%parallel_loop3A_246, %parallel_loop3A_247], %parallel_loop3A_245 {strides = array<i32>} : memref<80x128xf32, #tpu.memory_space<vmem>>, vector<16xf32>,
          %parallel_loop3A_249 = arith.index_cast %parallel_loop3A_236 : i32 to index
          %parallel_loop3A_250 = arith.constant 16 : index
          %parallel_loop3A_251 = tpu.vector_load %arg12[%parallel_loop3A_249, %parallel_loop3A_250] {strides = array<i32>} : memref<80x128xf32, #tpu.memory_space<vmem>>, vector<16xf32>,
          %parallel_loop3A_252 = arith.mulf %parallel_loop3A_251, %parallel_loop3A_241 : vector<16xf32>
          %parallel_loop3A_253 = arith.index_cast %parallel_loop3A_236 : i32 to index
          %parallel_loop3A_254 = arith.constant 16 : index
          %parallel_loop3A_255 = tpu.vector_load %arg12[%parallel_loop3A_253, %parallel_loop3A_254] {strides = array<i32>} : memref<80x128xf32, #tpu.memory_space<vmem>>, vector<16xf32>,
          tpu.vector_store %arg12[%parallel_loop3A_253, %parallel_loop3A_254], %parallel_loop3A_252 {strides = array<i32>} : memref<80x128xf32, #tpu.memory_space<vmem>>, vector<16xf32>,
          %parallel_loop3A_256 = arith.index_cast %parallel_loop3A_236 : i32 to index
          %parallel_loop3A_257 = arith.constant 32 : index
          %parallel_loop3A_258 = tpu.vector_load %arg12[%parallel_loop3A_256, %parallel_loop3A_257] {strides = array<i32>} : memref<80x128xf32, #tpu.memory_space<vmem>>, vector<16xf32>,
          %parallel_loop3A_259 = arith.mulf %parallel_loop3A_258, %parallel_loop3A_241 : vector<16xf32>
          %parallel_loop3A_260 = arith.index_cast %parallel_loop3A_236 : i32 to index
          %parallel_loop3A_261 = arith.constant 32 : index
          %parallel_loop3A_262 = tpu.vector_load %arg12[%parallel_loop3A_260, %parallel_loop3A_261] {strides = array<i32>} : memref<80x128xf32, #tpu.memory_space<vmem>>, vector<16xf32>,
          tpu.vector_store %arg12[%parallel_loop3A_260, %parallel_loop3A_261], %parallel_loop3A_259 {strides = array<i32>} : memref<80x128xf32, #tpu.memory_space<vmem>>, vector<16xf32>,
          %parallel_loop3A_263 = arith.index_cast %parallel_loop3A_236 : i32 to index
          %parallel_loop3A_264 = arith.constant 48 : index
          %parallel_loop3A_265 = tpu.vector_load %arg12[%parallel_loop3A_263, %parallel_loop3A_264] {strides = array<i32>} : memref<80x128xf32, #tpu.memory_space<vmem>>, vector<16xf32>,
          %parallel_loop3A_266 = arith.mulf %parallel_loop3A_265, %parallel_loop3A_241 : vector<16xf32>
          %parallel_loop3A_267 = arith.index_cast %parallel_loop3A_236 : i32 to index
          %parallel_loop3A_268 = arith.constant 48 : index
          %parallel_loop3A_269 = tpu.vector_load %arg12[%parallel_loop3A_267, %parallel_loop3A_268] {strides = array<i32>} : memref<80x128xf32, #tpu.memory_space<vmem>>, vector<16xf32>,
          tpu.vector_store %arg12[%parallel_loop3A_267, %parallel_loop3A_268], %parallel_loop3A_266 {strides = array<i32>} : memref<80x128xf32, #tpu.memory_space<vmem>>, vector<16xf32>,
          %parallel_loop3A_270 = arith.index_cast %parallel_loop3A_236 : i32 to index
          %parallel_loop3A_271 = arith.constant 64 : index
          %parallel_loop3A_272 = tpu.vector_load %arg12[%parallel_loop3A_270, %parallel_loop3A_271] {strides = array<i32>} : memref<80x128xf32, #tpu.memory_space<vmem>>, vector<16xf32>,
          %parallel_loop3A_273 = arith.mulf %parallel_loop3A_272, %parallel_loop3A_241 : vector<16xf32>
          %parallel_loop3A_274 = arith.index_cast %parallel_loop3A_236 : i32 to index
          %parallel_loop3A_275 = arith.constant 64 : index
          %parallel_loop3A_276 = tpu.vector_load %arg12[%parallel_loop3A_274, %parallel_loop3A_275] {strides = array<i32>} : memref<80x128xf32, #tpu.memory_space<vmem>>, vector<16xf32>,
          tpu.vector_store %arg12[%parallel_loop3A_274, %parallel_loop3A_275], %parallel_loop3A_273 {strides = array<i32>} : memref<80x128xf32, #tpu.memory_space<vmem>>, vector<16xf32>,
          %parallel_loop3A_277 = arith.index_cast %parallel_loop3A_236 : i32 to index
          %parallel_loop3A_278 = arith.constant 80 : index
          %parallel_loop3A_279 = tpu.vector_load %arg12[%parallel_loop3A_277, %parallel_loop3A_278] {strides = array<i32>} : memref<80x128xf32, #tpu.memory_space<vmem>>, vector<16xf32>,
          %parallel_loop3A_280 = arith.mulf %parallel_loop3A_279, %parallel_loop3A_241 : vector<16xf32>
          %parallel_loop3A_281 = arith.index_cast %parallel_loop3A_236 : i32 to index
          %parallel_loop3A_282 = arith.constant 80 : index
          %parallel_loop3A_283 = tpu.vector_load %arg12[%parallel_loop3A_281, %parallel_loop3A_282] {strides = array<i32>} : memref<80x128xf32, #tpu.memory_space<vmem>>, vector<16xf32>,
          tpu.vector_store %arg12[%parallel_loop3A_281, %parallel_loop3A_282], %parallel_loop3A_280 {strides = array<i32>} : memref<80x128xf32, #tpu.memory_space<vmem>>, vector<16xf32>,
          %parallel_loop3A_284 = arith.index_cast %parallel_loop3A_236 : i32 to index
          %parallel_loop3A_285 = arith.constant 96 : index
          %parallel_loop3A_286 = tpu.vector_load %arg12[%parallel_loop3A_284, %parallel_loop3A_285] {strides = array<i32>} : memref<80x128xf32, #tpu.memory_space<vmem>>, vector<16xf32>,
          %parallel_loop3A_287 = arith.mulf %parallel_loop3A_286, %parallel_loop3A_241 : vector<16xf32>
          %parallel_loop3A_288 = arith.index_cast %parallel_loop3A_236 : i32 to index
          %parallel_loop3A_289 = arith.constant 96 : index
          %parallel_loop3A_290 = tpu.vector_load %arg12[%parallel_loop3A_288, %parallel_loop3A_289] {strides = array<i32>} : memref<80x128xf32, #tpu.memory_space<vmem>>, vector<16xf32>,
          tpu.vector_store %arg12[%parallel_loop3A_288, %parallel_loop3A_289], %parallel_loop3A_287 {strides = array<i32>} : memref<80x128xf32, #tpu.memory_space<vmem>>, vector<16xf32>,
          %parallel_loop3A_291 = arith.index_cast %parallel_loop3A_236 : i32 to index
          %parallel_loop3A_292 = arith.constant 112 : index
          %parallel_loop3A_293 = tpu.vector_load %arg12[%parallel_loop3A_291, %parallel_loop3A_292] {strides = array<i32>} : memref<80x128xf32, #tpu.memory_space<vmem>>, vector<16xf32>,
          %parallel_loop3A_294 = arith.mulf %parallel_loop3A_293, %parallel_loop3A_241 : vector<16xf32>
          %parallel_loop3A_295 = arith.index_cast %parallel_loop3A_236 : i32 to index
          %parallel_loop3A_296 = arith.constant 112 : index
          %parallel_loop3A_297 = tpu.vector_load %arg12[%parallel_loop3A_295, %parallel_loop3A_296] {strides = array<i32>} : memref<80x128xf32, #tpu.memory_space<vmem>>, vector<16xf32>,
          tpu.vector_store %arg12[%parallel_loop3A_295, %parallel_loop3A_296], %parallel_loop3A_294 {strides = array<i32>} : memref<80x128xf32, #tpu.memory_space<vmem>>, vector<16xf32>,
        } {sc.loop_unroll_factor = 4 : i64, sc.parallel_access}
        %dma_start3A_198 = arith.constant 0 : i32
        %dma_start3A_199 = tpu.memref_slice %arg7[%add3A_123, %dma_start3A_198] : memref<125x80xi32, #tpu.memory_space<vmem>> -> memref<1x80xi32, #tpu.memory_space<vmem>>
        %dma_start3A_200 = tpu.memref_squeeze %dma_start3A_199 : memref<1x80xi32, #tpu.memory_space<vmem>> -> memref<80xi32, #tpu.memory_space<vmem>>
        %dma_start3A_201 = arith.constant 0 : i32
        %dma_start3A_202 = arith.constant 0 : i32
        %dma_start3A_203 = tpu.memref_slice %arg13[%dma_start3A_201, %dma_start3A_202] : memref<10240x128xf32, #tpu.memory_space<vmem_shared>> -> memref<10240x128xf32, #tpu.memory_space<vmem_shared>>
        tpu.enqueue_indirect_dma source(%arg12 : memref<80x128xf32, #tpu.memory_space<vmem>>) target(%dma_start3A_203 : memref<10240x128xf32, #tpu.memory_space<vmem_shared>>) offsets(%dma_start3A_200 : memref<80xi32, #tpu.memory_space<vmem>>) semaphore(%arg15 : memref<!tpu.dma_semaphore, #tpu.memory_space<semaphore_mem>>) {add = true}
        %dma_wait3A_204 = arith.constant 0 : i32
        %dma_wait3A_205 = tpu.memref_slice %arg7[%mul3A_121, %dma_wait3A_204] : memref<125x80xi32, #tpu.memory_space<vmem>> -> memref<1x80xi32, #tpu.memory_space<vmem>>
        %dma_wait3A_206 = tpu.memref_squeeze %dma_wait3A_205 : memref<1x80xi32, #tpu.memory_space<vmem>> -> memref<80xi32, #tpu.memory_space<vmem>>
        %dma_wait3A_207 = arith.constant 0 : i32
        %dma_wait3A_208 = arith.constant 0 : i32
        %dma_wait3A_209 = tpu.memref_slice %arg13[%dma_wait3A_207, %dma_wait3A_208] : memref<10240x128xf32, #tpu.memory_space<vmem_shared>> -> memref<10240x128xf32, #tpu.memory_space<vmem_shared>>
        tpu.wait_indirect_dma semaphore(%arg14 : memref<!tpu.dma_semaphore, #tpu.memory_space<semaphore_mem>>) src(%arg11 : memref<80x128xf32, #tpu.memory_space<vmem>>) dst(%dma_wait3A_209 : memref<10240x128xf32, #tpu.memory_space<vmem_shared>>)
        %mul3A_210 = arith.constant 80 : i32
        %mul3A_211 = arith.muli %select_n3A, %mul3A_210 : i32
        %dma_start3A_212 = tpu.memref_slice %arg8[%mul3A_211] : memref<10000xi32, #tpu.memory_space<vmem>> -> memref<80xi32, #tpu.memory_space<vmem>>
        %dma_start3A_213 = arith.constant 0 : i32
        %dma_start3A_214 = arith.constant 0 : i32
        %dma_start3A_215 = tpu.memref_slice %arg2[%add3A_56, %dma_start3A_213, %dma_start3A_214] : memref<16x10240x128xf32, #tpu.memory_space<hbm>> -> memref<1x10240x128xf32, #tpu.memory_space<hbm>>
        %dma_start3A_216 = tpu.memref_squeeze %dma_start3A_215 : memref<1x10240x128xf32, #tpu.memory_space<hbm>> -> memref<10240x128xf32, #tpu.memory_space<hbm>>
        %dma_start3A_217 = arith.constant 0 : i32
        %dma_start3A_218 = arith.constant 0 : i32
        %dma_start3A_219 = tpu.memref_slice %dma_start3A_216[%dma_start3A_217, %dma_start3A_218] : memref<10240x128xf32, #tpu.memory_space<hbm>> -> memref<10240x128xf32, #tpu.memory_space<hbm>>
        tpu.enqueue_indirect_dma source(%dma_start3A_219 : memref<10240x128xf32, #tpu.memory_space<hbm>>) target(%arg11 : memref<80x128xf32, #tpu.memory_space<vmem>>) offsets(%dma_start3A_212 : memref<80xi32, #tpu.memory_space<vmem>>) semaphore(%arg14 : memref<!tpu.dma_semaphore, #tpu.memory_space<semaphore_mem>>)
        %mul3A_220 = arith.constant 80 : i32
        %mul3A_221 = arith.muli %select_n3A, %mul3A_220 : i32
        %add3A_222 = arith.addi %add3A_61, %mul3A_221 : i32
        %dma_start3A_223 = arith.constant 0 : i32
        %dma_start3A_224 = tpu.memref_slice %arg9[%dma_start3A_223] : memref<96xf32, #tpu.memory_space<vmem>> -> memref<80xf32, #tpu.memory_space<vmem>>
        %dma_start3A_225 = tpu.memref_slice %arg3[%add3A_222] : memref<1280000xf32, #tpu.memory_space<hbm>> -> memref<80xf32, #tpu.memory_space<hbm>>
        %dma_start3A_226 = arith.constant 0 : i32
        %dma_start3A_227 = tpu.memref_slice %arg9[%dma_start3A_226] : memref<96xf32, #tpu.memory_space<vmem>> -> memref<80xf32, #tpu.memory_space<vmem>>
        %dma_start3A_228 = tpu.memref_slice %arg3[%add3A_222] : memref<1280000xf32, #tpu.memory_space<hbm>> -> memref<80xf32, #tpu.memory_space<hbm>>
        tpu.enqueue_dma source(%dma_start3A_228 : memref<80xf32, #tpu.memory_space<hbm>>) target(%dma_start3A_227 : memref<80xf32, #tpu.memory_space<vmem>>) target_semaphore(%arg16 : memref<!tpu.dma_semaphore, #tpu.memory_space<semaphore_mem>>)
        %dma_wait3A_229 = arith.constant 0 : i32
        %dma_wait3A_230 = tpu.memref_slice %arg7[%add3A_123, %dma_wait3A_229] : memref<125x80xi32, #tpu.memory_space<vmem>> -> memref<1x80xi32, #tpu.memory_space<vmem>>
        %dma_wait3A_231 = tpu.memref_squeeze %dma_wait3A_230 : memref<1x80xi32, #tpu.memory_space<vmem>> -> memref<80xi32, #tpu.memory_space<vmem>>
        %dma_wait3A_232 = arith.constant 0 : i32
        %dma_wait3A_233 = arith.constant 0 : i32
        %dma_wait3A_234 = tpu.memref_slice %arg13[%dma_wait3A_232, %dma_wait3A_233] : memref<10240x128xf32, #tpu.memory_space<vmem_shared>> -> memref<10240x128xf32, #tpu.memory_space<vmem_shared>>
        tpu.wait_indirect_dma semaphore(%arg15 : memref<!tpu.dma_semaphore, #tpu.memory_space<semaphore_mem>>) src(%arg12 : memref<80x128xf32, #tpu.memory_space<vmem>>) dst(%dma_wait3A_234 : memref<10240x128xf32, #tpu.memory_space<vmem_shared>>)
        %scan3A_235 = arith.constant 0 : i32
        scf.yield %scan3A_235 : i32
      }
      %scan3A_84 = arith.constant 62 : i32
      %dma_wait3A = arith.constant 9920 : i32
      %dma_wait3A_85 = tpu.memref_slice %arg8[%dma_wait3A] : memref<10000xi32, #tpu.memory_space<vmem>> -> memref<80xi32, #tpu.memory_space<vmem>>
      %dma_wait3A_86 = arith.constant 0 : i32
      %dma_wait3A_87 = arith.constant 0 : i32
      %dma_wait3A_88 = tpu.memref_slice %arg2[%add3A_56, %dma_wait3A_86, %dma_wait3A_87] : memref<16x10240x128xf32, #tpu.memory_space<hbm>> -> memref<1x10240x128xf32, #tpu.memory_space<hbm>>
      %dma_wait3A_89 = tpu.memref_squeeze %dma_wait3A_88 : memref<1x10240x128xf32, #tpu.memory_space<hbm>> -> memref<10240x128xf32, #tpu.memory_space<hbm>>
      %dma_wait3A_90 = arith.constant 0 : i32
      %dma_wait3A_91 = arith.constant 0 : i32
      %dma_wait3A_92 = tpu.memref_slice %dma_wait3A_89[%dma_wait3A_90, %dma_wait3A_91] : memref<10240x128xf32, #tpu.memory_space<hbm>> -> memref<10240x128xf32, #tpu.memory_space<hbm>>
      tpu.wait_indirect_dma semaphore(%arg14 : memref<!tpu.dma_semaphore, #tpu.memory_space<semaphore_mem>>) src(%dma_wait3A_92 : memref<10240x128xf32, #tpu.memory_space<hbm>>) dst(%arg11 : memref<80x128xf32, #tpu.memory_space<vmem>>)
      %add3A_93 = arith.constant 9920 : i32
      %add3A_94 = arith.addi %add3A_61, %add3A_93 : i32
      %dma_wait3A_95 = arith.constant 0 : i32
      %dma_wait3A_96 = tpu.memref_slice %arg9[%dma_wait3A_95] : memref<96xf32, #tpu.memory_space<vmem>> -> memref<80xf32, #tpu.memory_space<vmem>>
      %dma_wait3A_97 = tpu.memref_slice %arg3[%add3A_94] : memref<1280000xf32, #tpu.memory_space<hbm>> -> memref<80xf32, #tpu.memory_space<hbm>>
      %dma_wait3A_98 = arith.constant 0 : i32
      %dma_wait3A_99 = tpu.memref_slice %arg9[%dma_wait3A_98] : memref<96xf32, #tpu.memory_space<vmem>> -> memref<80xf32, #tpu.memory_space<vmem>>
      %dma_wait3A_100 = tpu.memref_slice %arg3[%add3A_94] : memref<1280000xf32, #tpu.memory_space<hbm>> -> memref<80xf32, #tpu.memory_space<hbm>>
      tpu.wait_dma2 semaphore(%arg16 : memref<!tpu.dma_semaphore, #tpu.memory_space<semaphore_mem>>) src(%dma_wait3A_100 : memref<80xf32, #tpu.memory_space<hbm>>) dst(%dma_wait3A_99 : memref<80xf32, #tpu.memory_space<vmem>>)
      %parallel_loop3A = arith.constant 0 : i32
      %parallel_loop3A_101 = arith.constant 80 : i32
      %parallel_loop3A_102 = arith.constant 1 : i32
      scf.for %parallel_loop3A_118 = %parallel_loop3A to %parallel_loop3A_101 step %parallel_loop3A_102  : i32 {
        %parallel_loop3A_119 = arith.index_cast %parallel_loop3A_118 : i32 to index
        %parallel_loop3A_120 = tpu.vector_load %arg9[%parallel_loop3A_119] {strides = array<i32>} : memref<96xf32, #tpu.memory_space<vmem>>, vector<16xf32>,
        %parallel_loop3A_121 = vector.extract_strided_slice %parallel_loop3A_120 {offsets = [0], sizes = [1], strides = [1]} : vector<16xf32> to vector<1xf32>
        %parallel_loop3A_122 = vector.extract %parallel_loop3A_121[0] : f32 from vector<1xf32>
        %parallel_loop3A_123 = vector.broadcast %parallel_loop3A_122 : f32 to vector<16xf32>
        %parallel_loop3A_124 = arith.index_cast %parallel_loop3A_118 : i32 to index
        %parallel_loop3A_125 = arith.constant 0 : index
        %parallel_loop3A_126 = tpu.vector_load %arg11[%parallel_loop3A_124, %parallel_loop3A_125] {strides = array<i32>} : memref<80x128xf32, #tpu.memory_space<vmem>>, vector<16xf32>,
        %parallel_loop3A_127 = arith.mulf %parallel_loop3A_126, %parallel_loop3A_123 : vector<16xf32>
        %parallel_loop3A_128 = arith.index_cast %parallel_loop3A_118 : i32 to index
        %parallel_loop3A_129 = arith.constant 0 : index
        %parallel_loop3A_130 = tpu.vector_load %arg11[%parallel_loop3A_128, %parallel_loop3A_129] {strides = array<i32>} : memref<80x128xf32, #tpu.memory_space<vmem>>, vector<16xf32>,
        tpu.vector_store %arg11[%parallel_loop3A_128, %parallel_loop3A_129], %parallel_loop3A_127 {strides = array<i32>} : memref<80x128xf32, #tpu.memory_space<vmem>>, vector<16xf32>,
        %parallel_loop3A_131 = arith.index_cast %parallel_loop3A_118 : i32 to index
        %parallel_loop3A_132 = arith.constant 16 : index
        %parallel_loop3A_133 = tpu.vector_load %arg11[%parallel_loop3A_131, %parallel_loop3A_132] {strides = array<i32>} : memref<80x128xf32, #tpu.memory_space<vmem>>, vector<16xf32>,
        %parallel_loop3A_134 = arith.mulf %parallel_loop3A_133, %parallel_loop3A_123 : vector<16xf32>
        %parallel_loop3A_135 = arith.index_cast %parallel_loop3A_118 : i32 to index
        %parallel_loop3A_136 = arith.constant 16 : index
        %parallel_loop3A_137 = tpu.vector_load %arg11[%parallel_loop3A_135, %parallel_loop3A_136] {strides = array<i32>} : memref<80x128xf32, #tpu.memory_space<vmem>>, vector<16xf32>,
        tpu.vector_store %arg11[%parallel_loop3A_135, %parallel_loop3A_136], %parallel_loop3A_134 {strides = array<i32>} : memref<80x128xf32, #tpu.memory_space<vmem>>, vector<16xf32>,
        %parallel_loop3A_138 = arith.index_cast %parallel_loop3A_118 : i32 to index
        %parallel_loop3A_139 = arith.constant 32 : index
        %parallel_loop3A_140 = tpu.vector_load %arg11[%parallel_loop3A_138, %parallel_loop3A_139] {strides = array<i32>} : memref<80x128xf32, #tpu.memory_space<vmem>>, vector<16xf32>,
        %parallel_loop3A_141 = arith.mulf %parallel_loop3A_140, %parallel_loop3A_123 : vector<16xf32>
        %parallel_loop3A_142 = arith.index_cast %parallel_loop3A_118 : i32 to index
        %parallel_loop3A_143 = arith.constant 32 : index
        %parallel_loop3A_144 = tpu.vector_load %arg11[%parallel_loop3A_142, %parallel_loop3A_143] {strides = array<i32>} : memref<80x128xf32, #tpu.memory_space<vmem>>, vector<16xf32>,
        tpu.vector_store %arg11[%parallel_loop3A_142, %parallel_loop3A_143], %parallel_loop3A_141 {strides = array<i32>} : memref<80x128xf32, #tpu.memory_space<vmem>>, vector<16xf32>,
        %parallel_loop3A_145 = arith.index_cast %parallel_loop3A_118 : i32 to index
        %parallel_loop3A_146 = arith.constant 48 : index
        %parallel_loop3A_147 = tpu.vector_load %arg11[%parallel_loop3A_145, %parallel_loop3A_146] {strides = array<i32>} : memref<80x128xf32, #tpu.memory_space<vmem>>, vector<16xf32>,
        %parallel_loop3A_148 = arith.mulf %parallel_loop3A_147, %parallel_loop3A_123 : vector<16xf32>
        %parallel_loop3A_149 = arith.index_cast %parallel_loop3A_118 : i32 to index
        %parallel_loop3A_150 = arith.constant 48 : index
        %parallel_loop3A_151 = tpu.vector_load %arg11[%parallel_loop3A_149, %parallel_loop3A_150] {strides = array<i32>} : memref<80x128xf32, #tpu.memory_space<vmem>>, vector<16xf32>,
        tpu.vector_store %arg11[%parallel_loop3A_149, %parallel_loop3A_150], %parallel_loop3A_148 {strides = array<i32>} : memref<80x128xf32, #tpu.memory_space<vmem>>, vector<16xf32>,
        %parallel_loop3A_152 = arith.index_cast %parallel_loop3A_118 : i32 to index
        %parallel_loop3A_153 = arith.constant 64 : index
        %parallel_loop3A_154 = tpu.vector_load %arg11[%parallel_loop3A_152, %parallel_loop3A_153] {strides = array<i32>} : memref<80x128xf32, #tpu.memory_space<vmem>>, vector<16xf32>,
        %parallel_loop3A_155 = arith.mulf %parallel_loop3A_154, %parallel_loop3A_123 : vector<16xf32>
        %parallel_loop3A_156 = arith.index_cast %parallel_loop3A_118 : i32 to index
        %parallel_loop3A_157 = arith.constant 64 : index
        %parallel_loop3A_158 = tpu.vector_load %arg11[%parallel_loop3A_156, %parallel_loop3A_157] {strides = array<i32>} : memref<80x128xf32, #tpu.memory_space<vmem>>, vector<16xf32>,
        tpu.vector_store %arg11[%parallel_loop3A_156, %parallel_loop3A_157], %parallel_loop3A_155 {strides = array<i32>} : memref<80x128xf32, #tpu.memory_space<vmem>>, vector<16xf32>,
        %parallel_loop3A_159 = arith.index_cast %parallel_loop3A_118 : i32 to index
        %parallel_loop3A_160 = arith.constant 80 : index
        %parallel_loop3A_161 = tpu.vector_load %arg11[%parallel_loop3A_159, %parallel_loop3A_160] {strides = array<i32>} : memref<80x128xf32, #tpu.memory_space<vmem>>, vector<16xf32>,
        %parallel_loop3A_162 = arith.mulf %parallel_loop3A_161, %parallel_loop3A_123 : vector<16xf32>
        %parallel_loop3A_163 = arith.index_cast %parallel_loop3A_118 : i32 to index
        %parallel_loop3A_164 = arith.constant 80 : index
        %parallel_loop3A_165 = tpu.vector_load %arg11[%parallel_loop3A_163, %parallel_loop3A_164] {strides = array<i32>} : memref<80x128xf32, #tpu.memory_space<vmem>>, vector<16xf32>,
        tpu.vector_store %arg11[%parallel_loop3A_163, %parallel_loop3A_164], %parallel_loop3A_162 {strides = array<i32>} : memref<80x128xf32, #tpu.memory_space<vmem>>, vector<16xf32>,
        %parallel_loop3A_166 = arith.index_cast %parallel_loop3A_118 : i32 to index
        %parallel_loop3A_167 = arith.constant 96 : index
        %parallel_loop3A_168 = tpu.vector_load %arg11[%parallel_loop3A_166, %parallel_loop3A_167] {strides = array<i32>} : memref<80x128xf32, #tpu.memory_space<vmem>>, vector<16xf32>,
        %parallel_loop3A_169 = arith.mulf %parallel_loop3A_168, %parallel_loop3A_123 : vector<16xf32>
        %parallel_loop3A_170 = arith.index_cast %parallel_loop3A_118 : i32 to index
        %parallel_loop3A_171 = arith.constant 96 : index
        %parallel_loop3A_172 = tpu.vector_load %arg11[%parallel_loop3A_170, %parallel_loop3A_171] {strides = array<i32>} : memref<80x128xf32, #tpu.memory_space<vmem>>, vector<16xf32>,
        tpu.vector_store %arg11[%parallel_loop3A_170, %parallel_loop3A_171], %parallel_loop3A_169 {strides = array<i32>} : memref<80x128xf32, #tpu.memory_space<vmem>>, vector<16xf32>,
        %parallel_loop3A_173 = arith.index_cast %parallel_loop3A_118 : i32 to index
        %parallel_loop3A_174 = arith.constant 112 : index
        %parallel_loop3A_175 = tpu.vector_load %arg11[%parallel_loop3A_173, %parallel_loop3A_174] {strides = array<i32>} : memref<80x128xf32, #tpu.memory_space<vmem>>, vector<16xf32>,
        %parallel_loop3A_176 = arith.mulf %parallel_loop3A_175, %parallel_loop3A_123 : vector<16xf32>
        %parallel_loop3A_177 = arith.index_cast %parallel_loop3A_118 : i32 to index
        %parallel_loop3A_178 = arith.constant 112 : index
        %parallel_loop3A_179 = tpu.vector_load %arg11[%parallel_loop3A_177, %parallel_loop3A_178] {strides = array<i32>} : memref<80x128xf32, #tpu.memory_space<vmem>>, vector<16xf32>,
        tpu.vector_store %arg11[%parallel_loop3A_177, %parallel_loop3A_178], %parallel_loop3A_176 {strides = array<i32>} : memref<80x128xf32, #tpu.memory_space<vmem>>, vector<16xf32>,
      } {sc.loop_unroll_factor = 4 : i64, sc.parallel_access}
      %dma_start3A_103 = arith.constant 124 : i32
      %dma_start3A_104 = arith.constant 0 : i32
      %dma_start3A_105 = tpu.memref_slice %arg7[%dma_start3A_103, %dma_start3A_104] : memref<125x80xi32, #tpu.memory_space<vmem>> -> memref<1x80xi32, #tpu.memory_space<vmem>>
      %dma_start3A_106 = tpu.memref_squeeze %dma_start3A_105 : memref<1x80xi32, #tpu.memory_space<vmem>> -> memref<80xi32, #tpu.memory_space<vmem>>
      %dma_start3A_107 = arith.constant 0 : i32
      %dma_start3A_108 = arith.constant 0 : i32
      %dma_start3A_109 = tpu.memref_slice %arg13[%dma_start3A_107, %dma_start3A_108] : memref<10240x128xf32, #tpu.memory_space<vmem_shared>> -> memref<10240x128xf32, #tpu.memory_space<vmem_shared>>
      tpu.enqueue_indirect_dma source(%arg11 : memref<80x128xf32, #tpu.memory_space<vmem>>) target(%dma_start3A_109 : memref<10240x128xf32, #tpu.memory_space<vmem_shared>>) offsets(%dma_start3A_106 : memref<80xi32, #tpu.memory_space<vmem>>) semaphore(%arg14 : memref<!tpu.dma_semaphore, #tpu.memory_space<semaphore_mem>>) {add = true}
      %dma_wait3A_110 = arith.constant 124 : i32
      %dma_wait3A_111 = arith.constant 0 : i32
      %dma_wait3A_112 = tpu.memref_slice %arg7[%dma_wait3A_110, %dma_wait3A_111] : memref<125x80xi32, #tpu.memory_space<vmem>> -> memref<1x80xi32, #tpu.memory_space<vmem>>
      %dma_wait3A_113 = tpu.memref_squeeze %dma_wait3A_112 : memref<1x80xi32, #tpu.memory_space<vmem>> -> memref<80xi32, #tpu.memory_space<vmem>>
      %dma_wait3A_114 = arith.constant 0 : i32
      %dma_wait3A_115 = arith.constant 0 : i32
      %dma_wait3A_116 = tpu.memref_slice %arg13[%dma_wait3A_114, %dma_wait3A_115] : memref<10240x128xf32, #tpu.memory_space<vmem_shared>> -> memref<10240x128xf32, #tpu.memory_space<vmem_shared>>
      tpu.wait_indirect_dma semaphore(%arg14 : memref<!tpu.dma_semaphore, #tpu.memory_space<semaphore_mem>>) src(%arg11 : memref<80x128xf32, #tpu.memory_space<vmem>>) dst(%dma_wait3A_116 : memref<10240x128xf32, #tpu.memory_space<vmem_shared>>)
      %scan3A_117 = arith.constant 0 : i32
      scf.yield %scan3A_117 : i32
    }
    %scan3A_44 = arith.constant 8 : i32
    %barrier3A_45 = arith.constant 0 : index
    tpu.barrier barrier_id(%barrier3A_45)
    %mul3A_46 = arith.constant 640 : i32
    %mul3A_47 = arith.muli %arg1, %mul3A_46 : i32
    %mul3A_48 = arith.constant 640 : i32
    %mul3A_49 = arith.muli %arg1, %mul3A_48 : i32
    %mul3A_50 = arith.constant 128 : i32
    %mul3A_51 = arith.muli %arg0, %mul3A_50 : i32
    "tpu.region"() ({
      %run_scoped3A = tpu.sem_alloc : memref<!tpu.dma_semaphore, #tpu.memory_space<semaphore_mem>>
      %dma_start3A = tpu.memref_slice %arg6[%mul3A_49, %mul3A_51] : memref<10240x256xf32, #tpu.memory_space<hbm>> -> memref<640x128xf32, #tpu.memory_space<hbm>>
      %dma_start3A_52 = arith.constant 0 : i32
      %dma_start3A_53 = tpu.memref_slice %arg13[%mul3A_47, %dma_start3A_52] : memref<10240x128xf32, #tpu.memory_space<vmem_shared>> -> memref<640x128xf32, #tpu.memory_space<vmem_shared>>
      tpu.enqueue_dma source(%dma_start3A_53 : memref<640x128xf32, #tpu.memory_space<vmem_shared>>) target(%dma_start3A : memref<640x128xf32, #tpu.memory_space<hbm>>) target_semaphore(%run_scoped3A : memref<!tpu.dma_semaphore, #tpu.memory_space<semaphore_mem>>)
      %dma_wait3A = tpu.memref_slice %arg6[%mul3A_49, %mul3A_51] : memref<10240x256xf32, #tpu.memory_space<hbm>> -> memref<640x128xf32, #tpu.memory_space<hbm>>
      %dma_wait3A_54 = arith.constant 0 : i32
      %dma_wait3A_55 = tpu.memref_slice %arg13[%mul3A_47, %dma_wait3A_54] : memref<10240x128xf32, #tpu.memory_space<vmem_shared>> -> memref<640x128xf32, #tpu.memory_space<vmem_shared>>
      tpu.wait_dma2 semaphore(%run_scoped3A : memref<!tpu.dma_semaphore, #tpu.memory_space<semaphore_mem>>) src(%dma_wait3A_55 : memref<640x128xf32, #tpu.memory_space<vmem_shared>>) dst(%dma_wait3A : memref<640x128xf32, #tpu.memory_space<hbm>>)
      tpu.yield
    }) : () -> ()
    return
  }
}

module attributes {stable_mosaic.version = 14 : i64} {
  func.func @_tc_body(%arg0: i32, %arg1: memref<1024x256xf32, #tpu.memory_space<vmem>>, %arg2: memref<16x256x128xf32, #tpu.memory_space<vmem>>, %arg3: memref<16x128xf32, #tpu.memory_space<vmem>>, %arg4: memref<16x128xf32, #tpu.memory_space<vmem>>, %arg5: memref<16x128xf32, #tpu.memory_space<vmem>>, %arg6: memref<16x1024x128xf32, #tpu.memory_space<vmem>>, %arg7: memref<16x1024xf32, #tpu.memory_space<vmem>>) attributes {dimension_semantics = [#tpu.dimension_semantics<arbitrary>], iteration_bounds = array<i64: 10>, scalar_prefetch = 0 : i64, scratch_operands = 0 : i64, tpu.core_type = #tpu.core_type<tc>, window_params = [{transform_indices = @transform_0, window_bounds = array<i64: 1024, 256>}, {pipeline_mode = #tpu.pipeline_mode<synchronous>, transform_indices = @transform_1, window_bounds = array<i64: 16, 256, 128>}, {pipeline_mode = #tpu.pipeline_mode<synchronous>, transform_indices = @transform_2, window_bounds = array<i64: 16, 128>}, {pipeline_mode = #tpu.pipeline_mode<synchronous>, transform_indices = @transform_3, window_bounds = array<i64: 16, 128>}, {pipeline_mode = #tpu.pipeline_mode<synchronous>, transform_indices = @transform_4, window_bounds = array<i64: 16, 128>}, {transform_indices = @transform_5, window_bounds = array<i64: 16, 1024, 128>}, {transform_indices = @transform_6, window_bounds = array<i64: 16, 1024>}]} {
    %get3A = arith.constant 0 : index
    %get3A_0 = arith.constant 0 : index
    %get3A_1 = vector.load %arg1[%get3A, %get3A_0] : memref<1024x256xf32, #tpu.memory_space<vmem>>, vector<1024x256xf32>
    %get3A_2 = arith.constant 0 : index
    %get3A_3 = arith.constant 0 : index
    %get3A_4 = arith.constant 0 : index
    %get3A_5 = vector.load %arg2[%get3A_2, %get3A_3, %get3A_4] : memref<16x256x128xf32, #tpu.memory_space<vmem>>, vector<1x256x128xf32>
    %get3A_6 = vector.shape_cast %get3A_5 : vector<1x256x128xf32> to vector<256x128xf32>
    %dot_general3A = arith.constant dense<0.000000e+00> : vector<1024x128xf32>
    %dot_general3A_7 = tpu.matmul %get3A_1, %get3A_6, %dot_general3A {dimension_numbers = #tpu.dot_dimension_numbers<[1], [0], [0], [1], [0, 0, 1, 1], [], []>, transpose_lhs_hint = false} : vector<1024x256xf32>, vector<256x128xf32>, vector<1024x128xf32> -> vector<1024x128xf32>
    %get3A_8 = arith.constant 0 : index
    %get3A_9 = arith.constant 0 : index
    %get3A_10 = vector.load %arg3[%get3A_8, %get3A_9] : memref<16x128xf32, #tpu.memory_space<vmem>>, vector<1x128xf32>
    %add3A = vector.broadcast %get3A_10 : vector<1x128xf32> to vector<1024x128xf32>
    %add3A_11 = arith.addf %dot_general3A_7, %add3A : vector<1024x128xf32>
    %swap3A = arith.constant 0 : index
    %swap3A_12 = arith.constant 0 : index
    %swap3A_13 = arith.constant 0 : index
    %swap3A_14 = vector.load %arg6[%swap3A, %swap3A_12, %swap3A_13] : memref<16x1024x128xf32, #tpu.memory_space<vmem>>, vector<1x1024x128xf32>
    %swap3A_15 = vector.shape_cast %swap3A_14 : vector<1x1024x128xf32> to vector<1024x128xf32>
    %swap3A_16 = vector.shape_cast %add3A_11 : vector<1024x128xf32> to vector<1x1024x128xf32>
    tpu.vector_store %arg6[%swap3A, %swap3A_12, %swap3A_13], %swap3A_16 {strides = array<i32>} : memref<16x1024x128xf32, #tpu.memory_space<vmem>>, vector<1x1024x128xf32>,
    %get3A_17 = arith.constant 0 : index
    %get3A_18 = arith.constant 0 : index
    %get3A_19 = vector.load %arg4[%get3A_17, %get3A_18] : memref<16x128xf32, #tpu.memory_space<vmem>>, vector<1x128xf32>
    %dot_general3A_20 = arith.constant dense<0.000000e+00> : vector<1x1024xf32>
    %dot_general3A_21 = tpu.matmul %get3A_19, %add3A_11, %dot_general3A_20 {dimension_numbers = #tpu.dot_dimension_numbers<[1], [1], [0], [0], [0, 0, 1, 0], [], []>, transpose_lhs_hint = false} : vector<1x128xf32>, vector<1024x128xf32>, vector<1x1024xf32> -> vector<1x1024xf32>
    %get3A_22 = arith.constant 0 : index
    %get3A_23 = arith.constant 0 : index
    %get3A_24 = vector.load %arg5[%get3A_22, %get3A_23] : memref<16x128xf32, #tpu.memory_space<vmem>>, vector<1x128xf32>
    %dot_general3A_25 = arith.constant dense<0.000000e+00> : vector<1x1024xf32>
    %dot_general3A_26 = tpu.matmul %get3A_24, %add3A_11, %dot_general3A_25 {dimension_numbers = #tpu.dot_dimension_numbers<[1], [1], [0], [0], [0, 0, 1, 0], [], []>, transpose_lhs_hint = false} : vector<1x128xf32>, vector<1024x128xf32>, vector<1x1024xf32> -> vector<1x1024xf32>
    %get3A_27 = arith.constant 1 : index
    %get3A_28 = arith.constant 0 : index
    %get3A_29 = arith.constant 0 : index
    %get3A_30 = vector.load %arg2[%get3A_27, %get3A_28, %get3A_29] : memref<16x256x128xf32, #tpu.memory_space<vmem>>, vector<1x256x128xf32>
    %get3A_31 = vector.shape_cast %get3A_30 : vector<1x256x128xf32> to vector<256x128xf32>
    %dot_general3A_32 = arith.constant dense<0.000000e+00> : vector<1024x128xf32>
    %dot_general3A_33 = tpu.matmul %get3A_1, %get3A_31, %dot_general3A_32 {dimension_numbers = #tpu.dot_dimension_numbers<[1], [0], [0], [1], [0, 0, 1, 1], [], []>, transpose_lhs_hint = false} : vector<1024x256xf32>, vector<256x128xf32>, vector<1024x128xf32> -> vector<1024x128xf32>
    %get3A_34 = arith.constant 1 : index
    %get3A_35 = arith.constant 0 : index
    %get3A_36 = vector.load %arg3[%get3A_34, %get3A_35] : memref<16x128xf32, #tpu.memory_space<vmem>>, vector<1x128xf32>
    %add3A_37 = vector.broadcast %get3A_36 : vector<1x128xf32> to vector<1024x128xf32>
    %add3A_38 = arith.addf %dot_general3A_33, %add3A_37 : vector<1024x128xf32>
    %swap3A_39 = arith.constant 1 : index
    %swap3A_40 = arith.constant 0 : index
    %swap3A_41 = arith.constant 0 : index
    %swap3A_42 = vector.load %arg6[%swap3A_39, %swap3A_40, %swap3A_41] : memref<16x1024x128xf32, #tpu.memory_space<vmem>>, vector<1x1024x128xf32>
    %swap3A_43 = vector.shape_cast %swap3A_42 : vector<1x1024x128xf32> to vector<1024x128xf32>
    %swap3A_44 = vector.shape_cast %add3A_38 : vector<1024x128xf32> to vector<1x1024x128xf32>
    tpu.vector_store %arg6[%swap3A_39, %swap3A_40, %swap3A_41], %swap3A_44 {strides = array<i32>} : memref<16x1024x128xf32, #tpu.memory_space<vmem>>, vector<1x1024x128xf32>,
    %get3A_45 = arith.constant 1 : index
    %get3A_46 = arith.constant 0 : index
    %get3A_47 = vector.load %arg4[%get3A_45, %get3A_46] : memref<16x128xf32, #tpu.memory_space<vmem>>, vector<1x128xf32>
    %dot_general3A_48 = arith.constant dense<0.000000e+00> : vector<1x1024xf32>
    %dot_general3A_49 = tpu.matmul %get3A_47, %add3A_38, %dot_general3A_48 {dimension_numbers = #tpu.dot_dimension_numbers<[1], [1], [0], [0], [0, 0, 1, 0], [], []>, transpose_lhs_hint = false} : vector<1x128xf32>, vector<1024x128xf32>, vector<1x1024xf32> -> vector<1x1024xf32>
    %get3A_50 = arith.constant 1 : index
    %get3A_51 = arith.constant 0 : index
    %get3A_52 = vector.load %arg5[%get3A_50, %get3A_51] : memref<16x128xf32, #tpu.memory_space<vmem>>, vector<1x128xf32>
    %dot_general3A_53 = arith.constant dense<0.000000e+00> : vector<1x1024xf32>
    %dot_general3A_54 = tpu.matmul %get3A_52, %add3A_38, %dot_general3A_53 {dimension_numbers = #tpu.dot_dimension_numbers<[1], [1], [0], [0], [0, 0, 1, 0], [], []>, transpose_lhs_hint = false} : vector<1x128xf32>, vector<1024x128xf32>, vector<1x1024xf32> -> vector<1x1024xf32>
    %get3A_55 = arith.constant 2 : index
    %get3A_56 = arith.constant 0 : index
    %get3A_57 = arith.constant 0 : index
    %get3A_58 = vector.load %arg2[%get3A_55, %get3A_56, %get3A_57] : memref<16x256x128xf32, #tpu.memory_space<vmem>>, vector<1x256x128xf32>
    %get3A_59 = vector.shape_cast %get3A_58 : vector<1x256x128xf32> to vector<256x128xf32>
    %dot_general3A_60 = arith.constant dense<0.000000e+00> : vector<1024x128xf32>
    %dot_general3A_61 = tpu.matmul %get3A_1, %get3A_59, %dot_general3A_60 {dimension_numbers = #tpu.dot_dimension_numbers<[1], [0], [0], [1], [0, 0, 1, 1], [], []>, transpose_lhs_hint = false} : vector<1024x256xf32>, vector<256x128xf32>, vector<1024x128xf32> -> vector<1024x128xf32>
    %get3A_62 = arith.constant 2 : index
    %get3A_63 = arith.constant 0 : index
    %get3A_64 = vector.load %arg3[%get3A_62, %get3A_63] : memref<16x128xf32, #tpu.memory_space<vmem>>, vector<1x128xf32>
    %add3A_65 = vector.broadcast %get3A_64 : vector<1x128xf32> to vector<1024x128xf32>
    %add3A_66 = arith.addf %dot_general3A_61, %add3A_65 : vector<1024x128xf32>
    %swap3A_67 = arith.constant 2 : index
    %swap3A_68 = arith.constant 0 : index
    %swap3A_69 = arith.constant 0 : index
    %swap3A_70 = vector.load %arg6[%swap3A_67, %swap3A_68, %swap3A_69] : memref<16x1024x128xf32, #tpu.memory_space<vmem>>, vector<1x1024x128xf32>
    %swap3A_71 = vector.shape_cast %swap3A_70 : vector<1x1024x128xf32> to vector<1024x128xf32>
    %swap3A_72 = vector.shape_cast %add3A_66 : vector<1024x128xf32> to vector<1x1024x128xf32>
    tpu.vector_store %arg6[%swap3A_67, %swap3A_68, %swap3A_69], %swap3A_72 {strides = array<i32>} : memref<16x1024x128xf32, #tpu.memory_space<vmem>>, vector<1x1024x128xf32>,
    %get3A_73 = arith.constant 2 : index
    %get3A_74 = arith.constant 0 : index
    %get3A_75 = vector.load %arg4[%get3A_73, %get3A_74] : memref<16x128xf32, #tpu.memory_space<vmem>>, vector<1x128xf32>
    %dot_general3A_76 = arith.constant dense<0.000000e+00> : vector<1x1024xf32>
    %dot_general3A_77 = tpu.matmul %get3A_75, %add3A_66, %dot_general3A_76 {dimension_numbers = #tpu.dot_dimension_numbers<[1], [1], [0], [0], [0, 0, 1, 0], [], []>, transpose_lhs_hint = false} : vector<1x128xf32>, vector<1024x128xf32>, vector<1x1024xf32> -> vector<1x1024xf32>
    %get3A_78 = arith.constant 2 : index
    %get3A_79 = arith.constant 0 : index
    %get3A_80 = vector.load %arg5[%get3A_78, %get3A_79] : memref<16x128xf32, #tpu.memory_space<vmem>>, vector<1x128xf32>
    %dot_general3A_81 = arith.constant dense<0.000000e+00> : vector<1x1024xf32>
    %dot_general3A_82 = tpu.matmul %get3A_80, %add3A_66, %dot_general3A_81 {dimension_numbers = #tpu.dot_dimension_numbers<[1], [1], [0], [0], [0, 0, 1, 0], [], []>, transpose_lhs_hint = false} : vector<1x128xf32>, vector<1024x128xf32>, vector<1x1024xf32> -> vector<1x1024xf32>
    %get3A_83 = arith.constant 3 : index
    %get3A_84 = arith.constant 0 : index
    %get3A_85 = arith.constant 0 : index
    %get3A_86 = vector.load %arg2[%get3A_83, %get3A_84, %get3A_85] : memref<16x256x128xf32, #tpu.memory_space<vmem>>, vector<1x256x128xf32>
    %get3A_87 = vector.shape_cast %get3A_86 : vector<1x256x128xf32> to vector<256x128xf32>
    %dot_general3A_88 = arith.constant dense<0.000000e+00> : vector<1024x128xf32>
    %dot_general3A_89 = tpu.matmul %get3A_1, %get3A_87, %dot_general3A_88 {dimension_numbers = #tpu.dot_dimension_numbers<[1], [0], [0], [1], [0, 0, 1, 1], [], []>, transpose_lhs_hint = false} : vector<1024x256xf32>, vector<256x128xf32>, vector<1024x128xf32> -> vector<1024x128xf32>
    %get3A_90 = arith.constant 3 : index
    %get3A_91 = arith.constant 0 : index
    %get3A_92 = vector.load %arg3[%get3A_90, %get3A_91] : memref<16x128xf32, #tpu.memory_space<vmem>>, vector<1x128xf32>
    %add3A_93 = vector.broadcast %get3A_92 : vector<1x128xf32> to vector<1024x128xf32>
    %add3A_94 = arith.addf %dot_general3A_89, %add3A_93 : vector<1024x128xf32>
    %swap3A_95 = arith.constant 3 : index
    %swap3A_96 = arith.constant 0 : index
    %swap3A_97 = arith.constant 0 : index
    %swap3A_98 = vector.load %arg6[%swap3A_95, %swap3A_96, %swap3A_97] : memref<16x1024x128xf32, #tpu.memory_space<vmem>>, vector<1x1024x128xf32>
    %swap3A_99 = vector.shape_cast %swap3A_98 : vector<1x1024x128xf32> to vector<1024x128xf32>
    %swap3A_100 = vector.shape_cast %add3A_94 : vector<1024x128xf32> to vector<1x1024x128xf32>
    tpu.vector_store %arg6[%swap3A_95, %swap3A_96, %swap3A_97], %swap3A_100 {strides = array<i32>} : memref<16x1024x128xf32, #tpu.memory_space<vmem>>, vector<1x1024x128xf32>,
    %get3A_101 = arith.constant 3 : index
    %get3A_102 = arith.constant 0 : index
    %get3A_103 = vector.load %arg4[%get3A_101, %get3A_102] : memref<16x128xf32, #tpu.memory_space<vmem>>, vector<1x128xf32>
    %dot_general3A_104 = arith.constant dense<0.000000e+00> : vector<1x1024xf32>
    %dot_general3A_105 = tpu.matmul %get3A_103, %add3A_94, %dot_general3A_104 {dimension_numbers = #tpu.dot_dimension_numbers<[1], [1], [0], [0], [0, 0, 1, 0], [], []>, transpose_lhs_hint = false} : vector<1x128xf32>, vector<1024x128xf32>, vector<1x1024xf32> -> vector<1x1024xf32>
    %get3A_106 = arith.constant 3 : index
    %get3A_107 = arith.constant 0 : index
    %get3A_108 = vector.load %arg5[%get3A_106, %get3A_107] : memref<16x128xf32, #tpu.memory_space<vmem>>, vector<1x128xf32>
    %dot_general3A_109 = arith.constant dense<0.000000e+00> : vector<1x1024xf32>
    %dot_general3A_110 = tpu.matmul %get3A_108, %add3A_94, %dot_general3A_109 {dimension_numbers = #tpu.dot_dimension_numbers<[1], [1], [0], [0], [0, 0, 1, 0], [], []>, transpose_lhs_hint = false} : vector<1x128xf32>, vector<1024x128xf32>, vector<1x1024xf32> -> vector<1x1024xf32>
    %get3A_111 = arith.constant 4 : index
    %get3A_112 = arith.constant 0 : index
    %get3A_113 = arith.constant 0 : index
    %get3A_114 = vector.load %arg2[%get3A_111, %get3A_112, %get3A_113] : memref<16x256x128xf32, #tpu.memory_space<vmem>>, vector<1x256x128xf32>
    %get3A_115 = vector.shape_cast %get3A_114 : vector<1x256x128xf32> to vector<256x128xf32>
    %dot_general3A_116 = arith.constant dense<0.000000e+00> : vector<1024x128xf32>
    %dot_general3A_117 = tpu.matmul %get3A_1, %get3A_115, %dot_general3A_116 {dimension_numbers = #tpu.dot_dimension_numbers<[1], [0], [0], [1], [0, 0, 1, 1], [], []>, transpose_lhs_hint = false} : vector<1024x256xf32>, vector<256x128xf32>, vector<1024x128xf32> -> vector<1024x128xf32>
    %get3A_118 = arith.constant 4 : index
    %get3A_119 = arith.constant 0 : index
    %get3A_120 = vector.load %arg3[%get3A_118, %get3A_119] : memref<16x128xf32, #tpu.memory_space<vmem>>, vector<1x128xf32>
    %add3A_121 = vector.broadcast %get3A_120 : vector<1x128xf32> to vector<1024x128xf32>
    %add3A_122 = arith.addf %dot_general3A_117, %add3A_121 : vector<1024x128xf32>
    %swap3A_123 = arith.constant 4 : index
    %swap3A_124 = arith.constant 0 : index
    %swap3A_125 = arith.constant 0 : index
    %swap3A_126 = vector.load %arg6[%swap3A_123, %swap3A_124, %swap3A_125] : memref<16x1024x128xf32, #tpu.memory_space<vmem>>, vector<1x1024x128xf32>
    %swap3A_127 = vector.shape_cast %swap3A_126 : vector<1x1024x128xf32> to vector<1024x128xf32>
    %swap3A_128 = vector.shape_cast %add3A_122 : vector<1024x128xf32> to vector<1x1024x128xf32>
    tpu.vector_store %arg6[%swap3A_123, %swap3A_124, %swap3A_125], %swap3A_128 {strides = array<i32>} : memref<16x1024x128xf32, #tpu.memory_space<vmem>>, vector<1x1024x128xf32>,
    %get3A_129 = arith.constant 4 : index
    %get3A_130 = arith.constant 0 : index
    %get3A_131 = vector.load %arg4[%get3A_129, %get3A_130] : memref<16x128xf32, #tpu.memory_space<vmem>>, vector<1x128xf32>
    %dot_general3A_132 = arith.constant dense<0.000000e+00> : vector<1x1024xf32>
    %dot_general3A_133 = tpu.matmul %get3A_131, %add3A_122, %dot_general3A_132 {dimension_numbers = #tpu.dot_dimension_numbers<[1], [1], [0], [0], [0, 0, 1, 0], [], []>, transpose_lhs_hint = false} : vector<1x128xf32>, vector<1024x128xf32>, vector<1x1024xf32> -> vector<1x1024xf32>
    %get3A_134 = arith.constant 4 : index
    %get3A_135 = arith.constant 0 : index
    %get3A_136 = vector.load %arg5[%get3A_134, %get3A_135] : memref<16x128xf32, #tpu.memory_space<vmem>>, vector<1x128xf32>
    %dot_general3A_137 = arith.constant dense<0.000000e+00> : vector<1x1024xf32>
    %dot_general3A_138 = tpu.matmul %get3A_136, %add3A_122, %dot_general3A_137 {dimension_numbers = #tpu.dot_dimension_numbers<[1], [1], [0], [0], [0, 0, 1, 0], [], []>, transpose_lhs_hint = false} : vector<1x128xf32>, vector<1024x128xf32>, vector<1x1024xf32> -> vector<1x1024xf32>
    %get3A_139 = arith.constant 5 : index
    %get3A_140 = arith.constant 0 : index
    %get3A_141 = arith.constant 0 : index
    %get3A_142 = vector.load %arg2[%get3A_139, %get3A_140, %get3A_141] : memref<16x256x128xf32, #tpu.memory_space<vmem>>, vector<1x256x128xf32>
    %get3A_143 = vector.shape_cast %get3A_142 : vector<1x256x128xf32> to vector<256x128xf32>
    %dot_general3A_144 = arith.constant dense<0.000000e+00> : vector<1024x128xf32>
    %dot_general3A_145 = tpu.matmul %get3A_1, %get3A_143, %dot_general3A_144 {dimension_numbers = #tpu.dot_dimension_numbers<[1], [0], [0], [1], [0, 0, 1, 1], [], []>, transpose_lhs_hint = false} : vector<1024x256xf32>, vector<256x128xf32>, vector<1024x128xf32> -> vector<1024x128xf32>
    %get3A_146 = arith.constant 5 : index
    %get3A_147 = arith.constant 0 : index
    %get3A_148 = vector.load %arg3[%get3A_146, %get3A_147] : memref<16x128xf32, #tpu.memory_space<vmem>>, vector<1x128xf32>
    %add3A_149 = vector.broadcast %get3A_148 : vector<1x128xf32> to vector<1024x128xf32>
    %add3A_150 = arith.addf %dot_general3A_145, %add3A_149 : vector<1024x128xf32>
    %swap3A_151 = arith.constant 5 : index
    %swap3A_152 = arith.constant 0 : index
    %swap3A_153 = arith.constant 0 : index
    %swap3A_154 = vector.load %arg6[%swap3A_151, %swap3A_152, %swap3A_153] : memref<16x1024x128xf32, #tpu.memory_space<vmem>>, vector<1x1024x128xf32>
    %swap3A_155 = vector.shape_cast %swap3A_154 : vector<1x1024x128xf32> to vector<1024x128xf32>
    %swap3A_156 = vector.shape_cast %add3A_150 : vector<1024x128xf32> to vector<1x1024x128xf32>
    tpu.vector_store %arg6[%swap3A_151, %swap3A_152, %swap3A_153], %swap3A_156 {strides = array<i32>} : memref<16x1024x128xf32, #tpu.memory_space<vmem>>, vector<1x1024x128xf32>,
    %get3A_157 = arith.constant 5 : index
    %get3A_158 = arith.constant 0 : index
    %get3A_159 = vector.load %arg4[%get3A_157, %get3A_158] : memref<16x128xf32, #tpu.memory_space<vmem>>, vector<1x128xf32>
    %dot_general3A_160 = arith.constant dense<0.000000e+00> : vector<1x1024xf32>
    %dot_general3A_161 = tpu.matmul %get3A_159, %add3A_150, %dot_general3A_160 {dimension_numbers = #tpu.dot_dimension_numbers<[1], [1], [0], [0], [0, 0, 1, 0], [], []>, transpose_lhs_hint = false} : vector<1x128xf32>, vector<1024x128xf32>, vector<1x1024xf32> -> vector<1x1024xf32>
    %get3A_162 = arith.constant 5 : index
    %get3A_163 = arith.constant 0 : index
    %get3A_164 = vector.load %arg5[%get3A_162, %get3A_163] : memref<16x128xf32, #tpu.memory_space<vmem>>, vector<1x128xf32>
    %dot_general3A_165 = arith.constant dense<0.000000e+00> : vector<1x1024xf32>
    %dot_general3A_166 = tpu.matmul %get3A_164, %add3A_150, %dot_general3A_165 {dimension_numbers = #tpu.dot_dimension_numbers<[1], [1], [0], [0], [0, 0, 1, 0], [], []>, transpose_lhs_hint = false} : vector<1x128xf32>, vector<1024x128xf32>, vector<1x1024xf32> -> vector<1x1024xf32>
    %get3A_167 = arith.constant 6 : index
    %get3A_168 = arith.constant 0 : index
    %get3A_169 = arith.constant 0 : index
    %get3A_170 = vector.load %arg2[%get3A_167, %get3A_168, %get3A_169] : memref<16x256x128xf32, #tpu.memory_space<vmem>>, vector<1x256x128xf32>
    %get3A_171 = vector.shape_cast %get3A_170 : vector<1x256x128xf32> to vector<256x128xf32>
    %dot_general3A_172 = arith.constant dense<0.000000e+00> : vector<1024x128xf32>
    %dot_general3A_173 = tpu.matmul %get3A_1, %get3A_171, %dot_general3A_172 {dimension_numbers = #tpu.dot_dimension_numbers<[1], [0], [0], [1], [0, 0, 1, 1], [], []>, transpose_lhs_hint = false} : vector<1024x256xf32>, vector<256x128xf32>, vector<1024x128xf32> -> vector<1024x128xf32>
    %get3A_174 = arith.constant 6 : index
    %get3A_175 = arith.constant 0 : index
    %get3A_176 = vector.load %arg3[%get3A_174, %get3A_175] : memref<16x128xf32, #tpu.memory_space<vmem>>, vector<1x128xf32>
    %add3A_177 = vector.broadcast %get3A_176 : vector<1x128xf32> to vector<1024x128xf32>
    %add3A_178 = arith.addf %dot_general3A_173, %add3A_177 : vector<1024x128xf32>
    %swap3A_179 = arith.constant 6 : index
    %swap3A_180 = arith.constant 0 : index
    %swap3A_181 = arith.constant 0 : index
    %swap3A_182 = vector.load %arg6[%swap3A_179, %swap3A_180, %swap3A_181] : memref<16x1024x128xf32, #tpu.memory_space<vmem>>, vector<1x1024x128xf32>
    %swap3A_183 = vector.shape_cast %swap3A_182 : vector<1x1024x128xf32> to vector<1024x128xf32>
    %swap3A_184 = vector.shape_cast %add3A_178 : vector<1024x128xf32> to vector<1x1024x128xf32>
    tpu.vector_store %arg6[%swap3A_179, %swap3A_180, %swap3A_181], %swap3A_184 {strides = array<i32>} : memref<16x1024x128xf32, #tpu.memory_space<vmem>>, vector<1x1024x128xf32>,
    %get3A_185 = arith.constant 6 : index
    %get3A_186 = arith.constant 0 : index
    %get3A_187 = vector.load %arg4[%get3A_185, %get3A_186] : memref<16x128xf32, #tpu.memory_space<vmem>>, vector<1x128xf32>
    %dot_general3A_188 = arith.constant dense<0.000000e+00> : vector<1x1024xf32>
    %dot_general3A_189 = tpu.matmul %get3A_187, %add3A_178, %dot_general3A_188 {dimension_numbers = #tpu.dot_dimension_numbers<[1], [1], [0], [0], [0, 0, 1, 0], [], []>, transpose_lhs_hint = false} : vector<1x128xf32>, vector<1024x128xf32>, vector<1x1024xf32> -> vector<1x1024xf32>
    %get3A_190 = arith.constant 6 : index
    %get3A_191 = arith.constant 0 : index
    %get3A_192 = vector.load %arg5[%get3A_190, %get3A_191] : memref<16x128xf32, #tpu.memory_space<vmem>>, vector<1x128xf32>
    %dot_general3A_193 = arith.constant dense<0.000000e+00> : vector<1x1024xf32>
    %dot_general3A_194 = tpu.matmul %get3A_192, %add3A_178, %dot_general3A_193 {dimension_numbers = #tpu.dot_dimension_numbers<[1], [1], [0], [0], [0, 0, 1, 0], [], []>, transpose_lhs_hint = false} : vector<1x128xf32>, vector<1024x128xf32>, vector<1x1024xf32> -> vector<1x1024xf32>
    %get3A_195 = arith.constant 7 : index
    %get3A_196 = arith.constant 0 : index
    %get3A_197 = arith.constant 0 : index
    %get3A_198 = vector.load %arg2[%get3A_195, %get3A_196, %get3A_197] : memref<16x256x128xf32, #tpu.memory_space<vmem>>, vector<1x256x128xf32>
    %get3A_199 = vector.shape_cast %get3A_198 : vector<1x256x128xf32> to vector<256x128xf32>
    %dot_general3A_200 = arith.constant dense<0.000000e+00> : vector<1024x128xf32>
    %dot_general3A_201 = tpu.matmul %get3A_1, %get3A_199, %dot_general3A_200 {dimension_numbers = #tpu.dot_dimension_numbers<[1], [0], [0], [1], [0, 0, 1, 1], [], []>, transpose_lhs_hint = false} : vector<1024x256xf32>, vector<256x128xf32>, vector<1024x128xf32> -> vector<1024x128xf32>
    %get3A_202 = arith.constant 7 : index
    %get3A_203 = arith.constant 0 : index
    %get3A_204 = vector.load %arg3[%get3A_202, %get3A_203] : memref<16x128xf32, #tpu.memory_space<vmem>>, vector<1x128xf32>
    %add3A_205 = vector.broadcast %get3A_204 : vector<1x128xf32> to vector<1024x128xf32>
    %add3A_206 = arith.addf %dot_general3A_201, %add3A_205 : vector<1024x128xf32>
    %swap3A_207 = arith.constant 7 : index
    %swap3A_208 = arith.constant 0 : index
    %swap3A_209 = arith.constant 0 : index
    %swap3A_210 = vector.load %arg6[%swap3A_207, %swap3A_208, %swap3A_209] : memref<16x1024x128xf32, #tpu.memory_space<vmem>>, vector<1x1024x128xf32>
    %swap3A_211 = vector.shape_cast %swap3A_210 : vector<1x1024x128xf32> to vector<1024x128xf32>
    %swap3A_212 = vector.shape_cast %add3A_206 : vector<1024x128xf32> to vector<1x1024x128xf32>
    tpu.vector_store %arg6[%swap3A_207, %swap3A_208, %swap3A_209], %swap3A_212 {strides = array<i32>} : memref<16x1024x128xf32, #tpu.memory_space<vmem>>, vector<1x1024x128xf32>,
    %get3A_213 = arith.constant 7 : index
    %get3A_214 = arith.constant 0 : index
    %get3A_215 = vector.load %arg4[%get3A_213, %get3A_214] : memref<16x128xf32, #tpu.memory_space<vmem>>, vector<1x128xf32>
    %dot_general3A_216 = arith.constant dense<0.000000e+00> : vector<1x1024xf32>
    %dot_general3A_217 = tpu.matmul %get3A_215, %add3A_206, %dot_general3A_216 {dimension_numbers = #tpu.dot_dimension_numbers<[1], [1], [0], [0], [0, 0, 1, 0], [], []>, transpose_lhs_hint = false} : vector<1x128xf32>, vector<1024x128xf32>, vector<1x1024xf32> -> vector<1x1024xf32>
    %get3A_218 = arith.constant 7 : index
    %get3A_219 = arith.constant 0 : index
    %get3A_220 = vector.load %arg5[%get3A_218, %get3A_219] : memref<16x128xf32, #tpu.memory_space<vmem>>, vector<1x128xf32>
    %dot_general3A_221 = arith.constant dense<0.000000e+00> : vector<1x1024xf32>
    %dot_general3A_222 = tpu.matmul %get3A_220, %add3A_206, %dot_general3A_221 {dimension_numbers = #tpu.dot_dimension_numbers<[1], [1], [0], [0], [0, 0, 1, 0], [], []>, transpose_lhs_hint = false} : vector<1x128xf32>, vector<1024x128xf32>, vector<1x1024xf32> -> vector<1x1024xf32>
    %get3A_223 = arith.constant 8 : index
    %get3A_224 = arith.constant 0 : index
    %get3A_225 = arith.constant 0 : index
    %get3A_226 = vector.load %arg2[%get3A_223, %get3A_224, %get3A_225] : memref<16x256x128xf32, #tpu.memory_space<vmem>>, vector<1x256x128xf32>
    %get3A_227 = vector.shape_cast %get3A_226 : vector<1x256x128xf32> to vector<256x128xf32>
    %dot_general3A_228 = arith.constant dense<0.000000e+00> : vector<1024x128xf32>
    %dot_general3A_229 = tpu.matmul %get3A_1, %get3A_227, %dot_general3A_228 {dimension_numbers = #tpu.dot_dimension_numbers<[1], [0], [0], [1], [0, 0, 1, 1], [], []>, transpose_lhs_hint = false} : vector<1024x256xf32>, vector<256x128xf32>, vector<1024x128xf32> -> vector<1024x128xf32>
    %get3A_230 = arith.constant 8 : index
    %get3A_231 = arith.constant 0 : index
    %get3A_232 = vector.load %arg3[%get3A_230, %get3A_231] : memref<16x128xf32, #tpu.memory_space<vmem>>, vector<1x128xf32>
    %add3A_233 = vector.broadcast %get3A_232 : vector<1x128xf32> to vector<1024x128xf32>
    %add3A_234 = arith.addf %dot_general3A_229, %add3A_233 : vector<1024x128xf32>
    %swap3A_235 = arith.constant 8 : index
    %swap3A_236 = arith.constant 0 : index
    %swap3A_237 = arith.constant 0 : index
    %swap3A_238 = vector.load %arg6[%swap3A_235, %swap3A_236, %swap3A_237] : memref<16x1024x128xf32, #tpu.memory_space<vmem>>, vector<1x1024x128xf32>
    %swap3A_239 = vector.shape_cast %swap3A_238 : vector<1x1024x128xf32> to vector<1024x128xf32>
    %swap3A_240 = vector.shape_cast %add3A_234 : vector<1024x128xf32> to vector<1x1024x128xf32>
    tpu.vector_store %arg6[%swap3A_235, %swap3A_236, %swap3A_237], %swap3A_240 {strides = array<i32>} : memref<16x1024x128xf32, #tpu.memory_space<vmem>>, vector<1x1024x128xf32>,
    %get3A_241 = arith.constant 8 : index
    %get3A_242 = arith.constant 0 : index
    %get3A_243 = vector.load %arg4[%get3A_241, %get3A_242] : memref<16x128xf32, #tpu.memory_space<vmem>>, vector<1x128xf32>
    %dot_general3A_244 = arith.constant dense<0.000000e+00> : vector<1x1024xf32>
    %dot_general3A_245 = tpu.matmul %get3A_243, %add3A_234, %dot_general3A_244 {dimension_numbers = #tpu.dot_dimension_numbers<[1], [1], [0], [0], [0, 0, 1, 0], [], []>, transpose_lhs_hint = false} : vector<1x128xf32>, vector<1024x128xf32>, vector<1x1024xf32> -> vector<1x1024xf32>
    %get3A_246 = arith.constant 8 : index
    %get3A_247 = arith.constant 0 : index
    %get3A_248 = vector.load %arg5[%get3A_246, %get3A_247] : memref<16x128xf32, #tpu.memory_space<vmem>>, vector<1x128xf32>
    %dot_general3A_249 = arith.constant dense<0.000000e+00> : vector<1x1024xf32>
    %dot_general3A_250 = tpu.matmul %get3A_248, %add3A_234, %dot_general3A_249 {dimension_numbers = #tpu.dot_dimension_numbers<[1], [1], [0], [0], [0, 0, 1, 0], [], []>, transpose_lhs_hint = false} : vector<1x128xf32>, vector<1024x128xf32>, vector<1x1024xf32> -> vector<1x1024xf32>
    %get3A_251 = arith.constant 9 : index
    %get3A_252 = arith.constant 0 : index
    %get3A_253 = arith.constant 0 : index
    %get3A_254 = vector.load %arg2[%get3A_251, %get3A_252, %get3A_253] : memref<16x256x128xf32, #tpu.memory_space<vmem>>, vector<1x256x128xf32>
    %get3A_255 = vector.shape_cast %get3A_254 : vector<1x256x128xf32> to vector<256x128xf32>
    %dot_general3A_256 = arith.constant dense<0.000000e+00> : vector<1024x128xf32>
    %dot_general3A_257 = tpu.matmul %get3A_1, %get3A_255, %dot_general3A_256 {dimension_numbers = #tpu.dot_dimension_numbers<[1], [0], [0], [1], [0, 0, 1, 1], [], []>, transpose_lhs_hint = false} : vector<1024x256xf32>, vector<256x128xf32>, vector<1024x128xf32> -> vector<1024x128xf32>
    %get3A_258 = arith.constant 9 : index
    %get3A_259 = arith.constant 0 : index
    %get3A_260 = vector.load %arg3[%get3A_258, %get3A_259] : memref<16x128xf32, #tpu.memory_space<vmem>>, vector<1x128xf32>
    %add3A_261 = vector.broadcast %get3A_260 : vector<1x128xf32> to vector<1024x128xf32>
    %add3A_262 = arith.addf %dot_general3A_257, %add3A_261 : vector<1024x128xf32>
    %swap3A_263 = arith.constant 9 : index
    %swap3A_264 = arith.constant 0 : index
    %swap3A_265 = arith.constant 0 : index
    %swap3A_266 = vector.load %arg6[%swap3A_263, %swap3A_264, %swap3A_265] : memref<16x1024x128xf32, #tpu.memory_space<vmem>>, vector<1x1024x128xf32>
    %swap3A_267 = vector.shape_cast %swap3A_266 : vector<1x1024x128xf32> to vector<1024x128xf32>
    %swap3A_268 = vector.shape_cast %add3A_262 : vector<1024x128xf32> to vector<1x1024x128xf32>
    tpu.vector_store %arg6[%swap3A_263, %swap3A_264, %swap3A_265], %swap3A_268 {strides = array<i32>} : memref<16x1024x128xf32, #tpu.memory_space<vmem>>, vector<1x1024x128xf32>,
    %get3A_269 = arith.constant 9 : index
    %get3A_270 = arith.constant 0 : index
    %get3A_271 = vector.load %arg4[%get3A_269, %get3A_270] : memref<16x128xf32, #tpu.memory_space<vmem>>, vector<1x128xf32>
    %dot_general3A_272 = arith.constant dense<0.000000e+00> : vector<1x1024xf32>
    %dot_general3A_273 = tpu.matmul %get3A_271, %add3A_262, %dot_general3A_272 {dimension_numbers = #tpu.dot_dimension_numbers<[1], [1], [0], [0], [0, 0, 1, 0], [], []>, transpose_lhs_hint = false} : vector<1x128xf32>, vector<1024x128xf32>, vector<1x1024xf32> -> vector<1x1024xf32>
    %get3A_274 = arith.constant 9 : index
    %get3A_275 = arith.constant 0 : index
    %get3A_276 = vector.load %arg5[%get3A_274, %get3A_275] : memref<16x128xf32, #tpu.memory_space<vmem>>, vector<1x128xf32>
    %dot_general3A_277 = arith.constant dense<0.000000e+00> : vector<1x1024xf32>
    %dot_general3A_278 = tpu.matmul %get3A_276, %add3A_262, %dot_general3A_277 {dimension_numbers = #tpu.dot_dimension_numbers<[1], [1], [0], [0], [0, 0, 1, 0], [], []>, transpose_lhs_hint = false} : vector<1x128xf32>, vector<1024x128xf32>, vector<1x1024xf32> -> vector<1x1024xf32>
    %get3A_279 = arith.constant 10 : index
    %get3A_280 = arith.constant 0 : index
    %get3A_281 = arith.constant 0 : index
    %get3A_282 = vector.load %arg2[%get3A_279, %get3A_280, %get3A_281] : memref<16x256x128xf32, #tpu.memory_space<vmem>>, vector<1x256x128xf32>
    %get3A_283 = vector.shape_cast %get3A_282 : vector<1x256x128xf32> to vector<256x128xf32>
    %dot_general3A_284 = arith.constant dense<0.000000e+00> : vector<1024x128xf32>
    %dot_general3A_285 = tpu.matmul %get3A_1, %get3A_283, %dot_general3A_284 {dimension_numbers = #tpu.dot_dimension_numbers<[1], [0], [0], [1], [0, 0, 1, 1], [], []>, transpose_lhs_hint = false} : vector<1024x256xf32>, vector<256x128xf32>, vector<1024x128xf32> -> vector<1024x128xf32>
    %get3A_286 = arith.constant 10 : index
    %get3A_287 = arith.constant 0 : index
    %get3A_288 = vector.load %arg3[%get3A_286, %get3A_287] : memref<16x128xf32, #tpu.memory_space<vmem>>, vector<1x128xf32>
    %add3A_289 = vector.broadcast %get3A_288 : vector<1x128xf32> to vector<1024x128xf32>
    %add3A_290 = arith.addf %dot_general3A_285, %add3A_289 : vector<1024x128xf32>
    %swap3A_291 = arith.constant 10 : index
    %swap3A_292 = arith.constant 0 : index
    %swap3A_293 = arith.constant 0 : index
    %swap3A_294 = vector.load %arg6[%swap3A_291, %swap3A_292, %swap3A_293] : memref<16x1024x128xf32, #tpu.memory_space<vmem>>, vector<1x1024x128xf32>
    %swap3A_295 = vector.shape_cast %swap3A_294 : vector<1x1024x128xf32> to vector<1024x128xf32>
    %swap3A_296 = vector.shape_cast %add3A_290 : vector<1024x128xf32> to vector<1x1024x128xf32>
    tpu.vector_store %arg6[%swap3A_291, %swap3A_292, %swap3A_293], %swap3A_296 {strides = array<i32>} : memref<16x1024x128xf32, #tpu.memory_space<vmem>>, vector<1x1024x128xf32>,
    %get3A_297 = arith.constant 10 : index
    %get3A_298 = arith.constant 0 : index
    %get3A_299 = vector.load %arg4[%get3A_297, %get3A_298] : memref<16x128xf32, #tpu.memory_space<vmem>>, vector<1x128xf32>
    %dot_general3A_300 = arith.constant dense<0.000000e+00> : vector<1x1024xf32>
    %dot_general3A_301 = tpu.matmul %get3A_299, %add3A_290, %dot_general3A_300 {dimension_numbers = #tpu.dot_dimension_numbers<[1], [1], [0], [0], [0, 0, 1, 0], [], []>, transpose_lhs_hint = false} : vector<1x128xf32>, vector<1024x128xf32>, vector<1x1024xf32> -> vector<1x1024xf32>
    %get3A_302 = arith.constant 10 : index
    %get3A_303 = arith.constant 0 : index
    %get3A_304 = vector.load %arg5[%get3A_302, %get3A_303] : memref<16x128xf32, #tpu.memory_space<vmem>>, vector<1x128xf32>
    %dot_general3A_305 = arith.constant dense<0.000000e+00> : vector<1x1024xf32>
    %dot_general3A_306 = tpu.matmul %get3A_304, %add3A_290, %dot_general3A_305 {dimension_numbers = #tpu.dot_dimension_numbers<[1], [1], [0], [0], [0, 0, 1, 0], [], []>, transpose_lhs_hint = false} : vector<1x128xf32>, vector<1024x128xf32>, vector<1x1024xf32> -> vector<1x1024xf32>
    %get3A_307 = arith.constant 11 : index
    %get3A_308 = arith.constant 0 : index
    %get3A_309 = arith.constant 0 : index
    %get3A_310 = vector.load %arg2[%get3A_307, %get3A_308, %get3A_309] : memref<16x256x128xf32, #tpu.memory_space<vmem>>, vector<1x256x128xf32>
    %get3A_311 = vector.shape_cast %get3A_310 : vector<1x256x128xf32> to vector<256x128xf32>
    %dot_general3A_312 = arith.constant dense<0.000000e+00> : vector<1024x128xf32>
    %dot_general3A_313 = tpu.matmul %get3A_1, %get3A_311, %dot_general3A_312 {dimension_numbers = #tpu.dot_dimension_numbers<[1], [0], [0], [1], [0, 0, 1, 1], [], []>, transpose_lhs_hint = false} : vector<1024x256xf32>, vector<256x128xf32>, vector<1024x128xf32> -> vector<1024x128xf32>
    %get3A_314 = arith.constant 11 : index
    %get3A_315 = arith.constant 0 : index
    %get3A_316 = vector.load %arg3[%get3A_314, %get3A_315] : memref<16x128xf32, #tpu.memory_space<vmem>>, vector<1x128xf32>
    %add3A_317 = vector.broadcast %get3A_316 : vector<1x128xf32> to vector<1024x128xf32>
    %add3A_318 = arith.addf %dot_general3A_313, %add3A_317 : vector<1024x128xf32>
    %swap3A_319 = arith.constant 11 : index
    %swap3A_320 = arith.constant 0 : index
    %swap3A_321 = arith.constant 0 : index
    %swap3A_322 = vector.load %arg6[%swap3A_319, %swap3A_320, %swap3A_321] : memref<16x1024x128xf32, #tpu.memory_space<vmem>>, vector<1x1024x128xf32>
    %swap3A_323 = vector.shape_cast %swap3A_322 : vector<1x1024x128xf32> to vector<1024x128xf32>
    %swap3A_324 = vector.shape_cast %add3A_318 : vector<1024x128xf32> to vector<1x1024x128xf32>
    tpu.vector_store %arg6[%swap3A_319, %swap3A_320, %swap3A_321], %swap3A_324 {strides = array<i32>} : memref<16x1024x128xf32, #tpu.memory_space<vmem>>, vector<1x1024x128xf32>,
    %get3A_325 = arith.constant 11 : index
    %get3A_326 = arith.constant 0 : index
    %get3A_327 = vector.load %arg4[%get3A_325, %get3A_326] : memref<16x128xf32, #tpu.memory_space<vmem>>, vector<1x128xf32>
    %dot_general3A_328 = arith.constant dense<0.000000e+00> : vector<1x1024xf32>
    %dot_general3A_329 = tpu.matmul %get3A_327, %add3A_318, %dot_general3A_328 {dimension_numbers = #tpu.dot_dimension_numbers<[1], [1], [0], [0], [0, 0, 1, 0], [], []>, transpose_lhs_hint = false} : vector<1x128xf32>, vector<1024x128xf32>, vector<1x1024xf32> -> vector<1x1024xf32>
    %get3A_330 = arith.constant 11 : index
    %get3A_331 = arith.constant 0 : index
    %get3A_332 = vector.load %arg5[%get3A_330, %get3A_331] : memref<16x128xf32, #tpu.memory_space<vmem>>, vector<1x128xf32>
    %dot_general3A_333 = arith.constant dense<0.000000e+00> : vector<1x1024xf32>
    %dot_general3A_334 = tpu.matmul %get3A_332, %add3A_318, %dot_general3A_333 {dimension_numbers = #tpu.dot_dimension_numbers<[1], [1], [0], [0], [0, 0, 1, 0], [], []>, transpose_lhs_hint = false} : vector<1x128xf32>, vector<1024x128xf32>, vector<1x1024xf32> -> vector<1x1024xf32>
    %get3A_335 = arith.constant 12 : index
    %get3A_336 = arith.constant 0 : index
    %get3A_337 = arith.constant 0 : index
    %get3A_338 = vector.load %arg2[%get3A_335, %get3A_336, %get3A_337] : memref<16x256x128xf32, #tpu.memory_space<vmem>>, vector<1x256x128xf32>
    %get3A_339 = vector.shape_cast %get3A_338 : vector<1x256x128xf32> to vector<256x128xf32>
    %dot_general3A_340 = arith.constant dense<0.000000e+00> : vector<1024x128xf32>
    %dot_general3A_341 = tpu.matmul %get3A_1, %get3A_339, %dot_general3A_340 {dimension_numbers = #tpu.dot_dimension_numbers<[1], [0], [0], [1], [0, 0, 1, 1], [], []>, transpose_lhs_hint = false} : vector<1024x256xf32>, vector<256x128xf32>, vector<1024x128xf32> -> vector<1024x128xf32>
    %get3A_342 = arith.constant 12 : index
    %get3A_343 = arith.constant 0 : index
    %get3A_344 = vector.load %arg3[%get3A_342, %get3A_343] : memref<16x128xf32, #tpu.memory_space<vmem>>, vector<1x128xf32>
    %add3A_345 = vector.broadcast %get3A_344 : vector<1x128xf32> to vector<1024x128xf32>
    %add3A_346 = arith.addf %dot_general3A_341, %add3A_345 : vector<1024x128xf32>
    %swap3A_347 = arith.constant 12 : index
    %swap3A_348 = arith.constant 0 : index
    %swap3A_349 = arith.constant 0 : index
    %swap3A_350 = vector.load %arg6[%swap3A_347, %swap3A_348, %swap3A_349] : memref<16x1024x128xf32, #tpu.memory_space<vmem>>, vector<1x1024x128xf32>
    %swap3A_351 = vector.shape_cast %swap3A_350 : vector<1x1024x128xf32> to vector<1024x128xf32>
    %swap3A_352 = vector.shape_cast %add3A_346 : vector<1024x128xf32> to vector<1x1024x128xf32>
    tpu.vector_store %arg6[%swap3A_347, %swap3A_348, %swap3A_349], %swap3A_352 {strides = array<i32>} : memref<16x1024x128xf32, #tpu.memory_space<vmem>>, vector<1x1024x128xf32>,
    %get3A_353 = arith.constant 12 : index
    %get3A_354 = arith.constant 0 : index
    %get3A_355 = vector.load %arg4[%get3A_353, %get3A_354] : memref<16x128xf32, #tpu.memory_space<vmem>>, vector<1x128xf32>
    %dot_general3A_356 = arith.constant dense<0.000000e+00> : vector<1x1024xf32>
    %dot_general3A_357 = tpu.matmul %get3A_355, %add3A_346, %dot_general3A_356 {dimension_numbers = #tpu.dot_dimension_numbers<[1], [1], [0], [0], [0, 0, 1, 0], [], []>, transpose_lhs_hint = false} : vector<1x128xf32>, vector<1024x128xf32>, vector<1x1024xf32> -> vector<1x1024xf32>
    %get3A_358 = arith.constant 12 : index
    %get3A_359 = arith.constant 0 : index
    %get3A_360 = vector.load %arg5[%get3A_358, %get3A_359] : memref<16x128xf32, #tpu.memory_space<vmem>>, vector<1x128xf32>
    %dot_general3A_361 = arith.constant dense<0.000000e+00> : vector<1x1024xf32>
    %dot_general3A_362 = tpu.matmul %get3A_360, %add3A_346, %dot_general3A_361 {dimension_numbers = #tpu.dot_dimension_numbers<[1], [1], [0], [0], [0, 0, 1, 0], [], []>, transpose_lhs_hint = false} : vector<1x128xf32>, vector<1024x128xf32>, vector<1x1024xf32> -> vector<1x1024xf32>
    %get3A_363 = arith.constant 13 : index
    %get3A_364 = arith.constant 0 : index
    %get3A_365 = arith.constant 0 : index
    %get3A_366 = vector.load %arg2[%get3A_363, %get3A_364, %get3A_365] : memref<16x256x128xf32, #tpu.memory_space<vmem>>, vector<1x256x128xf32>
    %get3A_367 = vector.shape_cast %get3A_366 : vector<1x256x128xf32> to vector<256x128xf32>
    %dot_general3A_368 = arith.constant dense<0.000000e+00> : vector<1024x128xf32>
    %dot_general3A_369 = tpu.matmul %get3A_1, %get3A_367, %dot_general3A_368 {dimension_numbers = #tpu.dot_dimension_numbers<[1], [0], [0], [1], [0, 0, 1, 1], [], []>, transpose_lhs_hint = false} : vector<1024x256xf32>, vector<256x128xf32>, vector<1024x128xf32> -> vector<1024x128xf32>
    %get3A_370 = arith.constant 13 : index
    %get3A_371 = arith.constant 0 : index
    %get3A_372 = vector.load %arg3[%get3A_370, %get3A_371] : memref<16x128xf32, #tpu.memory_space<vmem>>, vector<1x128xf32>
    %add3A_373 = vector.broadcast %get3A_372 : vector<1x128xf32> to vector<1024x128xf32>
    %add3A_374 = arith.addf %dot_general3A_369, %add3A_373 : vector<1024x128xf32>
    %swap3A_375 = arith.constant 13 : index
    %swap3A_376 = arith.constant 0 : index
    %swap3A_377 = arith.constant 0 : index
    %swap3A_378 = vector.load %arg6[%swap3A_375, %swap3A_376, %swap3A_377] : memref<16x1024x128xf32, #tpu.memory_space<vmem>>, vector<1x1024x128xf32>
    %swap3A_379 = vector.shape_cast %swap3A_378 : vector<1x1024x128xf32> to vector<1024x128xf32>
    %swap3A_380 = vector.shape_cast %add3A_374 : vector<1024x128xf32> to vector<1x1024x128xf32>
    tpu.vector_store %arg6[%swap3A_375, %swap3A_376, %swap3A_377], %swap3A_380 {strides = array<i32>} : memref<16x1024x128xf32, #tpu.memory_space<vmem>>, vector<1x1024x128xf32>,
    %get3A_381 = arith.constant 13 : index
    %get3A_382 = arith.constant 0 : index
    %get3A_383 = vector.load %arg4[%get3A_381, %get3A_382] : memref<16x128xf32, #tpu.memory_space<vmem>>, vector<1x128xf32>
    %dot_general3A_384 = arith.constant dense<0.000000e+00> : vector<1x1024xf32>
    %dot_general3A_385 = tpu.matmul %get3A_383, %add3A_374, %dot_general3A_384 {dimension_numbers = #tpu.dot_dimension_numbers<[1], [1], [0], [0], [0, 0, 1, 0], [], []>, transpose_lhs_hint = false} : vector<1x128xf32>, vector<1024x128xf32>, vector<1x1024xf32> -> vector<1x1024xf32>
    %get3A_386 = arith.constant 13 : index
    %get3A_387 = arith.constant 0 : index
    %get3A_388 = vector.load %arg5[%get3A_386, %get3A_387] : memref<16x128xf32, #tpu.memory_space<vmem>>, vector<1x128xf32>
    %dot_general3A_389 = arith.constant dense<0.000000e+00> : vector<1x1024xf32>
    %dot_general3A_390 = tpu.matmul %get3A_388, %add3A_374, %dot_general3A_389 {dimension_numbers = #tpu.dot_dimension_numbers<[1], [1], [0], [0], [0, 0, 1, 0], [], []>, transpose_lhs_hint = false} : vector<1x128xf32>, vector<1024x128xf32>, vector<1x1024xf32> -> vector<1x1024xf32>
    %get3A_391 = arith.constant 14 : index
    %get3A_392 = arith.constant 0 : index
    %get3A_393 = arith.constant 0 : index
    %get3A_394 = vector.load %arg2[%get3A_391, %get3A_392, %get3A_393] : memref<16x256x128xf32, #tpu.memory_space<vmem>>, vector<1x256x128xf32>
    %get3A_395 = vector.shape_cast %get3A_394 : vector<1x256x128xf32> to vector<256x128xf32>
    %dot_general3A_396 = arith.constant dense<0.000000e+00> : vector<1024x128xf32>
    %dot_general3A_397 = tpu.matmul %get3A_1, %get3A_395, %dot_general3A_396 {dimension_numbers = #tpu.dot_dimension_numbers<[1], [0], [0], [1], [0, 0, 1, 1], [], []>, transpose_lhs_hint = false} : vector<1024x256xf32>, vector<256x128xf32>, vector<1024x128xf32> -> vector<1024x128xf32>
    %get3A_398 = arith.constant 14 : index
    %get3A_399 = arith.constant 0 : index
    %get3A_400 = vector.load %arg3[%get3A_398, %get3A_399] : memref<16x128xf32, #tpu.memory_space<vmem>>, vector<1x128xf32>
    %add3A_401 = vector.broadcast %get3A_400 : vector<1x128xf32> to vector<1024x128xf32>
    %add3A_402 = arith.addf %dot_general3A_397, %add3A_401 : vector<1024x128xf32>
    %swap3A_403 = arith.constant 14 : index
    %swap3A_404 = arith.constant 0 : index
    %swap3A_405 = arith.constant 0 : index
    %swap3A_406 = vector.load %arg6[%swap3A_403, %swap3A_404, %swap3A_405] : memref<16x1024x128xf32, #tpu.memory_space<vmem>>, vector<1x1024x128xf32>
    %swap3A_407 = vector.shape_cast %swap3A_406 : vector<1x1024x128xf32> to vector<1024x128xf32>
    %swap3A_408 = vector.shape_cast %add3A_402 : vector<1024x128xf32> to vector<1x1024x128xf32>
    tpu.vector_store %arg6[%swap3A_403, %swap3A_404, %swap3A_405], %swap3A_408 {strides = array<i32>} : memref<16x1024x128xf32, #tpu.memory_space<vmem>>, vector<1x1024x128xf32>,
    %get3A_409 = arith.constant 14 : index
    %get3A_410 = arith.constant 0 : index
    %get3A_411 = vector.load %arg4[%get3A_409, %get3A_410] : memref<16x128xf32, #tpu.memory_space<vmem>>, vector<1x128xf32>
    %dot_general3A_412 = arith.constant dense<0.000000e+00> : vector<1x1024xf32>
    %dot_general3A_413 = tpu.matmul %get3A_411, %add3A_402, %dot_general3A_412 {dimension_numbers = #tpu.dot_dimension_numbers<[1], [1], [0], [0], [0, 0, 1, 0], [], []>, transpose_lhs_hint = false} : vector<1x128xf32>, vector<1024x128xf32>, vector<1x1024xf32> -> vector<1x1024xf32>
    %get3A_414 = arith.constant 14 : index
    %get3A_415 = arith.constant 0 : index
    %get3A_416 = vector.load %arg5[%get3A_414, %get3A_415] : memref<16x128xf32, #tpu.memory_space<vmem>>, vector<1x128xf32>
    %dot_general3A_417 = arith.constant dense<0.000000e+00> : vector<1x1024xf32>
    %dot_general3A_418 = tpu.matmul %get3A_416, %add3A_402, %dot_general3A_417 {dimension_numbers = #tpu.dot_dimension_numbers<[1], [1], [0], [0], [0, 0, 1, 0], [], []>, transpose_lhs_hint = false} : vector<1x128xf32>, vector<1024x128xf32>, vector<1x1024xf32> -> vector<1x1024xf32>
    %get3A_419 = arith.constant 15 : index
    %get3A_420 = arith.constant 0 : index
    %get3A_421 = arith.constant 0 : index
    %get3A_422 = vector.load %arg2[%get3A_419, %get3A_420, %get3A_421] : memref<16x256x128xf32, #tpu.memory_space<vmem>>, vector<1x256x128xf32>
    %get3A_423 = vector.shape_cast %get3A_422 : vector<1x256x128xf32> to vector<256x128xf32>
    %dot_general3A_424 = arith.constant dense<0.000000e+00> : vector<1024x128xf32>
    %dot_general3A_425 = tpu.matmul %get3A_1, %get3A_423, %dot_general3A_424 {dimension_numbers = #tpu.dot_dimension_numbers<[1], [0], [0], [1], [0, 0, 1, 1], [], []>, transpose_lhs_hint = false} : vector<1024x256xf32>, vector<256x128xf32>, vector<1024x128xf32> -> vector<1024x128xf32>
    %get3A_426 = arith.constant 15 : index
    %get3A_427 = arith.constant 0 : index
    %get3A_428 = vector.load %arg3[%get3A_426, %get3A_427] : memref<16x128xf32, #tpu.memory_space<vmem>>, vector<1x128xf32>
    %add3A_429 = vector.broadcast %get3A_428 : vector<1x128xf32> to vector<1024x128xf32>
    %add3A_430 = arith.addf %dot_general3A_425, %add3A_429 : vector<1024x128xf32>
    %swap3A_431 = arith.constant 15 : index
    %swap3A_432 = arith.constant 0 : index
    %swap3A_433 = arith.constant 0 : index
    %swap3A_434 = vector.load %arg6[%swap3A_431, %swap3A_432, %swap3A_433] : memref<16x1024x128xf32, #tpu.memory_space<vmem>>, vector<1x1024x128xf32>
    %swap3A_435 = vector.shape_cast %swap3A_434 : vector<1x1024x128xf32> to vector<1024x128xf32>
    %swap3A_436 = vector.shape_cast %add3A_430 : vector<1024x128xf32> to vector<1x1024x128xf32>
    tpu.vector_store %arg6[%swap3A_431, %swap3A_432, %swap3A_433], %swap3A_436 {strides = array<i32>} : memref<16x1024x128xf32, #tpu.memory_space<vmem>>, vector<1x1024x128xf32>,
    %get3A_437 = arith.constant 15 : index
    %get3A_438 = arith.constant 0 : index
    %get3A_439 = vector.load %arg4[%get3A_437, %get3A_438] : memref<16x128xf32, #tpu.memory_space<vmem>>, vector<1x128xf32>
    %dot_general3A_440 = arith.constant dense<0.000000e+00> : vector<1x1024xf32>
    %dot_general3A_441 = tpu.matmul %get3A_439, %add3A_430, %dot_general3A_440 {dimension_numbers = #tpu.dot_dimension_numbers<[1], [1], [0], [0], [0, 0, 1, 0], [], []>, transpose_lhs_hint = false} : vector<1x128xf32>, vector<1024x128xf32>, vector<1x1024xf32> -> vector<1x1024xf32>
    %get3A_442 = arith.constant 15 : index
    %get3A_443 = arith.constant 0 : index
    %get3A_444 = vector.load %arg5[%get3A_442, %get3A_443] : memref<16x128xf32, #tpu.memory_space<vmem>>, vector<1x128xf32>
    %dot_general3A_445 = arith.constant dense<0.000000e+00> : vector<1x1024xf32>
    %dot_general3A_446 = tpu.matmul %get3A_444, %add3A_430, %dot_general3A_445 {dimension_numbers = #tpu.dot_dimension_numbers<[1], [1], [0], [0], [0, 0, 1, 0], [], []>, transpose_lhs_hint = false} : vector<1x128xf32>, vector<1024x128xf32>, vector<1x1024xf32> -> vector<1x1024xf32>
    %concatenate3A = tpu.concatenate %dot_general3A_21, %dot_general3A_49, %dot_general3A_77, %dot_general3A_105, %dot_general3A_133, %dot_general3A_161, %dot_general3A_189, %dot_general3A_217, %dot_general3A_245, %dot_general3A_273, %dot_general3A_301, %dot_general3A_329, %dot_general3A_357, %dot_general3A_385, %dot_general3A_413, %dot_general3A_441 in 0 : vector<1x1024xf32>, vector<1x1024xf32>, vector<1x1024xf32>, vector<1x1024xf32>, vector<1x1024xf32>, vector<1x1024xf32>, vector<1x1024xf32>, vector<1x1024xf32>, vector<1x1024xf32>, vector<1x1024xf32>, vector<1x1024xf32>, vector<1x1024xf32>, vector<1x1024xf32>, vector<1x1024xf32>, vector<1x1024xf32>, vector<1x1024xf32> -> vector<16x1024xf32>
    %reshape3A = vector.shape_cast %concatenate3A : vector<16x1024xf32> to vector<8x2x1024xf32>
    %reduce_sum3A = arith.constant dense<0.000000e+00> : vector<8x1024xf32>
    %reduce_sum3A_447 = vector.multi_reduction <add>, %reshape3A, %reduce_sum3A [1] : vector<8x2x1024xf32> to vector<8x1024xf32>
    %concatenate3A_448 = tpu.concatenate %dot_general3A_26, %dot_general3A_54, %dot_general3A_82, %dot_general3A_110, %dot_general3A_138, %dot_general3A_166, %dot_general3A_194, %dot_general3A_222, %dot_general3A_250, %dot_general3A_278, %dot_general3A_306, %dot_general3A_334, %dot_general3A_362, %dot_general3A_390, %dot_general3A_418, %dot_general3A_446 in 0 : vector<1x1024xf32>, vector<1x1024xf32>, vector<1x1024xf32>, vector<1x1024xf32>, vector<1x1024xf32>, vector<1x1024xf32>, vector<1x1024xf32>, vector<1x1024xf32>, vector<1x1024xf32>, vector<1x1024xf32>, vector<1x1024xf32>, vector<1x1024xf32>, vector<1x1024xf32>, vector<1x1024xf32>, vector<1x1024xf32>, vector<1x1024xf32> -> vector<16x1024xf32>
    %reshape3A_449 = vector.shape_cast %concatenate3A_448 : vector<16x1024xf32> to vector<8x2x1024xf32>
    %reduce_sum3A_450 = arith.constant dense<0.000000e+00> : vector<8x1024xf32>
    %reduce_sum3A_451 = vector.multi_reduction <add>, %reshape3A_449, %reduce_sum3A_450 [1] : vector<8x2x1024xf32> to vector<8x1024xf32>
    %concatenate3A_452 = tpu.concatenate %reduce_sum3A_447, %reduce_sum3A_451 in 0 : vector<8x1024xf32>, vector<8x1024xf32> -> vector<16x1024xf32>
    %swap3A_453 = arith.constant 0 : index
    %swap3A_454 = arith.constant 0 : index
    %swap3A_455 = vector.load %arg7[%swap3A_453, %swap3A_454] : memref<16x1024xf32, #tpu.memory_space<vmem>>, vector<16x1024xf32>
    tpu.vector_store %arg7[%swap3A_453, %swap3A_454], %concatenate3A_452 {strides = array<i32>} : memref<16x1024xf32, #tpu.memory_space<vmem>>, vector<16x1024xf32>,
    return
  }
  func.func @transform_0(%arg0: i32) -> (i32, i32) {
    %c0_i32 = arith.constant 0 : i32
    %c0_i32_0 = arith.constant 0 : i32
    return %arg0, %c0_i32 : i32, i32
  }
  func.func @transform_1(%arg0: i32) -> (i32, i32, i32) {
    %c0_i32 = arith.constant 0 : i32
    %c0_i32_0 = arith.constant 0 : i32
    %c0_i32_1 = arith.constant 0 : i32
    %c0_i32_2 = arith.constant 0 : i32
    return %c0_i32, %c0_i32_0, %c0_i32_1 : i32, i32, i32
  }
  func.func @transform_2(%arg0: i32) -> (i32, i32) {
    %c0_i32 = arith.constant 0 : i32
    %c0_i32_0 = arith.constant 0 : i32
    %c0_i32_1 = arith.constant 0 : i32
    return %c0_i32, %c0_i32_0 : i32, i32
  }
  func.func @transform_3(%arg0: i32) -> (i32, i32) {
    %c0_i32 = arith.constant 0 : i32
    %c0_i32_0 = arith.constant 0 : i32
    %c0_i32_1 = arith.constant 0 : i32
    return %c0_i32, %c0_i32_0 : i32, i32
  }
  func.func @transform_4(%arg0: i32) -> (i32, i32) {
    %c0_i32 = arith.constant 0 : i32
    %c0_i32_0 = arith.constant 0 : i32
    %c0_i32_1 = arith.constant 0 : i32
    return %c0_i32, %c0_i32_0 : i32, i32
  }
  func.func @transform_5(%arg0: i32) -> (i32, i32, i32) {
    %c0_i32 = arith.constant 0 : i32
    %c0_i32_0 = arith.constant 0 : i32
    %c0_i32_1 = arith.constant 0 : i32
    return %c0_i32, %arg0, %c0_i32_0 : i32, i32, i32
  }
  func.func @transform_6(%arg0: i32) -> (i32, i32) {
    %c0_i32 = arith.constant 0 : i32
    %c0_i32_0 = arith.constant 0 : i32
    return %c0_i32, %arg0 : i32, i32
  }
}

</mosaic_0001>

<sc_bundles>
// kernel: kernel.5.cloned.1.call-start
scs
__scs_entry_jumppad:
0x0: {  	(pc) =	sbr.rel $0x88, $3  }
0x1: {  	(tag) =	ssettag $0x0;
	lr =	simm.s32 $0x1  }
0x2: {  	[smem:$0x3F9B] =	sst lr;
	_ =	strace $0xD0000000  }
0x3: {  	_ = 	snop  }
0x4: {  	_ = 	snop  }
0x5: {  	_ = 	snop  }
0x6: {  	_ = 	snop  }
0x7: {  	_ = 	snop  }
__scs_overlays_trampoline_lowered:
0x8: {  	[smem:$0x3FAA] =	sst s0  }
0x9: {  	[smem:$0x3FAB] =	sst s1  }
0xa: {  	[smem:$0x3FAC] =	sst s2  }
0xb: {  	[smem:$0x3FAD] =	sst s3  }
0xc: {  	[smem:$0x3FAE] =	sst s4  }
0xd: {  	[smem:$0x3FAF] =	sst s5  }
0xe: {  	[smem:$0x3FB0] =	sst s6  }
0xf: {  	[smem:$0x3FB1] =	sst s7  }
0x10: {  	[smem:$0x3FB2] =	sst s8  }
0x11: {  	[smem:$0x3FB3] =	sst s9;
	s0 =	simm.s32 @!p0 $0x0  }
0x12: {  	s1 =	sld [smem:$0x3F99];
	s0 =	simm.s32 @p0 $0x1  }
0x13: {  	[smem:$0x3FB4] =	sst s0;
	s0 =	simm.s32 @!p1 $0x0  }
0x14: {  	s2 =	sld [smem:$0x3F98];
	s0 =	simm.s32 @p1 $0x1  }
0x15: {  	[smem:$0x3FB5] =	sst s0;
	s0 =	simm.s32 @!p2 $0x0  }
0x16: {  	s3 =	sld [smem:$0x3FDB];
	s0 =	simm.s32 @p2 $0x1  }
0x17: {  	s4 =	simm.s32 $0x1BF5;
	[smem:$0x3FB7] =	sst s0  }
0x18: {  	s0 =	sld [smem:$0x3F9A];
	_ =	swait.ge [sflag:s4], $0x0  }
0x19: {  	s7 =	sld [smem:$0x3F9B]  }
0x1a: {  	s8 =	sadd.s32 $0xFFFFE003, lr  }
0x1b: {  	s9 =	sadd.s32 $0xFFFFFEF7, lr;
	s5 =	simm.s32 $0xFFFFFFFF;
	p2 =	slt.u32 s8, $0xFFFFF086  }
0x1c: {  	p1 =	slt.u32 s9, $0xF7A;
	s5 =	simm.s32 @!p2 $0x0  }
0x1d: {  	s5 =	simm.s32 @p1 $0x1;
	p0 =	seq.s32 s7, s2  }
0x1e: {  	s7 =	smul.u32 @!p0 $0xF7A, s2;
	p2 =	seq.s32 @!p0 s5, $0x0  }
0x1f: {  	s9 =	smul.u32 $0xF7A, s1;
	s8 =	simm.s32 @!p0 $0x1BF5;
	p2 =	por !p2, p0  }
0x20: {  	[sflag:s8] =	ssyncset.s32 @!p0 $0xFFFFF086;
	s6 =	sadd.s32 @!p0 s3, s7;
	s7 =	simm.s32 @!p0 $0x108  }
0x21: {  	s3 =	sadd.s32 s3, s9;
	s6 =	sadd.s32 @!p0 $0x88, s6;
	s7 =	simm.s32 @p2 $0x1082  }
0x22: {  	[simem:s7], [sflag:s8] =	dma.local @!p0 [hbm:s6], $0xF7A  }
0x23: {  	s9 =	sor.u32 $0xD0000000, s2;
	s6 =	simm.s32 $0x108;
	_ =	swait.ge @!p0 [sflag:s8], $0x0  }
0x24: {  	s3 =	sadd.s32 $0x88, s3;
	s6 =	simm.s32 @!p1 $0x1082;
	[sflag:s4] =	ssyncset.s32 $0xFFFFF086  }
0x25: {  	[simem:s6], [sflag:s4] =	dma.local [hbm:s3], $0xF7A  }
0x26: {  	[smem:$0x3F9B] =	sst s1;
	(tag) =	ssettag s2;
	_ =	strace s9  }
0x27: {  	s1 =	sld [smem:$0x3FAB]  }
0x28: {  	s2 =	sld [smem:$0x3FAC]  }
0x29: {  	s4 =	sld [smem:$0x3FAE]  }
0x2a: {  	p0 =	seq.s32 s5, $0x0;
	s5 =	sld [smem:$0x3FAF]  }
0x2b: {  	s6 =	sld [smem:$0x3FB0]  }
0x2c: {  	s7 =	sld [smem:$0x3FB1]  }
0x2d: {  	s3 =	simm.s32 $0x108;
	s8 =	sld [smem:$0x3FB2]  }
0x2e: {  	s3 =	simm.s32 @!p0 $0x1082;
	s9 =	sld [smem:$0x3FB3]  }
0x2f: {  	lr =	sadd.s32 s0, s3;
	s0 =	sld [smem:$0x3FAA]  }
0x30: {  	s3 =	sld [smem:$0x3FAD]  }
0x31: {  	[smem:$0x3FB6] =	sst s10  }
0x32: {  	s10 =	sld [smem:$0x3FB4];
	_ =	sdelay $0x3  }
0x33: {  	p0 =	seq.s32 s10, $0x1;
	s10 =	sld [smem:$0x3FB6];
	_ =	sdelay $0x3  }
0x34: {  	[smem:$0x3FB6] =	sst s10  }
0x35: {  	s10 =	sld [smem:$0x3FB5];
	_ =	sdelay $0x3  }
0x36: {  	p1 =	seq.s32 s10, $0x1;
	s10 =	sld [smem:$0x3FB6];
	_ =	sdelay $0x3  }
0x37: {  	[smem:$0x3FB6] =	sst s10  }
0x38: {  	s10 =	sld [smem:$0x3FB7]  }
0x39: {  	_ = 	snop;
	(pc) =	sbr.ind lr, $3  }
0x3a: {  	_ = 	snop  }
0x3b: {  	_ = 	snop  }
0x3c: {  	p2 =	seq.s32 s10, $0x1;
	s10 =	sld [smem:$0x3FB6]  }
0x3d: {  	_ =	shalt  }
0x3e: {  	_ =	shalt  }
0x3f: {  	_ =	shalt  }
0x40: {  	_ =	shalt  }
0x41: {  	_ =	shalt  }
0x42: {  	_ =	shalt  }
0x43: {  	_ =	shalt  }
0x44: {  	_ =	shalt  }
0x45: {  	_ =	shalt  }
0x46: {  	_ =	shalt  }
0x47: {  	_ =	shalt  }
0x48: {  	_ =	shalt  }
0x49: {  	_ =	shalt  }
0x4a: {  	_ =	shalt  }
0x4b: {  	_ =	shalt  }
0x4c: {  	_ =	shalt  }
0x4d: {  	_ =	shalt  }
0x4e: {  	_ =	shalt  }
0x4f: {  	_ =	shalt  }
0x50: {  	_ =	shalt  }
0x51: {  	_ =	shalt  }
0x52: {  	_ =	shalt  }
0x53: {  	_ =	shalt  }
0x54: {  	_ =	shalt  }
0x55: {  	_ =	shalt  }
0x56: {  	_ =	shalt  }
0x57: {  	_ =	shalt  }
0x58: {  	_ =	shalt  }
0x59: {  	_ =	shalt  }
0x5a: {  	_ =	shalt  }
0x5b: {  	_ =	shalt  }
0x5c: {  	_ =	shalt  }
0x5d: {  	_ =	shalt  }
0x5e: {  	_ =	shalt  }
0x5f: {  	_ =	shalt  }
0x60: {  	_ =	shalt  }
0x61: {  	_ =	shalt  }
0x62: {  	_ =	shalt  }
0x63: {  	_ =	shalt  }
0x64: {  	_ =	shalt  }
0x65: {  	_ =	shalt  }
0x66: {  	_ =	shalt  }
0x67: {  	_ =	shalt  }
0x68: {  	_ =	shalt  }
0x69: {  	_ =	shalt  }
0x6a: {  	_ =	shalt  }
0x6b: {  	_ =	shalt  }
0x6c: {  	_ =	shalt  }
0x6d: {  	_ =	shalt  }
0x6e: {  	_ =	shalt  }
0x6f: {  	_ =	shalt  }
0x70: {  	_ =	shalt  }
0x71: {  	_ =	shalt  }
0x72: {  	_ =	shalt  }
0x73: {  	_ =	shalt  }
0x74: {  	_ =	shalt  }
0x75: {  	_ =	shalt  }
0x76: {  	_ =	shalt  }
0x77: {  	_ =	shalt  }
0x78: {  	_ =	shalt  }
0x79: {  	_ =	shalt  }
0x7a: {  	_ =	shalt  }
0x7b: {  	_ =	shalt  }
0x7c: {  	_ =	shalt  }
0x7d: {  	_ =	shalt  }
0x7e: {  	_ =	shalt  }
0x7f: {  	_ =	shalt  }
0x80: {  	_ =	shalt  }
0x81: {  	_ =	shalt  }
0x82: {  	_ =	shalt  }
0x83: {  	_ =	shalt  }
0x84: {  	_ =	shalt  }
0x85: {  	_ =	shalt  }
0x86: {  	_ =	shalt  }
0x87: {  	_ =	shalt  }
.Lfunc_end0:
.L_simem_size_0:
called_computation_lowered:
.L_overlay_start_0:
0x88: {  	s2 =	sld [smem:$0x3FD9]  }
0x89: {  	s3 =	sld [smem:$0x3FFE];
	_ =	sdelay $0x1  }
0x8a: {  	s1 =	srdreg.scid  }
0x8b: {  	s0 =	sand.u32 $0x1, s1  }
0x8c: {  	s17 =	sshll.u32 s0, $0xA;
	s2 =	sadd.s32 s3, s2  }
0x8d: {  	s2 =	sadd.s32 s2, s17  }
0x8e: {  	[smem:$0x3FC2] =	sst s2  }
0x8f: {  	_ = 	snop  }
0x90: {  	s2 =	sld [smem:$0x3FD0];
	(tm) =	ssettm $0x1  }
0x91: {  	s18 =	sld [smem:$0x3FFB];
	_ =	sdelay $0x3  }
0x92: {  	_ =	strace s18  }
0x93: {  	s3 =	sld [smem:$0x3FFC];
	_ =	sdelay $0x3  }
0x94: {  	_ =	strace s3  }
0x95: {  	s3 =	sld [smem:$0x3FFD];
	_ =	sdelay $0x3  }
0x96: {  	_ =	strace s3  }
0x97: {  	_ =	strace $0x8FFFFFFF  }
0x98: {  	s19 =	sld [smem:$0x3FDB];
	_ =	sdelay $0x1  }
0x99: {  	s4 =	simm.s32 $_scs_section_size  }
0x9a: {  	s5 =	simm.s32 $_size__tile_overlayer_lowered;
	s6 =	simm.s32 $_tile_overlayer_lowered  }
0x9b: {  	s22 =	simm.s32 $0x1BFF;
	s21 =	sshll.u32 s6, $0x1;
	s3 =	sadd.s32 s4, s19  }
0x9c: {  	s7 =	simm.s32 $0x0;
	s20 =	sshll.u32 s5, $0x1;
	s5 =	sadd.s32 s21, s3  }
0x9d: {  	[timem:s7], [sflag:s22] =	dma.local [hbm:s5], s20  }
0x9e: {  	_ =	swait.ge [sflag:s22], s20  }
0x9f: {  	s4 =	ssub.s32 $0x0, s20;
	[sflag:s22] =	ssyncset.done $0x0  }
0xa0: {  	[sflag:s22] =	ssyncadd.s32 s4;
	_ =	sdelay $0x1  }
0xa1: {  	s23 =	simm.s32 $0x1B8B  }
0xa2: {  	_ =	swait.ge [sflag:s23], $0x1  }
0xa3: {  	[sflag:s23] =	ssyncset.done $0x0  }
0xa4: {  	s25 =	simm.s32 $0x1B8E;
	s24 =	sld [smem:$0x3FFE];
	[sflag:s23] =	ssyncadd.s32 $0xFFFFFFFF  }
0xa5: {  	s26 =	simm.s32 $execute0_lowered;
	[smem:$0x3FD2] =	sst s25  }
0xa6: {  	s5 =	sshll.u32 s26, $0x1;
	_ =	strace $0x80000046;
	[dreg:$0x1] =	wrdreg $0xFFFFFFFF  }
0xa7: {  	s28 =	simm.s32 $_size_execute0_lowered;
	s3 =	sadd.s32 s3, s5;
	[dreg:$0x0] =	wrdreg $0x0  }
0xa8: {  	s5 =	sshll.u32 s28, $0x1;
	[dreg:$0x2] =	wrdreg s3  }
0xa9: {  	[dreg:$0x3] =	wrdreg s5  }
0xaa: {  	[dreg:$0x4] =	wrdreg $0xC0  }
0xab: {  	_ =	task [dreg:s7], $0x5FFFF  }
0xac: {  	[dreg:$0x1] =	wrdreg $0xFFFFFFFF  }
0xad: {  	[dreg:$0x0] =	wrdreg $0x60  }
0xae: {  	[dreg:$0x2] =	wrdreg s24  }
0xaf: {  	[dreg:$0x3] =	wrdreg s2  }
0xb0: {  	[dreg:$0x4] =	wrdreg $0xC8800  }
0xb1: {  	[dreg:$0x5] =	wrdreg $0xC8900  }
0xb2: {  	[dreg:$0x6] =	wrdreg $0x9  }
0xb3: {  	_ =	task.clear_ibuf [dreg:s7], $0x7FFFF;
	_ =	strace $0x90000046  }
0xb4: {  	s29 =	simm.s32 $0x9;
	_ =	strace $0x80000048  }
0xb5: {  	_ =	swait.ge [sflag:s29], $0x1  }
0xb6: {  	[sflag:s29] =	ssyncadd.s32 $0xFFFFFFFF  }
0xb7: {  	_ =	strace $0x90000048  }
0xb8: {  	_ =	sfence  }
0xb9: {  	s30 =	sld [smem:$0x0];
	_ =	sdelay $0x2  }
0xba: {  	s31 =	sshll.u32 s1, $0xD;
	s1 =	sshrl.u32 s1, $0x2  }
0xbb: {  	s3 =	sand.u32 $0x4000, s31;
	s1 =	sadd.s32 s1, s30  }
0xbc: {  	s0 =	sor.u32 s3, s0;
	s1 =	sshll.u32 s1, $0x11  }
0xbd: {  	s0 =	sor.u32 s1, s0  }
0xbe: {  	s0 =	sadd.s32 $0x8F2B, s0  }
0xbf: {  	[sflag:s0] =	ssyncadd.remote.s32 $0x1  }
0xc0: {  	_ =	sfence.sel $0xFFFF  }
0xc1: {  	[dreg:$0x0] =	wrdreg $0xFFFFFFFF;
	(pc) =	sbr.abs _section_cstart, $3  }
0xc2: {  	[dreg:$0x1] =	wrdreg $0xFFFFFFFF  }
0xc3: {  	_ =	task.clear_ibuf [dreg:s7], $0x2FFFF;
	_ =	strace $0x9FFFFFFF  }
0xc4: {  	(tm) =	ssettm $0x7FFFFFFF  }
0xc5: {  	_ =	shalt  }
tec
execute0_lowered:
.L_overlay_start_1:
0x0: {  	(tag) =	ssettag $0x1  }
0x1: {  	s9 =	rddreg [dreg:$0x0]  }
0x2: {  	s1 =	rddreg [dreg:$0x1]  }
0x3: {  	s2 =	rddreg [dreg:$0x2];
	v0 =	vimm.s32 $0xFEDCBA98;
	v1 =	vimm.s32 $0x76543210  }
0x4: {  	s3 =	rddreg [dreg:$0x3];
	v2 =	vimm.s32 $0xBA98FEDC;
	v3 =	vimm.s32 $0x32107654;
	v4 =	vimm.s32 $0xDCFE98BA  }
0x5: {  	s0 =	rddreg [dreg:$0x4];
	s4 =	simm.s32 $0x0;
	s5 =	stileid.u32;
	v5 =	vimm.s32 $0x54761032;
	v6 =	vimm.s32 $0xEFCDAB89;
	v7 =	vimm.s32 $0x67452301  }
0x6: {  	s7 =	srdreg.scid;
	s15 =	simm.s32 $0x1;
	s16 =	simm.s32 $0x2780;
	v0 =	vunpack.c.l.s4.s8 v0;
	v1 =	vunpack.c.l.s4.s8 v1;
	v2 =	vunpack.c.l.s4.s8 v2  }
0x7: {  	s17 =	simm.s32 $0xC780;
	s18 =	simm.s32 $0xC800;
	s19 =	simm.s32 $0x4F00;
	v3 =	vunpack.c.l.s4.s8 v3;
	v4 =	vunpack.c.l.s4.s8 v4;
	v5 =	vunpack.c.l.s4.s8 v5  }
0x8: {  	s20 =	simm.s32 $0x7700;
	s21 =	simm.s32 $0xC680;
	s22 =	simm.s32 $0x9F00;
	v6 =	vunpack.c.l.s4.s8 v6;
	v7 =	vunpack.c.l.s4.s8 v7;
	v0 =	vunpack.c.0.s8.s32 v0  }
0x9: {  	s23 =	simm.s32 $0x0;
	[smem:$0x7FF] =	sst s4;
	s6 =	smul.u32 $0x2710, s5;
	v2 =	vunpack.c.0.s8.s32 v2;
	v3 =	vunpack.c.0.s8.s32 v3;
	v4 =	vunpack.c.0.s8.s32 v4  }
0xa: {  	s7 =	sand.u32 $0x1, s7;
	s8 =	sadd.s32 $0x28AE00, s9;
	s13 =	sshll.u32 s5, $0x4;
	v5 =	vunpack.c.0.s8.s32 v5;
	v6 =	vunpack.c.0.s8.s32 v6;
	v7 =	vunpack.c.0.s8.s32 v7  }
0xb: {  	_ =	strace $0x80000047;
	s10 =	ssub.s32 $0x2, s7;
	s11 =	sshrl.u32 s6, $0x3;
	v1 =	vunpack.c.0.s8.s32 v1;
	v2 =	vcombine.low v3, v2  }
0xc: {  	s12 =	sshrl.u32 s10, $0x1;
	s11 =	sadd.s32 s11, s9;
	s9 =	sadd.s32 $0xAC00, s9;
	v3 =	vcombine.low v5, v4;
	v4 =	vcombine.low v7, v6;
	v0 =	vand.u32 $0xF, v0  }
0xd: {  	vm0 =	vmmov $0xff;
	s14 =	ssub.s32 s10, s12;
	s12 =	sadd.s32 s13, s2;
	s13 =	sadd.s32 s13, s3;
	v0 =	vcombine.low v0, v1;
	v1 =	vand.u32 $0xF, v2  }
0xe: {  	s10 =	sadd.s32 $0xC00, s11;
	s11 =	sadd.s32 $0x5C00, s11;
	s14 =	smax.u32 s14, $0x1;
	v2 =	vand.u32 $0xF, v3;
	v3 =	vand.u32 $0xF, v4;
	v4 =	vlaneseq.u32  }
.LBB2_1:
0xf: {  	[tilespmem:s4], [sflag:$0x1] =	stream.linear.gather [hbm4b:s10+s4], $0x2710, $0x38;
	[tilespmem:$0xC8A0] =	vst v63  }
0x10: {  	_ =	swait.ge [sflag:s15], $0x2710  }
0x11: {  	[sflag:s15] =	ssyncset.done $0x0  }
0x12: {  	[sflag:s15] =	ssyncadd.s32 $0xFFFFD8F0  }
0x13: {  	[tilespmem:s16], [sflag:$0x1] =	stream.linear.gather [hbm4b:s11+s4], $0x2710, $0x38;
	[tilespmem:$0xC8A0] =	vst v63  }
0x14: {  	_ =	swait.ge [sflag:s15], $0x2710  }
0x15: {  	[sflag:s15] =	ssyncset.done $0x0  }
0x16: {  	[sflag:s15] =	ssyncadd.s32 $0xFFFFD8F0  }
0x17: {  	[tilespmem:s17], [sflag:$0x1] =	stream.linear.gather [hbm4b:s9+s4], $0x80, $0x38;
	[tilespmem:$0xC8A0] =	vst v63  }
0x18: {  	_ =	swait.ge [sflag:s15], $0x80  }
0x19: {  	[sflag:s15] =	ssyncset.done $0x0  }
0x1a: {  	[sflag:s15] =	ssyncadd.s32 $0xFFFFFF80  }
0x1b: {  	v5 =	vld [tilespmem:$0xC780];
	_ =	sdelay $0x4  }
0x1c: {  	v5 =	vnsel vm0, $0xFF61B1E6, v5  }
0x1d: {  	[tilespmem:$0xC800] =	vst v5  }
0x1e: {  	v6 =	vld.idx.msk [tilespmem:v0+s18+$0x0], $0xffff;
	_ =	sdelay $0x4  }
0x1f: {  	v6 =	vmax.f32 v5, v6  }
0x20: {  	[tilespmem:$0xC800] =	vst v6  }
0x21: {  	v7 =	vld.idx.msk [tilespmem:v1+s18+$0x0], $0xffff;
	_ =	sdelay $0x4  }
0x22: {  	v6 =	vmax.f32 v6, v7  }
0x23: {  	[tilespmem:$0xC800] =	vst v6  }
0x24: {  	v7 =	vld.idx.msk [tilespmem:v2+s18+$0x0], $0xffff;
	_ =	sdelay $0x4  }
0x25: {  	v6 =	vmax.f32 v6, v7  }
0x26: {  	[tilespmem:$0xC800] =	vst v6  }
0x27: {  	v7 =	vld.idx.msk [tilespmem:v3+s18+$0x0], $0xffff;
	_ =	sdelay $0x4  }
0x28: {  	v6 =	vmax.f32 v6, v7  }
0x29: {  	v5 =	vsub.f32 v5, v6;
	_ =	sdelay $0x1  }
0x2a: {  	v5 =	vmul.f32 $1.442695020e+00, v5;
	_ =	sdelay $0x1  }
0x2b: {  	(erf) = vpow2.f32 v5;
	_ =	sdelay $0x8  }
0x2c: {  	v5 =	vpop (erf)  }
0x2d: {  	v5 =	vnsel vm0, $0x0, v5  }
0x2e: {  	[tilespmem:$0xC800] =	vst v5  }
0x2f: {  	v6 =	vld.idx.msk [tilespmem:v0+s18+$0x0], $0xffff;
	_ =	sdelay $0x4  }
0x30: {  	v6 =	vadd.f32 v5, v6;
	_ =	sdelay $0x1  }
0x31: {  	[tilespmem:$0xC800] =	vst v6  }
0x32: {  	v7 =	vld.idx.msk [tilespmem:v1+s18+$0x0], $0xffff;
	_ =	sdelay $0x4  }
0x33: {  	v6 =	vadd.f32 v6, v7;
	_ =	sdelay $0x1  }
0x34: {  	[tilespmem:$0xC800] =	vst v6  }
0x35: {  	v7 =	vld.idx.msk [tilespmem:v2+s18+$0x0], $0xffff;
	_ =	sdelay $0x4  }
0x36: {  	v6 =	vadd.f32 v6, v7;
	_ =	sdelay $0x1  }
0x37: {  	[tilespmem:$0xC800] =	vst v6  }
0x38: {  	v7 =	vld.idx.msk [tilespmem:v3+s18+$0x0], $0xffff;
	_ =	sdelay $0x4  }
0x39: {  	v6 =	vadd.f32 v7, v6;
	_ =	sdelay $0x1  }
0x3a: {  	(erf) = vrcp.f32 v6;
	_ =	sdelay $0x8  }
0x3b: {  	s24 =	simm.s32 $0x0;
	[tilespmem:$0xC800] =	vst v6;
	v6 =	vpop (erf)  }
.LBB2_2:
0x3c: {  	s25 =	sshll.u32 s24, $0x1  }
0x3d: {  	s25 =	sor.u32 s7, s25  }
0x3e: {  	s26 =	smul.u32 $0x500, s25;
	_ =	sdelay $0x1  }
0x3f: {  	s28 =	smul.u32 $0x2800, s25;
	s26 =	sadd.s32 s8, s26  }
0x40: {  	[tilespmem:s19], [sflag:$0x1] =	stream.linear.gather [hbm4b:s26+s4], $0x2800, $0x38;
	[tilespmem:$0xC8A0] =	vst v63  }
0x41: {  	s31 =	sshrl.u32 s28, $0x3;
	_ =	swait.ge [sflag:s15], $0x2800  }
0x42: {  	s26 =	sadd.s32 s8, s31;
	[sflag:s15] =	ssyncset.done $0x0  }
0x43: {  	s26 =	sadd.s32 $0x2800, s26;
	[sflag:s15] =	ssyncadd.s32 $0xFFFFD800  }
0x44: {  	[tilespmem:s20], [sflag:$0x1] =	stream.linear.gather [hbm4b:s26+s4], $0x2800, $0x38;
	[tilespmem:$0xC8A0] =	vst v63  }
0x45: {  	_ =	swait.ge [sflag:s15], $0x2800  }
0x46: {  	[sflag:s15] =	ssyncset.done $0x0  }
0x47: {  	s31 =	simm.s32 $0x20;
	[sflag:s15] =	ssyncadd.s32 $0xFFFFD800  }
0x48: {  	v7 =	vld [tilespmem:s31+$0x10]  }
0x49: {  	v8 =	vld [tilespmem:s31+$0x0]  }
0x4a: {  	v9 =	vld [tilespmem:s31+$0xFFFFFFF0]  }
0x4b: {  	s28 =	simm.s32 $0x27A0;
	v10 =	vld [tilespmem:s31+$0xFFFFFFE0]  }
0x4c: {  	v11 =	vld [tilespmem:s28+$0xFFFFFFE0]  }
0x4d: {  	v12 =	vld [tilespmem:s28+$0xFFFFFFF0]  }
0x4e: {  	v13 =	vld [tilespmem:s28+$0x0]  }
0x4f: {  	s26 =	simm.s32 $0x27E0;
	v14 =	vld [tilespmem:s28+$0x10]  }
0x50: {  	s31 =	simm.s32 $0x60;
	v19 =	vld [tilespmem:s26+$0xFFFFFFE0]  }
0x51: {  	v16 =	vld [tilespmem:s31+$0x0]  }
0x52: {  	v17 =	vld [tilespmem:s31+$0xFFFFFFF0]  }
0x53: {  	v15 =	vld.idx.msk [tilespmem:v7+s19+$0x0], $0xffff  }
0x54: {  	v7 =	vld.idx.msk [tilespmem:v9+s19+$0x0], $0xffff  }
0x55: {  	v9 =	vld.idx.msk [tilespmem:v10+s19+$0x0], $0xffff  }
0x56: {  	v10 =	vld.idx.msk [tilespmem:v11+s20+$0x0], $0xffff  }
0x57: {  	v11 =	vld.idx.msk [tilespmem:v12+s20+$0x0], $0xffff  }
0x58: {  	v12 =	vld.idx.msk [tilespmem:v13+s20+$0x0], $0xffff  }
0x59: {  	v13 =	vld.idx.msk [tilespmem:v14+s20+$0x0], $0xffff  }
0x5a: {  	v14 =	vld [tilespmem:s31+$0x10]  }
0x5b: {  	v18 =	vld [tilespmem:s31+$0xFFFFFFE0]  }
0x5c: {  	v8 =	vld.idx.msk [tilespmem:v8+s19+$0x0], $0xffff  }
0x5d: {  	v20 =	vld [tilespmem:s26+$0xFFFFFFF0]  }
0x5e: {  	v21 =	vld [tilespmem:s26+$0x0]  }
0x5f: {  	v23 =	vld [tilespmem:s26+$0x10];
	v22 =	vadd.f32 v10, v9  }
0x60: {  	v24 =	vadd.f32 v11, v7;
	v9 =	vld.idx.msk [tilespmem:v16+s19+$0x0], $0xffff  }
0x61: {  	v8 =	vadd.f32 v12, v8;
	v10 =	vld.idx.msk [tilespmem:v17+s19+$0x0], $0xffff;
	v11 =	vmul.f32 $9.999999770e-03, v22  }
0x62: {  	v12 =	vmul.f32 $9.999999770e-03, v24;
	v7 =	vld.idx.msk [tilespmem:v14+s19+$0x0], $0xffff;
	v14 =	vadd.f32 v13, v15  }
0x63: {  	s28 =	simm.s32 $0x9F20;
	v16 =	vmul.f32 $9.999999770e-03, v8;
	v13 =	vimm.f32 $-3.000000010e+38;
	v15 =	vmax.f32 v22, v11;
	v11 =	vld.idx.msk [tilespmem:v18+s19+$0x0], $0xffff  }
0x64: {  	v12 =	vmax.f32 v24, v12;
	[tilespmem:s28+$0xFFFFFFE0] =	vst v15;
	v15 =	vmax.f32 v13, v15;
	v17 =	vmul.f32 $9.999999770e-03, v14;
	v13 =	vld.idx.msk [tilespmem:v19+s20+$0x0], $0xffff  }
0x65: {  	v8 =	vmax.f32 v8, v16;
	[tilespmem:s28+$0xFFFFFFF0] =	vst v12;
	v12 =	vmax.f32 v15, v12;
	v15 =	vld.idx.msk [tilespmem:v20+s20+$0x0], $0xffff  }
0x66: {  	[tilespmem:s28+$0x0] =	vst v8;
	v8 =	vmax.f32 v12, v8;
	v12 =	vmax.f32 v14, v17;
	v14 =	vld.idx.msk [tilespmem:v21+s20+$0x0], $0xffff  }
0x67: {  	s29 =	simm.s32 $0x4;
	s30 =	simm.s32 $0xA0;
	[tilespmem:s28+$0x10] =	vst v12;
	v8 =	vmax.f32 v8, v12;
	v12 =	vld.idx.msk [tilespmem:v23+s20+$0x0], $0xffff  }
.LBB2_3:
0x68: {  	v16 =	vld [tilespmem:s30+$0x10]  }
0x69: {  	v17 =	vld [tilespmem:s30+$0x0]  }
0x6a: {  	v11 =	vadd.f32 v13, v11;
	v18 =	vld [tilespmem:s30+$0xFFFFFFF0]  }
0x6b: {  	s26 =	sadd.s32 $0x40, s26;
	v10 =	vadd.f32 v15, v10;
	v13 =	vld [tilespmem:s30+$0xFFFFFFE0]  }
0x6c: {  	s29 =	sadd.s32 $0x4, s29;
	v19 =	vmul.f32 $9.999999770e-03, v11;
	v9 =	vadd.f32 v14, v9;
	v15 =	vld [tilespmem:s26+$0xFFFFFFE0]  }
0x6d: {  	p0 =	slt.u32 s29, $0x26C;
	v20 =	vmul.f32 $9.999999770e-03, v10;
	v12 =	vadd.f32 v12, v7;
	v14 =	vld [tilespmem:s26+$0xFFFFFFF0]  }
0x6e: {  	s28 =	sadd.s32 $0x40, s28;
	v7 =	vmax.f32 v11, v19;
	v11 =	vmul.f32 $9.999999770e-03, v9;
	v21 =	vld [tilespmem:s26+$0x0]  }
0x6f: {  	v8 =	vmax.f32 v8, v7;
	v10 =	vmax.f32 v10, v20;
	v20 =	vmul.f32 $9.999999770e-03, v12;
	v19 =	vld [tilespmem:s26+$0x10];
	[tilespmem:s28+$0xFFFFFFE0] =	vst v7  }
0x70: {  	v8 =	vmax.f32 v8, v10;
	v7 =	vld.idx.msk [tilespmem:v16+s19+$0x0], $0xffff;
	[tilespmem:s28+$0xFFFFFFF0] =	vst v10;
	v10 =	vmax.f32 v9, v11  }
0x71: {  	v11 =	vmax.f32 v12, v20;
	v9 =	vld.idx.msk [tilespmem:v17+s19+$0x0], $0xffff;
	[tilespmem:s28+$0x0] =	vst v10;
	v8 =	vmax.f32 v8, v10  }
0x72: {  	v10 =	vld.idx.msk [tilespmem:v18+s19+$0x0], $0xffff;
	[tilespmem:s28+$0x10] =	vst v11;
	v8 =	vmax.f32 v8, v11  }
.Ltmp0:
0x73: {  	v11 =	vld.idx.msk [tilespmem:v13+s19+$0x0], $0xffff;
	(pc) =	sbr.rel @p0 .LBB2_3-.Ltmp0, $4  }
0x74: {  	v13 =	vld.idx.msk [tilespmem:v15+s20+$0x0], $0xffff  }
0x75: {  	v15 =	vld.idx.msk [tilespmem:v14+s20+$0x0], $0xffff  }
0x76: {  	v14 =	vld.idx.msk [tilespmem:v21+s20+$0x0], $0xffff  }
0x77: {  	s30 =	sadd.s32 $0x40, s30;
	v12 =	vld.idx.msk [tilespmem:v19+s20+$0x0], $0xffff  }
0x78: {  	_ = 	snop  }
0x79: {  	v11 =	vadd.f32 v13, v11  }
0x7a: {  	v10 =	vadd.f32 v15, v10  }
0x7b: {  	v13 =	vmul.f32 $9.999999770e-03, v11;
	v9 =	vadd.f32 v14, v9  }
0x7c: {  	v14 =	vmul.f32 $9.999999770e-03, v10;
	v7 =	vadd.f32 v12, v7  }
0x7d: {  	s26 =	sadd.s32 $0x40, s28;
	v11 =	vmax.f32 v11, v13;
	v12 =	vmul.f32 $9.999999770e-03, v9  }
0x7e: {  	[tilespmem:s26+$0xFFFFFFE0] =	vst v11;
	v10 =	vmax.f32 v10, v14;
	v13 =	vmul.f32 $9.999999770e-03, v7  }
0x7f: {  	[tilespmem:s26+$0xFFFFFFF0] =	vst v10;
	v9 =	vmax.f32 v9, v12  }
0x80: {  	[tilespmem:s26+$0x0] =	vst v9;
	v7 =	vmax.f32 v7, v13  }
0x81: {  	[tilespmem:s26+$0x10] =	vst v7  }
0x82: {  	v12 =	vld [tilespmem:$0x2700]  }
0x83: {  	v13 =	vld [tilespmem:$0x4E80];
	_ =	sdelay $0x6  }
0x84: {  	v12 =	vld.idx.msk [tilespmem:v12+s19+$0x0], $0xffff  }
0x85: {  	v13 =	vld.idx.msk [tilespmem:v13+s20+$0x0], $0xffff;
	_ =	sdelay $0x4  }
0x86: {  	v12 =	vadd.f32 v13, v12  }
0x87: {  	v8 =	vmax.f32 v8, v11  }
0x88: {  	v8 =	vmax.f32 v8, v10;
	v10 =	vmul.f32 $9.999999770e-03, v12  }
0x89: {  	v8 =	vmax.f32 v8, v9  }
0x8a: {  	v7 =	vmax.f32 v8, v7;
	v8 =	vmax.f32 v12, v10  }
0x8b: {  	[tilespmem:$0xC600] =	vst v8;
	v7 =	vmax.f32 v7, v8  }
0x8c: {  	[tilespmem:$0xC800] =	vst v7  }
0x8d: {  	[spmem:s12] =	stream.linear.scatter [tilespmem:s18], [sflag:$0x1], $0x10, $0x38;
	[tilespmem:$0xC8A0] =	vst v63  }
0x8e: {  	_ =	swait.ge [sflag:s15], $0x10  }
0x8f: {  	[sflag:s15] =	ssyncset.done $0x0  }
0x90: {  	[sflag:s15] =	ssyncadd.s32 $0xFFFFFFF0  }
0x91: {  	[bflag:$0x0] =	sbarrier.arrive $0xFFFF  }
0x92: {  	[tilespmem:s21], [sflag:$0x1] =	stream.linear.gather [spmem:s2], $0x100, $0x38;
	[tilespmem:$0xC8A0] =	vst v63  }
0x93: {  	_ =	swait.ge [sflag:s15], $0x100  }
0x94: {  	[sflag:s15] =	ssyncset.done $0x0  }
0x95: {  	[sflag:s15] =	ssyncadd.s32 $0xFFFFFF00  }
0x96: {  	v7 =	vld [tilespmem:$0xC680]  }
0x97: {  	v8 =	vld [tilespmem:$0xC690]  }
0x98: {  	v9 =	vld [tilespmem:$0xC6A0]  }
0x99: {  	v10 =	vld [tilespmem:$0xC6B0]  }
0x9a: {  	v11 =	vld [tilespmem:$0xC6C0]  }
0x9b: {  	v12 =	vld [tilespmem:$0xC6D0]  }
0x9c: {  	v7 =	vmax.f32 v7, v8;
	v8 =	vld [tilespmem:$0xC6E0]  }
0x9d: {  	v7 =	vmax.f32 v7, v9;
	v9 =	vld [tilespmem:$0xC6F0]  }
0x9e: {  	v7 =	vmax.f32 v7, v10;
	v10 =	vld [tilespmem:$0xC700]  }
0x9f: {  	v7 =	vmax.f32 v7, v11;
	v11 =	vld [tilespmem:$0xC710]  }
0xa0: {  	v7 =	vmax.f32 v7, v12;
	v12 =	vld [tilespmem:$0xC720]  }
0xa1: {  	v7 =	vmax.f32 v7, v8;
	v8 =	vld [tilespmem:$0xC730]  }
0xa2: {  	v7 =	vmax.f32 v7, v9;
	v9 =	vld [tilespmem:$0xC740]  }
0xa3: {  	v7 =	vmax.f32 v7, v10;
	v10 =	vld [tilespmem:$0xC750]  }
0xa4: {  	v7 =	vmax.f32 v7, v11;
	v11 =	vld [tilespmem:$0xC760]  }
0xa5: {  	v7 =	vmax.f32 v7, v12;
	v12 =	vld [tilespmem:$0xC770]  }
0xa6: {  	v7 =	vmax.f32 v7, v8  }
0xa7: {  	v7 =	vmax.f32 v7, v9  }
0xa8: {  	v7 =	vmax.f32 v7, v10  }
0xa9: {  	v7 =	vmax.f32 v7, v11  }
0xaa: {  	v7 =	vmax.f32 v7, v12  }
0xab: {  	[tilespmem:$0xC800] =	vst v7  }
0xac: {  	v8 =	vld.idx.msk [tilespmem:v0+s18+$0x0], $0xffff;
	_ =	sdelay $0x4  }
0xad: {  	v7 =	vmax.f32 v7, v8  }
0xae: {  	[tilespmem:$0xC800] =	vst v7  }
0xaf: {  	v8 =	vld.idx.msk [tilespmem:v1+s18+$0x0], $0xffff;
	_ =	sdelay $0x4  }
0xb0: {  	v7 =	vmax.f32 v7, v8  }
0xb1: {  	[tilespmem:$0xC800] =	vst v7  }
0xb2: {  	v8 =	vld.idx.msk [tilespmem:v2+s18+$0x0], $0xffff;
	_ =	sdelay $0x4  }
0xb3: {  	v7 =	vmax.f32 v7, v8  }
0xb4: {  	[tilespmem:$0xC800] =	vst v7  }
0xb5: {  	v8 =	vld.idx.msk [tilespmem:v3+s18+$0x0], $0xffff;
	_ =	sdelay $0x4  }
0xb6: {  	v7 =	vmax.f32 v7, v8  }
0xb7: {  	[tilespmem:$0xC800] =	vst v7  }
0xb8: {  	s26 =	simm.s32 $0x9F20;
	[bflag:$0x0] =	sbarrier.arrive $0xFFFF  }
0xb9: {  	v8 =	vld [tilespmem:s26+$0xFFFFFFE0];
	_ =	sdelay $0x2  }
0xba: {  	v9 =	vld [tilespmem:s26+$0xFFFFFFF0];
	_ =	sdelay $0x1  }
0xbb: {  	v10 =	vld [tilespmem:s26+$0x0];
	v8 =	vsub.f32 v8, v7;
	_ =	sdelay $0x1  }
0xbc: {  	s28 =	simm.s32 $0x9F60;
	v11 =	vld [tilespmem:s26+$0x10];
	v8 =	vmul.f32 $1.442695020e+00, v8  }
0xbd: {  	v12 =	vld [tilespmem:s28+$0xFFFFFFF0];
	v9 =	vsub.f32 v9, v7  }
0xbe: {  	(erf) = vpow2.f32 v8;
	v8 =	vld [tilespmem:s28+$0xFFFFFFE0]  }
0xbf: {  	v10 =	vsub.f32 v10, v7;
	v9 =	vmul.f32 $1.442695020e+00, v9;
	_ =	sdelay $0x1  }
0xc0: {  	v11 =	vsub.f32 v11, v7;
	v10 =	vmul.f32 $1.442695020e+00, v10;
	(erf) = vpow2.f32 v9  }
0xc1: {  	v12 =	vsub.f32 v12, v7;
	v9 =	vld [tilespmem:s28+$0x0]  }
0xc2: {  	v11 =	vmul.f32 $1.442695020e+00, v11;
	(erf) = vpow2.f32 v10;
	v10 =	vld [tilespmem:s28+$0x10];
	v8 =	vsub.f32 v8, v7  }
0xc3: {  	s29 =	simm.s32 $0x9FA0  }
0xc4: {  	v13 =	vld [tilespmem:s29+$0xFFFFFFE0];
	(erf) = vpow2.f32 v11;
	v8 =	vmul.f32 $1.442695020e+00, v8  }
0xc5: {  	v11 =	vmul.f32 $1.442695020e+00, v12  }
0xc6: {  	v14 =	vld [tilespmem:s29+$0xFFFFFFF0];
	v9 =	vsub.f32 v9, v7;
	v12 =	vpop (erf);
	(erf) = vpow2.f32 v8  }
0xc7: {  	v15 =	vimm.f32 $0.0e+00;
	v10 =	vsub.f32 v10, v7  }
0xc8: {  	v8 =	vmul.f32 $1.442695020e+00, v9;
	v9 =	vld [tilespmem:s29+$0x0];
	v15 =	vadd.f32 v12, v15;
	(erf) = vpow2.f32 v11  }
0xc9: {  	[tilespmem:s26+$0xFFFFFFE0] =	vst v12;
	v12 =	vsub.f32 v13, v7;
	v11 =	vpop (erf)  }
0xca: {  	v13 =	vmul.f32 $1.442695020e+00, v10;
	v10 =	vld [tilespmem:s29+$0x10];
	(erf) = vpow2.f32 v8;
	v8 =	vadd.f32 v11, v15  }
0xcb: {  	s30 =	simm.s32 $0x8;
	s31 =	simm.s32 $0x9FE0;
	v14 =	vsub.f32 v14, v7;
	[tilespmem:s26+$0xFFFFFFF0] =	vst v11;
	v11 =	vpop (erf)  }
.LBB2_5:
0xcc: {  	v15 =	vld [tilespmem:s31+$0xFFFFFFE0];
	v12 =	vmul.f32 $1.442695020e+00, v12;
	(erf) = vpow2.f32 v13;
	[tilespmem:s26+$0x0] =	vst v11;
	v8 =	vadd.f32 v11, v8  }
0xcd: {  	s30 =	sadd.s32 $0x4, s30;
	v11 =	vsub.f32 v9, v7;
	v9 =	vpop (erf)  }
0xce: {  	p0 =	slt.u32 s30, $0x26C;
	v13 =	vmul.f32 $1.442695020e+00, v14;
	v16 =	vld [tilespmem:s31+$0xFFFFFFF0];
	(erf) = vpow2.f32 v12;
	[tilespmem:s26+$0x10] =	vst v9;
	v8 =	vadd.f32 v9, v8;
	s26 =	smov.u32 s28;
	s28 =	smov.u32 s29  }
.Ltmp1:
0xcf: {  	s29 =	smov.u32 s31;
	v14 =	vsub.f32 v10, v7;
	v10 =	vpop (erf);
	(pc) =	sbr.rel @p0 .LBB2_5-.Ltmp1, $4  }
0xd0: {  	v17 =	vmul.f32 $1.442695020e+00, v11;
	v9 =	vld [tilespmem:s31+$0x0];
	(erf) = vpow2.f32 v13;
	[tilespmem:s26+$0xFFFFFFE0] =	vst v10;
	v8 =	vadd.f32 v10, v8  }
0xd1: {  	v12 =	vsub.f32 v15, v7;
	v15 =	vpop (erf)  }
0xd2: {  	v13 =	vmul.f32 $1.442695020e+00, v14;
	v10 =	vld [tilespmem:s31+$0x10];
	(erf) = vpow2.f32 v17;
	[tilespmem:s26+$0xFFFFFFF0] =	vst v15;
	v8 =	vadd.f32 v15, v8  }
0xd3: {  	s31 =	sadd.s32 $0x40, s31;
	v14 =	vsub.f32 v16, v7;
	v11 =	vpop (erf)  }
0xd4: {  	_ =	sdelay $0x1  }
0xd5: {  	v12 =	vmul.f32 $1.442695020e+00, v12;
	v9 =	vsub.f32 v9, v7  }
0xd6: {  	(erf) = vpow2.f32 v13;
	v13 =	vmul.f32 $1.442695020e+00, v14;
	v10 =	vsub.f32 v10, v7  }
0xd7: {  	(erf) = vpow2.f32 v12;
	v9 =	vmul.f32 $1.442695020e+00, v9  }
0xd8: {  	(erf) = vpow2.f32 v13;
	v10 =	vmul.f32 $1.442695020e+00, v10  }
0xd9: {  	(erf) = vpow2.f32 v9  }
0xda: {  	(erf) = vpow2.f32 v10  }
0xdb: {  	[tilespmem:s26+$0x0] =	vst v11;
	v9 =	vpop (erf)  }
0xdc: {  	[tilespmem:s26+$0x10] =	vst v9;
	v10 =	vpop (erf)  }
0xdd: {  	v12 =	vpop (erf);
	[tilespmem:s28+$0xFFFFFFE0] =	vst v10  }
0xde: {  	v13 =	vpop (erf);
	[tilespmem:s28+$0xFFFFFFF0] =	vst v12  }
0xdf: {  	[tilespmem:s28+$0x0] =	vst v13;
	v14 =	vpop (erf)  }
0xe0: {  	[tilespmem:s28+$0x10] =	vst v14;
	v15 =	vpop (erf)  }
0xe1: {  	[tilespmem:s29+$0xFFFFFFE0] =	vst v15;
	v16 =	vpop (erf)  }
0xe2: {  	[tilespmem:s29+$0xFFFFFFF0] =	vst v16;
	v17 =	vpop (erf)  }
0xe3: {  	[tilespmem:s29+$0x0] =	vst v17;
	v18 =	vpop (erf)  }
0xe4: {  	v8 =	vadd.f32 v11, v8;
	[tilespmem:s29+$0x10] =	vst v18  }
0xe5: {  	v11 =	vld [tilespmem:$0xC600]  }
0xe6: {  	v8 =	vadd.f32 v9, v8;
	_ =	sdelay $0x1  }
0xe7: {  	v8 =	vadd.f32 v10, v8;
	_ =	sdelay $0x1  }
0xe8: {  	v8 =	vadd.f32 v12, v8;
	v7 =	vsub.f32 v11, v7;
	_ =	sdelay $0x1  }
0xe9: {  	v8 =	vadd.f32 v13, v8;
	v7 =	vmul.f32 $1.442695020e+00, v7;
	_ =	sdelay $0x1  }
0xea: {  	v8 =	vadd.f32 v14, v8;
	(erf) = vpow2.f32 v7;
	_ =	sdelay $0x1  }
0xeb: {  	v7 =	vadd.f32 v15, v8;
	_ =	sdelay $0x1  }
0xec: {  	v7 =	vadd.f32 v16, v7;
	_ =	sdelay $0x1  }
0xed: {  	v7 =	vadd.f32 v17, v7;
	_ =	sdelay $0x1  }
0xee: {  	v7 =	vadd.f32 v18, v7  }
0xef: {  	v8 =	vpop (erf)  }
0xf0: {  	v7 =	vadd.f32 v8, v7  }
0xf1: {  	[tilespmem:$0xC600] =	vst v8  }
0xf2: {  	[tilespmem:$0xC800] =	vst v7  }
0xf3: {  	[spmem:s13] =	stream.linear.scatter [tilespmem:s18], [sflag:$0x1], $0x10, $0x38;
	[tilespmem:$0xC8A0] =	vst v63  }
0xf4: {  	_ =	swait.ge [sflag:s15], $0x10  }
0xf5: {  	[sflag:s15] =	ssyncset.done $0x0  }
0xf6: {  	[sflag:s15] =	ssyncadd.s32 $0xFFFFFFF0  }
0xf7: {  	[bflag:$0x0] =	sbarrier.arrive $0xFFFF  }
0xf8: {  	[tilespmem:s21], [sflag:$0x1] =	stream.linear.gather [spmem:s3], $0x100, $0x38;
	[tilespmem:$0xC8A0] =	vst v63  }
0xf9: {  	_ =	swait.ge [sflag:s15], $0x100  }
0xfa: {  	[sflag:s15] =	ssyncset.done $0x0  }
0xfb: {  	[sflag:s15] =	ssyncadd.s32 $0xFFFFFF00  }
0xfc: {  	v7 =	vld [tilespmem:$0xC680]  }
0xfd: {  	v8 =	vld [tilespmem:$0xC690];
	_ =	sdelay $0x1  }
0xfe: {  	v9 =	vld [tilespmem:$0xC6A0];
	_ =	sdelay $0x1  }
0xff: {  	v10 =	vld [tilespmem:$0xC6B0]  }
0x100: {  	v7 =	vadd.f32 v8, v7  }
0x101: {  	v8 =	vld [tilespmem:$0xC6C0]  }
0x102: {  	v7 =	vadd.f32 v9, v7  }
0x103: {  	v9 =	vld [tilespmem:$0xC6D0]  }
0x104: {  	v7 =	vadd.f32 v10, v7  }
0x105: {  	v10 =	vld [tilespmem:$0xC6E0]  }
0x106: {  	v7 =	vadd.f32 v8, v7  }
0x107: {  	v8 =	vld [tilespmem:$0xC6F0]  }
0x108: {  	v7 =	vadd.f32 v9, v7  }
0x109: {  	v9 =	vld [tilespmem:$0xC700]  }
0x10a: {  	v7 =	vadd.f32 v10, v7  }
0x10b: {  	v10 =	vld [tilespmem:$0xC710]  }
0x10c: {  	v7 =	vadd.f32 v8, v7  }
0x10d: {  	v8 =	vld [tilespmem:$0xC720]  }
0x10e: {  	v7 =	vadd.f32 v9, v7  }
0x10f: {  	v9 =	vld [tilespmem:$0xC730]  }
0x110: {  	v7 =	vadd.f32 v10, v7  }
0x111: {  	v10 =	vld [tilespmem:$0xC740]  }
0x112: {  	v7 =	vadd.f32 v8, v7  }
0x113: {  	v8 =	vld [tilespmem:$0xC750]  }
0x114: {  	v7 =	vadd.f32 v9, v7  }
0x115: {  	v9 =	vld [tilespmem:$0xC760]  }
0x116: {  	v7 =	vadd.f32 v10, v7  }
0x117: {  	v10 =	vld [tilespmem:$0xC770]  }
0x118: {  	v7 =	vadd.f32 v8, v7;
	_ =	sdelay $0x1  }
0x119: {  	v7 =	vadd.f32 v9, v7;
	_ =	sdelay $0x1  }
0x11a: {  	v7 =	vadd.f32 v10, v7;
	_ =	sdelay $0x1  }
0x11b: {  	[tilespmem:$0xC800] =	vst v7  }
0x11c: {  	v8 =	vld.idx.msk [tilespmem:v0+s18+$0x0], $0xffff;
	_ =	sdelay $0x4  }
0x11d: {  	v7 =	vadd.f32 v8, v7;
	_ =	sdelay $0x1  }
0x11e: {  	[tilespmem:$0xC800] =	vst v7  }
0x11f: {  	v8 =	vld.idx.msk [tilespmem:v1+s18+$0x0], $0xffff;
	_ =	sdelay $0x4  }
0x120: {  	v7 =	vadd.f32 v8, v7;
	_ =	sdelay $0x1  }
0x121: {  	[tilespmem:$0xC800] =	vst v7  }
0x122: {  	v8 =	vld.idx.msk [tilespmem:v2+s18+$0x0], $0xffff;
	_ =	sdelay $0x4  }
0x123: {  	v7 =	vadd.f32 v8, v7;
	_ =	sdelay $0x1  }
0x124: {  	[tilespmem:$0xC800] =	vst v7  }
0x125: {  	v8 =	vld.idx.msk [tilespmem:v3+s18+$0x0], $0xffff;
	_ =	sdelay $0x4  }
0x126: {  	v7 =	vadd.f32 v8, v7  }
0x127: {  	v8 =	vmov s25  }
0x128: {  	vm1 =	veq.s32 v8, v4;
	[tilespmem:$0xC800] =	vst v7  }
0x129: {  	v8 =	vnsel vm1, $0x0, v5;
	[bflag:$0x0] =	sbarrier.arrive $0xFFFF  }
0x12a: {  	[tilespmem:$0xC800] =	vst v8  }
0x12b: {  	v9 =	vld.idx.msk [tilespmem:v0+s18+$0x0], $0xffff;
	_ =	sdelay $0x4  }
0x12c: {  	v8 =	vadd.f32 v9, v8;
	_ =	sdelay $0x1  }
0x12d: {  	[tilespmem:$0xC800] =	vst v8  }
0x12e: {  	v9 =	vld.idx.msk [tilespmem:v1+s18+$0x0], $0xffff;
	_ =	sdelay $0x4  }
0x12f: {  	v8 =	vadd.f32 v9, v8;
	_ =	sdelay $0x1  }
0x130: {  	[tilespmem:$0xC800] =	vst v8  }
0x131: {  	v9 =	vld.idx.msk [tilespmem:v2+s18+$0x0], $0xffff;
	_ =	sdelay $0x4  }
0x132: {  	v8 =	vadd.f32 v9, v8;
	_ =	sdelay $0x1  }
0x133: {  	[tilespmem:$0xC800] =	vst v8  }
0x134: {  	v9 =	vld.idx.msk [tilespmem:v3+s18+$0x0], $0xffff  }
0x135: {  	(erf) = vrcp.f32 v7;
	_ =	sdelay $0x3  }
0x136: {  	v7 =	vadd.f32 v9, v8;
	_ =	sdelay $0x1  }
0x137: {  	s26 =	simm.s32 $0x9F20;
	[tilespmem:$0xC800] =	vst v7  }
0x138: {  	v8 =	vld [tilespmem:s26+$0xFFFFFFE0]  }
0x139: {  	v7 =	vmul.f32 v7, v6;
	v10 =	vld [tilespmem:s26+$0x10]  }
0x13a: {  	v9 =	vpop (erf);
	v11 =	vld [tilespmem:s26+$0x0]  }
0x13b: {  	v7 =	vmul.f32 v7, v9  }
0x13c: {  	v12 =	vld [tilespmem:s26+$0xFFFFFFF0]  }
0x13d: {  	s28 =	simm.s32 $0x9F60;
	v13 =	vmul.f32 v8, v7  }
0x13e: {  	v9 =	vld [tilespmem:s28+$0xFFFFFFE0];
	v14 =	vmul.f32 v10, v7  }
0x13f: {  	v8 =	vld [tilespmem:s28+$0x10];
	[tilespmem:s26+$0xFFFFFFE0] =	vst v13;
	v13 =	vmul.f32 v11, v7  }
0x140: {  	v10 =	vld [tilespmem:s28+$0x0];
	[tilespmem:s26+$0x10] =	vst v14  }
0x141: {  	s29 =	simm.s32 $0x4;
	v12 =	vmul.f32 v12, v7;
	v11 =	vld [tilespmem:s28+$0xFFFFFFF0];
	[tilespmem:s26+$0x0] =	vst v13  }
.LBB2_7:
0x142: {  	s29 =	sadd.s32 $0x4, s29  }
0x143: {  	[tilespmem:s26+$0xFFFFFFF0] =	vst v12;
	s26 =	smov.u32 s28;
	p0 =	slt.u32 s29, $0x26C  }
.Ltmp2:
0x144: {  	s28 =	sadd.s32 $0x40, s28;
	v12 =	vmul.f32 v9, v7;
	(pc) =	sbr.rel @p0 .LBB2_7-.Ltmp2, $4  }
0x145: {  	v9 =	vld [tilespmem:s28+$0xFFFFFFE0];
	v13 =	vmul.f32 v8, v7  }
0x146: {  	v8 =	vld [tilespmem:s28+$0x10];
	[tilespmem:s26+$0xFFFFFFE0] =	vst v12;
	v14 =	vmul.f32 v10, v7  }
0x147: {  	v10 =	vld [tilespmem:s28+$0x0];
	v12 =	vmul.f32 v11, v7;
	[tilespmem:s26+$0x10] =	vst v13  }
0x148: {  	v11 =	vld [tilespmem:s28+$0xFFFFFFF0];
	[tilespmem:s26+$0x0] =	vst v14  }
0x149: {  	_ = 	snop  }
0x14a: {  	v9 =	vmul.f32 v9, v7  }
0x14b: {  	[tilespmem:s26+$0xFFFFFFF0] =	vst v12;
	v8 =	vmul.f32 v8, v7  }
0x14c: {  	[tilespmem:s28+$0xFFFFFFE0] =	vst v9;
	v62 =	vmul.f32 v10, v7  }
0x14d: {  	v63 =	vmul.f32 v11, v7;
	[tilespmem:s28+$0x10] =	vst v8  }
0x14e: {  	[tilespmem:s28+$0x0] =	vst v62  }
0x14f: {  	[tilespmem:s28+$0xFFFFFFF0] =	vst v63  }
0x150: {  	v8 =	vld [tilespmem:$0xC600];
	_ =	sdelay $0x2  }
0x151: {  	s25 =	smul.u32 $0x27100, s25;
	_ =	sdelay $0x1  }
0x152: {  	s24 =	sadd.s32 $0x1, s24;
	s25 =	sadd.s32 s6, s25;
	v7 =	vmul.f32 v8, v7  }
0x153: {  	p0 =	sne.s32 s24, $0x4;
	s25 =	sshrl.u32 s25, $0x3  }
.Ltmp3:
0x154: {  	s25 =	sadd.s32 s1, s25;
	[tilespmem:$0xC600] =	vst v7;
	(pc) =	sbr.rel @p0 .LBB2_2-.Ltmp3, $4  }
0x155: {  	[hbm4b:s25+s4] =	stream.linear.scatter [tilespmem:s22], [sflag:$0x1], $0x2710, $0x38;
	[tilespmem:$0xC8A0] =	vst v63  }
0x156: {  	_ =	swait.ge [sflag:s15], $0x2710  }
0x157: {  	[sflag:s15] =	ssyncset.done $0x0  }
0x158: {  	[sflag:s15] =	ssyncadd.s32 $0xFFFFD8F0  }
0x159: {  	s23 =	sadd.s32 $0x1, s23  }
0x15a: {  	p0 =	sne.s32 s23, s14  }
.Ltmp4:
0x15b: {  	_ = 	snop;
	(pc) =	sbr.rel @p0 .LBB2_1-.Ltmp4, $1  }
0x15c: {  	_ =	sdelay $0x3  }
0x15d: {  	_ =	sfence.sel $0x180000  }
0x15e: {  	[bflag:$0x0] =	sbarrier.arrive $0xFFFF  }
0x15f: {  	p0 =	sne.s32 s5, $0x0;
	_ =	strace $0x90000047  }
0x160: {  	s0 =	sadd.s32 @!p0 $0x100000, s0;
	[bflag:$0x2] =	sbarrier.arrive $0xFFFF  }
0x161: {  	[sflag:s0] =	ssyncadd.tile.s32 @!p0 $0x1;
	_ =	shalt  }
.Lfunc_end2:
_tile_overlayer_lowered:
.L_overlay_start_2:
0x162: {  	(tag) =	ssettag $0x2  }
0x163: {  	s0 =	rddreg [dreg:$0x0];
	s2 =	stileid.u32  }
0x164: {  	s1 =	rddreg [dreg:$0x1];
	p0 =	sne.s32 s2, $0x0  }
0x165: {  	s3 =	rddreg [dreg:$0x2];
	[bflag:$0x3] =	sbarrier.arrive $0xFFFF;
	s2 =	simm.s32 @!p0 $0x1C01  }
0x166: {  	[timem:s3], [sflag:s2] =	dma.local @!p0 [hbm:s0], s1  }
0x167: {  	s0 =	simm.s32 @!p0 $0x1  }
0x168: {  	_ =	swait.ge @!p0 [sflag:s0], s1  }
0x169: {  	s1 =	ssub.s32 @!p0 $0x0, s1;
	[sflag:s0] =	ssyncset.done @!p0 $0x0  }
0x16a: {  	[sflag:s0] =	ssyncadd.s32 @!p0 s1  }
0x16b: {  	[bflag:$0x3] =	sbarrier.arrive $0xFFFF  }
0x16c: {  	_ =	shalt  }

// kernel: kernel.8.cloned.1.call-start
scs
__scs_entry_jumppad:
0x0: {  	(pc) =	sbr.rel $0x88, $3  }
0x1: {  	(tag) =	ssettag $0x0;
	lr =	simm.s32 $0x1  }
0x2: {  	[smem:$0x3F9B] =	sst lr;
	_ =	strace $0xD0000000  }
0x3: {  	_ = 	snop  }
0x4: {  	_ = 	snop  }
0x5: {  	_ = 	snop  }
0x6: {  	_ = 	snop  }
0x7: {  	_ = 	snop  }
__scs_overlays_trampoline_lowered:
0x8: {  	[smem:$0x3FAA] =	sst s0  }
0x9: {  	[smem:$0x3FAB] =	sst s1  }
0xa: {  	[smem:$0x3FAC] =	sst s2  }
0xb: {  	[smem:$0x3FAD] =	sst s3  }
0xc: {  	[smem:$0x3FAE] =	sst s4  }
0xd: {  	[smem:$0x3FAF] =	sst s5  }
0xe: {  	[smem:$0x3FB0] =	sst s6  }
0xf: {  	[smem:$0x3FB1] =	sst s7  }
0x10: {  	[smem:$0x3FB2] =	sst s8  }
0x11: {  	[smem:$0x3FB3] =	sst s9;
	s0 =	simm.s32 @!p0 $0x0  }
0x12: {  	s1 =	sld [smem:$0x3F99];
	s0 =	simm.s32 @p0 $0x1  }
0x13: {  	[smem:$0x3FB4] =	sst s0;
	s0 =	simm.s32 @!p1 $0x0  }
0x14: {  	s2 =	sld [smem:$0x3F98];
	s0 =	simm.s32 @p1 $0x1  }
0x15: {  	[smem:$0x3FB5] =	sst s0;
	s0 =	simm.s32 @!p2 $0x0  }
0x16: {  	s3 =	sld [smem:$0x3FDB];
	s0 =	simm.s32 @p2 $0x1  }
0x17: {  	s4 =	simm.s32 $0x1BF5;
	[smem:$0x3FB7] =	sst s0  }
0x18: {  	s0 =	sld [smem:$0x3F9A];
	_ =	swait.ge [sflag:s4], $0x0  }
0x19: {  	s7 =	sld [smem:$0x3F9B]  }
0x1a: {  	s8 =	sadd.s32 $0xFFFFE003, lr  }
0x1b: {  	s9 =	sadd.s32 $0xFFFFFEF7, lr;
	s5 =	simm.s32 $0xFFFFFFFF;
	p2 =	slt.u32 s8, $0xFFFFF086  }
0x1c: {  	p1 =	slt.u32 s9, $0xF7A;
	s5 =	simm.s32 @!p2 $0x0  }
0x1d: {  	s5 =	simm.s32 @p1 $0x1;
	p0 =	seq.s32 s7, s2  }
0x1e: {  	s7 =	smul.u32 @!p0 $0xF7A, s2;
	p2 =	seq.s32 @!p0 s5, $0x0  }
0x1f: {  	s9 =	smul.u32 $0xF7A, s1;
	s8 =	simm.s32 @!p0 $0x1BF5;
	p2 =	por !p2, p0  }
0x20: {  	[sflag:s8] =	ssyncset.s32 @!p0 $0xFFFFF086;
	s6 =	sadd.s32 @!p0 s3, s7;
	s7 =	simm.s32 @!p0 $0x108  }
0x21: {  	s3 =	sadd.s32 s3, s9;
	s6 =	sadd.s32 @!p0 $0x88, s6;
	s7 =	simm.s32 @p2 $0x1082  }
0x22: {  	[simem:s7], [sflag:s8] =	dma.local @!p0 [hbm:s6], $0xF7A  }
0x23: {  	s9 =	sor.u32 $0xD0000000, s2;
	s6 =	simm.s32 $0x108;
	_ =	swait.ge @!p0 [sflag:s8], $0x0  }
0x24: {  	s3 =	sadd.s32 $0x88, s3;
	s6 =	simm.s32 @!p1 $0x1082;
	[sflag:s4] =	ssyncset.s32 $0xFFFFF086  }
0x25: {  	[simem:s6], [sflag:s4] =	dma.local [hbm:s3], $0xF7A  }
0x26: {  	[smem:$0x3F9B] =	sst s1;
	(tag) =	ssettag s2;
	_ =	strace s9  }
0x27: {  	s1 =	sld [smem:$0x3FAB]  }
0x28: {  	s2 =	sld [smem:$0x3FAC]  }
0x29: {  	s4 =	sld [smem:$0x3FAE]  }
0x2a: {  	p0 =	seq.s32 s5, $0x0;
	s5 =	sld [smem:$0x3FAF]  }
0x2b: {  	s6 =	sld [smem:$0x3FB0]  }
0x2c: {  	s7 =	sld [smem:$0x3FB1]  }
0x2d: {  	s3 =	simm.s32 $0x108;
	s8 =	sld [smem:$0x3FB2]  }
0x2e: {  	s3 =	simm.s32 @!p0 $0x1082;
	s9 =	sld [smem:$0x3FB3]  }
0x2f: {  	lr =	sadd.s32 s0, s3;
	s0 =	sld [smem:$0x3FAA]  }
0x30: {  	s3 =	sld [smem:$0x3FAD]  }
0x31: {  	[smem:$0x3FB6] =	sst s10  }
0x32: {  	s10 =	sld [smem:$0x3FB4];
	_ =	sdelay $0x3  }
0x33: {  	p0 =	seq.s32 s10, $0x1;
	s10 =	sld [smem:$0x3FB6];
	_ =	sdelay $0x3  }
0x34: {  	[smem:$0x3FB6] =	sst s10  }
0x35: {  	s10 =	sld [smem:$0x3FB5];
	_ =	sdelay $0x3  }
0x36: {  	p1 =	seq.s32 s10, $0x1;
	s10 =	sld [smem:$0x3FB6];
	_ =	sdelay $0x3  }
0x37: {  	[smem:$0x3FB6] =	sst s10  }
0x38: {  	s10 =	sld [smem:$0x3FB7]  }
0x39: {  	_ = 	snop;
	(pc) =	sbr.ind lr, $3  }
0x3a: {  	_ = 	snop  }
0x3b: {  	_ = 	snop  }
0x3c: {  	p2 =	seq.s32 s10, $0x1;
	s10 =	sld [smem:$0x3FB6]  }
0x3d: {  	_ =	shalt  }
0x3e: {  	_ =	shalt  }
0x3f: {  	_ =	shalt  }
0x40: {  	_ =	shalt  }
0x41: {  	_ =	shalt  }
0x42: {  	_ =	shalt  }
0x43: {  	_ =	shalt  }
0x44: {  	_ =	shalt  }
0x45: {  	_ =	shalt  }
0x46: {  	_ =	shalt  }
0x47: {  	_ =	shalt  }
0x48: {  	_ =	shalt  }
0x49: {  	_ =	shalt  }
0x4a: {  	_ =	shalt  }
0x4b: {  	_ =	shalt  }
0x4c: {  	_ =	shalt  }
0x4d: {  	_ =	shalt  }
0x4e: {  	_ =	shalt  }
0x4f: {  	_ =	shalt  }
0x50: {  	_ =	shalt  }
0x51: {  	_ =	shalt  }
0x52: {  	_ =	shalt  }
0x53: {  	_ =	shalt  }
0x54: {  	_ =	shalt  }
0x55: {  	_ =	shalt  }
0x56: {  	_ =	shalt  }
0x57: {  	_ =	shalt  }
0x58: {  	_ =	shalt  }
0x59: {  	_ =	shalt  }
0x5a: {  	_ =	shalt  }
0x5b: {  	_ =	shalt  }
0x5c: {  	_ =	shalt  }
0x5d: {  	_ =	shalt  }
0x5e: {  	_ =	shalt  }
0x5f: {  	_ =	shalt  }
0x60: {  	_ =	shalt  }
0x61: {  	_ =	shalt  }
0x62: {  	_ =	shalt  }
0x63: {  	_ =	shalt  }
0x64: {  	_ =	shalt  }
0x65: {  	_ =	shalt  }
0x66: {  	_ =	shalt  }
0x67: {  	_ =	shalt  }
0x68: {  	_ =	shalt  }
0x69: {  	_ =	shalt  }
0x6a: {  	_ =	shalt  }
0x6b: {  	_ =	shalt  }
0x6c: {  	_ =	shalt  }
0x6d: {  	_ =	shalt  }
0x6e: {  	_ =	shalt  }
0x6f: {  	_ =	shalt  }
0x70: {  	_ =	shalt  }
0x71: {  	_ =	shalt  }
0x72: {  	_ =	shalt  }
0x73: {  	_ =	shalt  }
0x74: {  	_ =	shalt  }
0x75: {  	_ =	shalt  }
0x76: {  	_ =	shalt  }
0x77: {  	_ =	shalt  }
0x78: {  	_ =	shalt  }
0x79: {  	_ =	shalt  }
0x7a: {  	_ =	shalt  }
0x7b: {  	_ =	shalt  }
0x7c: {  	_ =	shalt  }
0x7d: {  	_ =	shalt  }
0x7e: {  	_ =	shalt  }
0x7f: {  	_ =	shalt  }
0x80: {  	_ =	shalt  }
0x81: {  	_ =	shalt  }
0x82: {  	_ =	shalt  }
0x83: {  	_ =	shalt  }
0x84: {  	_ =	shalt  }
0x85: {  	_ =	shalt  }
0x86: {  	_ =	shalt  }
0x87: {  	_ =	shalt  }
.Lfunc_end0:
.L_simem_size_0:
called_computation.1_lowered:
.L_overlay_start_0:
0x88: {  	s2 =	sld [smem:$0x3FD9]  }
0x89: {  	s3 =	sld [smem:$0x3FFE];
	_ =	sdelay $0x1  }
0x8a: {  	s1 =	srdreg.scid  }
0x8b: {  	s0 =	sand.u32 $0x1, s1  }
0x8c: {  	s17 =	sshll.u32 s0, $0xA;
	s2 =	sadd.s32 s3, s2  }
0x8d: {  	s2 =	sadd.s32 s2, s17  }
0x8e: {  	[smem:$0x3FC2] =	sst s2  }
0x8f: {  	_ = 	snop  }
0x90: {  	s2 =	sld [smem:$0x3FD0];
	(tm) =	ssettm $0x1  }
0x91: {  	s18 =	sld [smem:$0x3FFB];
	_ =	sdelay $0x3  }
0x92: {  	_ =	strace s18  }
0x93: {  	s3 =	sld [smem:$0x3FFC];
	_ =	sdelay $0x3  }
0x94: {  	_ =	strace s3  }
0x95: {  	s3 =	sld [smem:$0x3FFD];
	_ =	sdelay $0x3  }
0x96: {  	_ =	strace s3  }
0x97: {  	_ =	strace $0x8FFFFFFF  }
0x98: {  	s19 =	sld [smem:$0x3FDB];
	_ =	sdelay $0x1  }
0x99: {  	s4 =	simm.s32 $_scs_section_size  }
0x9a: {  	s5 =	simm.s32 $_size__tile_overlayer_lowered;
	s6 =	simm.s32 $_tile_overlayer_lowered  }
0x9b: {  	s22 =	simm.s32 $0x1BFF;
	s21 =	sshll.u32 s6, $0x1;
	s3 =	sadd.s32 s4, s19  }
0x9c: {  	s7 =	simm.s32 $0x0;
	s20 =	sshll.u32 s5, $0x1;
	s5 =	sadd.s32 s21, s3  }
0x9d: {  	[timem:s7], [sflag:s22] =	dma.local [hbm:s5], s20  }
0x9e: {  	_ =	swait.ge [sflag:s22], s20  }
0x9f: {  	s4 =	ssub.s32 $0x0, s20;
	[sflag:s22] =	ssyncset.done $0x0  }
0xa0: {  	[sflag:s22] =	ssyncadd.s32 s4;
	_ =	sdelay $0x1  }
0xa1: {  	s23 =	simm.s32 $0x1B8B  }
0xa2: {  	_ =	swait.ge [sflag:s23], $0x1  }
0xa3: {  	[sflag:s23] =	ssyncset.done $0x0  }
0xa4: {  	s25 =	simm.s32 $0x1B8E;
	s24 =	sld [smem:$0x3FFE];
	[sflag:s23] =	ssyncadd.s32 $0xFFFFFFFF  }
0xa5: {  	s26 =	simm.s32 $execute0_lowered;
	[smem:$0x3FD2] =	sst s25  }
0xa6: {  	s5 =	sshll.u32 s26, $0x1;
	_ =	strace $0x80000049;
	[dreg:$0x1] =	wrdreg $0xFFFFFFFF  }
0xa7: {  	s28 =	simm.s32 $_size_execute0_lowered;
	s3 =	sadd.s32 s3, s5;
	[dreg:$0x0] =	wrdreg $0x0  }
0xa8: {  	s5 =	sshll.u32 s28, $0x1;
	[dreg:$0x2] =	wrdreg s3  }
0xa9: {  	[dreg:$0x3] =	wrdreg s5  }
0xaa: {  	[dreg:$0x4] =	wrdreg $0xC0  }
0xab: {  	_ =	task [dreg:s7], $0x5FFFF  }
0xac: {  	[dreg:$0x1] =	wrdreg $0xFFFFFFFF  }
0xad: {  	[dreg:$0x0] =	wrdreg $0x60  }
0xae: {  	[dreg:$0x2] =	wrdreg s24  }
0xaf: {  	[dreg:$0x3] =	wrdreg s2  }
0xb0: {  	[dreg:$0x4] =	wrdreg $0xB8800  }
0xb1: {  	[dreg:$0x5] =	wrdreg $0x9  }
0xb2: {  	_ =	task.clear_ibuf [dreg:s7], $0x6FFFF;
	_ =	strace $0x90000049  }
0xb3: {  	s29 =	simm.s32 $0x9;
	_ =	strace $0x8000004B  }
0xb4: {  	_ =	swait.ge [sflag:s29], $0x1  }
0xb5: {  	[sflag:s29] =	ssyncadd.s32 $0xFFFFFFFF  }
0xb6: {  	_ =	strace $0x9000004B  }
0xb7: {  	_ =	sfence  }
0xb8: {  	s30 =	sld [smem:$0x0];
	_ =	sdelay $0x2  }
0xb9: {  	s31 =	sshll.u32 s1, $0xD;
	s1 =	sshrl.u32 s1, $0x2  }
0xba: {  	s3 =	sand.u32 $0x4000, s31;
	s1 =	sadd.s32 s1, s30  }
0xbb: {  	s0 =	sor.u32 s3, s0;
	s1 =	sshll.u32 s1, $0x11  }
0xbc: {  	s0 =	sor.u32 s1, s0  }
0xbd: {  	s0 =	sadd.s32 $0x8F2B, s0  }
0xbe: {  	[sflag:s0] =	ssyncadd.remote.s32 $0x1  }
0xbf: {  	_ =	sfence.sel $0xFFFF  }
0xc0: {  	[dreg:$0x0] =	wrdreg $0xFFFFFFFF;
	(pc) =	sbr.abs _section_cstart, $3  }
0xc1: {  	[dreg:$0x1] =	wrdreg $0xFFFFFFFF  }
0xc2: {  	_ =	task.clear_ibuf [dreg:s7], $0x2FFFF;
	_ =	strace $0x9FFFFFFF  }
0xc3: {  	(tm) =	ssettm $0x7FFFFFFF  }
tec
execute0_lowered:
.L_overlay_start_1:
0x0: {  	(tag) =	ssettag $0x1  }
0x1: {  	s0 =	rddreg [dreg:$0x0]  }
0x2: {  	s1 =	rddreg [dreg:$0x1]  }
0x3: {  	s2 =	rddreg [dreg:$0x2]  }
0x4: {  	s4 =	simm.s32 $0x0;
	s11 =	stileid.u32;
	s7 =	srdreg.scid  }
0x5: {  	s28 =	simm.s32 $0x1;
	[smem:$0x7FF] =	sst s4;
	s6 =	smul.u32 $0x2710, s11  }
0x6: {  	s5 =	sadd.s32 $0xAE00, s0;
	s3 =	sshll.u32 s11, $0xB;
	s8 =	smul.u32 $0x28000, s11  }
0x7: {  	s7 =	sand.u32 $0x1, s7;
	s11 =	smul.u32 $0x50000, s11;
	_ =	strace $0x8000004A  }
0x8: {  	s3 =	sadd.s32 s3, s0;
	s10 =	sshll.u32 s7, $0xA;
	s9 =	sshrl.u32 s6, $0x3  }
0x9: {  	s8 =	sor.u32 s10, s8;
	s11 =	sshrl.u32 s11, $0x2;
	s3 =	sadd.s32 $0x28FE00, s3  }
0xa: {  	s9 =	sadd.s32 s9, s0;
	s8 =	sshrl.u32 s8, $0x3;
	[dreg:$0x4] =	wrdreg s3  }
0xb: {  	s0 =	sadd.s32 s8, s0;
	s8 =	sadd.s32 s11, s2;
	s19 =	sadd.s32 $0x5C00, s9  }
0xc: {  	s29 =	simm.s32 $0x3;
	[dreg:$0x5] =	wrdreg s19;
	s20 =	sadd.s32 $0x2800, s8  }
0xd: {  	s30 =	simm.s32 $0x2;
	s21 =	sadd.s32 $0x5000, s8;
	[dreg:$0x6] =	wrdreg s20  }
0xe: {  	s31 =	simm.s32 $0x4;
	s22 =	sadd.s32 $0x7800, s8;
	[dreg:$0x7] =	wrdreg s21  }
0xf: {  	s18 =	ssub.s32 $0x2, s7;
	s23 =	sadd.s32 $0xA000, s8;
	[dreg:$0x8] =	wrdreg s22  }
0x10: {  	s12 =	sshrl.u32 s18, $0x1;
	s24 =	sadd.s32 $0xC800, s8;
	[dreg:$0x9] =	wrdreg s23  }
0x11: {  	s10 =	ssub.s32 s18, s12;
	s25 =	sadd.s32 $0xF000, s8;
	[dreg:$0xa] =	wrdreg s24  }
0x12: {  	s3 =	simm.s32 $0x0;
	s26 =	sadd.s32 $0x11800, s8;
	[dreg:$0xb] =	wrdreg s25  }
0x13: {  	s0 =	sadd.s32 $0x297E00, s0;
	s19 =	smax.u32 s10, $0x1;
	[dreg:$0xc] =	wrdreg s26  }
0x14: {  	[dreg:$0xd] =	wrdreg s0;
	s20 =	simm.s32 $0x5;
	s21 =	simm.s32 $0x4000  }
0x15: {  	s22 =	simm.s32 $0x6880;
	s23 =	simm.s32 $0x50;
	s24 =	simm.s32 $0x6780  }
0x16: {  	v0 =	vimm.f32 $0.0e+00;
	s25 =	simm.s32 $0x9080;
	s26 =	simm.s32 $0x6800;
	s0 =	simm.s32 $0x3E00  }
.LBB2_1:
0x17: {  	s9 =	rddreg [dreg:$0x4]  }
0x18: {  	[tilespmem:s4], [sflag:$0x5] =	stream.linear.gather [hbm4b:s9+s4], $0x3E80, $0x38;
	[tilespmem:$0x1F880] =	vst v63  }
0x19: {  	_ =	swait.ge [sflag:s20], $0x3E80  }
0x1a: {  	[sflag:s20] =	ssyncset.done $0x0  }
0x1b: {  	s18 =	rddreg [dreg:$0x5];
	[sflag:s20] =	ssyncadd.s32 $0xFFFFC180  }
0x1c: {  	[tilespmem:s21], [sflag:$0x5] =	stream.linear.gather [hbm4b:s18+s4], $0x2710, $0x38;
	[tilespmem:$0x1F880] =	vst v63  }
0x1d: {  	_ =	swait.ge [sflag:s20], $0x2710  }
0x1e: {  	[sflag:s20] =	ssyncset.done $0x0  }
0x1f: {  	s10 =	simm.s32 $0x200;
	s9 =	simm.s32 $0x0;
	[sflag:s20] =	ssyncadd.s32 $0xFFFFD8F0  }
.LBB2_2:
0x20: {  	p0 =	sne.s32 s10, $0x9E00;
	[tilespmem:s9+$0x68F0] =	vst v0  }
0x21: {  	[tilespmem:s9+$0x6880] =	vst v0  }
0x22: {  	[tilespmem:s9+$0x6890] =	vst v0  }
.Ltmp0:
0x23: {  	[tilespmem:s9+$0x68A0] =	vst v0;
	(pc) =	sbr.rel @p0 .LBB2_2-.Ltmp0, $4  }
0x24: {  	[tilespmem:s9+$0x68B0] =	vst v0  }
0x25: {  	[tilespmem:s9+$0x68C0] =	vst v0  }
0x26: {  	[tilespmem:s9+$0x68D0] =	vst v0  }
0x27: {  	[tilespmem:s9+$0x68E0] =	vst v0;
	s9 =	sshra.s32 s10, $0x2;
	s10 =	sadd.s32 $0x200, s10  }
0x28: {  	[tilespmem:s9+$0x68F0] =	vst v0  }
0x29: {  	[tilespmem:s9+$0x6880] =	vst v0  }
0x2a: {  	[tilespmem:s9+$0x6890] =	vst v0  }
0x2b: {  	[tilespmem:s9+$0x68A0] =	vst v0  }
0x2c: {  	[tilespmem:s9+$0x68B0] =	vst v0  }
0x2d: {  	[tilespmem:s9+$0x68C0] =	vst v0  }
0x2e: {  	[tilespmem:s9+$0x68D0] =	vst v0  }
0x2f: {  	[tilespmem:s9+$0x68E0] =	vst v0  }
0x30: {  	[spmem:s8] =	stream.linear.scatter [tilespmem:s22], [sflag:$0x5], $0x2800, $0x38;
	[tilespmem:$0x1F880] =	vst v63  }
0x31: {  	_ =	swait.ge [sflag:s20], $0x2800  }
0x32: {  	[sflag:s20] =	ssyncset.done $0x0  }
0x33: {  	s12 =	rddreg [dreg:$0x6];
	[sflag:s20] =	ssyncadd.s32 $0xFFFFD800  }
0x34: {  	[spmem:s12] =	stream.linear.scatter [tilespmem:s22], [sflag:$0x5], $0x2800, $0x38;
	[tilespmem:$0x1F880] =	vst v63  }
0x35: {  	_ =	swait.ge [sflag:s20], $0x2800  }
0x36: {  	[sflag:s20] =	ssyncset.done $0x0  }
0x37: {  	s13 =	rddreg [dreg:$0x7];
	[sflag:s20] =	ssyncadd.s32 $0xFFFFD800  }
0x38: {  	[spmem:s13] =	stream.linear.scatter [tilespmem:s22], [sflag:$0x5], $0x2800, $0x38;
	[tilespmem:$0x1F880] =	vst v63  }
0x39: {  	_ =	swait.ge [sflag:s20], $0x2800  }
0x3a: {  	[sflag:s20] =	ssyncset.done $0x0  }
0x3b: {  	s14 =	rddreg [dreg:$0x8];
	[sflag:s20] =	ssyncadd.s32 $0xFFFFD800  }
0x3c: {  	[spmem:s14] =	stream.linear.scatter [tilespmem:s22], [sflag:$0x5], $0x2800, $0x38;
	[tilespmem:$0x1F880] =	vst v63  }
0x3d: {  	_ =	swait.ge [sflag:s20], $0x2800  }
0x3e: {  	[sflag:s20] =	ssyncset.done $0x0  }
0x3f: {  	s15 =	rddreg [dreg:$0x9];
	[sflag:s20] =	ssyncadd.s32 $0xFFFFD800  }
0x40: {  	[spmem:s15] =	stream.linear.scatter [tilespmem:s22], [sflag:$0x5], $0x2800, $0x38;
	[tilespmem:$0x1F880] =	vst v63  }
0x41: {  	_ =	swait.ge [sflag:s20], $0x2800  }
0x42: {  	[sflag:s20] =	ssyncset.done $0x0  }
0x43: {  	s16 =	rddreg [dreg:$0xa];
	[sflag:s20] =	ssyncadd.s32 $0xFFFFD800  }
0x44: {  	[spmem:s16] =	stream.linear.scatter [tilespmem:s22], [sflag:$0x5], $0x2800, $0x38;
	[tilespmem:$0x1F880] =	vst v63  }
0x45: {  	_ =	swait.ge [sflag:s20], $0x2800  }
0x46: {  	[sflag:s20] =	ssyncset.done $0x0  }
0x47: {  	s17 =	rddreg [dreg:$0xb];
	[sflag:s20] =	ssyncadd.s32 $0xFFFFD800  }
0x48: {  	[spmem:s17] =	stream.linear.scatter [tilespmem:s22], [sflag:$0x5], $0x2800, $0x38;
	[tilespmem:$0x1F880] =	vst v63  }
0x49: {  	_ =	swait.ge [sflag:s20], $0x2800  }
0x4a: {  	[sflag:s20] =	ssyncset.done $0x0  }
0x4b: {  	s18 =	rddreg [dreg:$0xc];
	[sflag:s20] =	ssyncadd.s32 $0xFFFFD800  }
0x4c: {  	[spmem:s18] =	stream.linear.scatter [tilespmem:s22], [sflag:$0x5], $0x2800, $0x38;
	[tilespmem:$0x1F880] =	vst v63  }
0x4d: {  	_ =	swait.ge [sflag:s20], $0x2800  }
0x4e: {  	[sflag:s20] =	ssyncset.done $0x0  }
0x4f: {  	[sflag:s20] =	ssyncadd.s32 $0xFFFFD800  }
0x50: {  	s9 =	simm.s32 $0x0;
	s10 =	simm.s32 $0x0;
	[bflag:$0x0] =	sbarrier.arrive $0xFFFF  }
.LBB2_4:
0x51: {  	s11 =	sshll.u32 s10, $0x1  }
0x52: {  	s12 =	smul.u32 $0x27100, s10;
	s11 =	sor.u32 s7, s11  }
0x53: {  	s13 =	smul.u32 $0x28000, s11  }
0x54: {  	s11 =	sadd.s32 s6, s12  }
0x55: {  	s18 =	sshrl.u32 s11, $0x3;
	s12 =	sadd.s32 s5, s13  }
0x56: {  	[tilespmem:s22], [sflag:$0x1] =	stream.indirect.gather [hbm4b:s12+s23], $0x80, s21, s23, $0xb8;
	[tilespmem:$0x1F880] =	vst v63  }
0x57: {  	s13 =	sadd.s32 s1, s18  }
0x58: {  	[tilespmem:s24], [sflag:$0x3] =	stream.linear.gather [hbm4b:s13+s9], $0x50, $0x38;
	[tilespmem:$0x1F880] =	vst v63  }
0x59: {  	s13 =	simm.s32 $0x0  }
.LBB2_5:
0x5a: {  	s14 =	sshllo.u32 s13, $0x1  }
0x5b: {  	s15 =	smul.u32 $0x50, s14;
	_ =	sdelay $0x1  }
0x5c: {  	s16 =	sadd.s32 $0x4000, s15;
	s15 =	sadd.s32 s11, s15  }
0x5d: {  	[tilespmem:s25], [sflag:$0x2] =	stream.indirect.gather [hbm4b:s12+s23], $0x80, s16, s23, $0xb8;
	[tilespmem:$0x1F880] =	vst v63  }
0x5e: {  	s15 =	sshrl.u32 s15, $0x3  }
0x5f: {  	s15 =	sadd.s32 s1, s15  }
0x60: {  	[tilespmem:s26], [sflag:$0x4] =	stream.linear.gather [hbm4b:s15+s4], $0x50, $0x38;
	[tilespmem:$0x1F880] =	vst v63  }
0x61: {  	_ =	swait.ge [sflag:s28], $0x2800  }
0x62: {  	[sflag:s28] =	ssyncset.done $0x0  }
0x63: {  	[sflag:s28] =	ssyncadd.s32 $0xFFFFD800  }
0x64: {  	_ =	swait.ge [sflag:s29], $0x50  }
0x65: {  	[sflag:s29] =	ssyncset.done $0x0  }
0x66: {  	s18 =	simm.s32 $0x6782;
	[sflag:s29] =	ssyncadd.s32 $0xFFFFFFB0  }
0x67: {  	s15 =	simm.s32 $0x6980;
	v1 =	vld.msk [tilespmem:s18+$0x1 ss:$0x0], $0xffff  }
0x68: {  	v2 =	vld [tilespmem:s15+$0xF0]  }
0x69: {  	v3 =	vld.msk [tilespmem:s18+$0xFFFFFFFE ss:$0x0], $0xffff  }
0x6a: {  	v4 =	vld [tilespmem:s15+$0xFFFFFF00]  }
0x6b: {  	v5 =	vld [tilespmem:s15+$0xFFFFFF10]  }
0x6c: {  	v6 =	vld [tilespmem:s15+$0xFFFFFF20]  }
0x6d: {  	v7 =	vld [tilespmem:s15+$0xFFFFFF30]  }
0x6e: {  	v10 =	vld [tilespmem:s15+$0xFFFFFF60]  }
0x6f: {  	v8 =	vld [tilespmem:s15+$0xFFFFFF40]  }
0x70: {  	v9 =	vld [tilespmem:s15+$0xFFFFFF50];
	v4 =	vmul.f32 v3, v4  }
0x71: {  	v11 =	vld.msk [tilespmem:s18+$0xFFFFFFFF ss:$0x0], $0xffff;
	v2 =	vmul.f32 v2, v1  }
0x72: {  	v12 =	vld [tilespmem:s15+$0xFFFFFF80];
	v5 =	vmul.f32 v5, v3;
	[tilespmem:s15+$0xFFFFFF00] =	vst v4  }
0x73: {  	v63 =	vld [tilespmem:s15+$0xFFFFFFD0];
	v10 =	vmul.f32 v10, v3;
	[tilespmem:s15+$0xF0] =	vst v2  }
0x74: {  	v4 =	vld [tilespmem:s15+$0xFFFFFF70];
	v2 =	vmul.f32 v6, v3;
	[tilespmem:s15+$0xFFFFFF10] =	vst v5  }
0x75: {  	v6 =	vld [tilespmem:s15+$0xFFFFFF90];
	v5 =	vmul.f32 v7, v3;
	[tilespmem:s15+$0xFFFFFF60] =	vst v10  }
0x76: {  	v7 =	vld [tilespmem:s15+$0xFFFFFFA0];
	[tilespmem:s15+$0xFFFFFF20] =	vst v2;
	v2 =	vmul.f32 v8, v3  }
0x77: {  	v8 =	vld [tilespmem:s15+$0xFFFFFFB0];
	[tilespmem:s15+$0xFFFFFF30] =	vst v5;
	v5 =	vmul.f32 v9, v3  }
0x78: {  	v9 =	vld [tilespmem:s15+$0xFFFFFFC0];
	[tilespmem:s15+$0xFFFFFF40] =	vst v2;
	v2 =	vmul.f32 v11, v12  }
0x79: {  	[tilespmem:s15+$0xFFFFFF50] =	vst v5;
	v5 =	vld [tilespmem:s15+$0xFFFFFFE0];
	v3 =	vmul.f32 v4, v3  }
0x7a: {  	v4 =	vld.msk [tilespmem:s18+$0x0 ss:$0x0], $0xffff;
	[tilespmem:s15+$0xFFFFFF80] =	vst v2;
	v2 =	vmul.f32 v6, v11  }
0x7b: {  	v6 =	vld [tilespmem:s15+$0xFFFFFFF0];
	[tilespmem:s15+$0xFFFFFF70] =	vst v3;
	v3 =	vmul.f32 v7, v11  }
0x7c: {  	v7 =	vld [tilespmem:s15+$0x0];
	[tilespmem:s15+$0xFFFFFF90] =	vst v2;
	v2 =	vmul.f32 v8, v11  }
0x7d: {  	v8 =	vld [tilespmem:s15+$0x10];
	[tilespmem:s15+$0xFFFFFFA0] =	vst v3;
	v3 =	vmul.f32 v9, v11  }
0x7e: {  	v9 =	vld [tilespmem:s15+$0x20];
	[tilespmem:s15+$0xFFFFFFB0] =	vst v2;
	v2 =	vmul.f32 v63, v11  }
0x7f: {  	v10 =	vld [tilespmem:s15+$0x30];
	[tilespmem:s15+$0xFFFFFFC0] =	vst v3;
	v3 =	vmul.f32 v5, v11  }
0x80: {  	v5 =	vld [tilespmem:s15+$0x40];
	v6 =	vmul.f32 v6, v11;
	[tilespmem:s15+$0xFFFFFFD0] =	vst v2  }
0x81: {  	v2 =	vmul.f32 v4, v7;
	v7 =	vld [tilespmem:s15+$0x50];
	[tilespmem:s15+$0xFFFFFFE0] =	vst v3  }
0x82: {  	v11 =	vld [tilespmem:s15+$0x60];
	v3 =	vmul.f32 v8, v4;
	[tilespmem:s15+$0xFFFFFFF0] =	vst v6  }
0x83: {  	v6 =	vld [tilespmem:s15+$0x70];
	[tilespmem:s15+$0x0] =	vst v2;
	v2 =	vmul.f32 v9, v4  }
0x84: {  	v8 =	vld [tilespmem:s15+$0x80];
	[tilespmem:s15+$0x10] =	vst v3;
	v3 =	vmul.f32 v10, v4  }
0x85: {  	v9 =	vld [tilespmem:s15+$0x90];
	[tilespmem:s15+$0x20] =	vst v2;
	v2 =	vmul.f32 v5, v4  }
0x86: {  	[tilespmem:s15+$0x30] =	vst v3;
	v5 =	vmul.f32 v7, v4;
	v3 =	vld [tilespmem:s15+$0xA0]  }
0x87: {  	v7 =	vmul.f32 v11, v4;
	[tilespmem:s15+$0x40] =	vst v2;
	v2 =	vld [tilespmem:s15+$0xB0]  }
0x88: {  	v6 =	vmul.f32 v6, v4;
	v4 =	vld [tilespmem:s15+$0xC0];
	[tilespmem:s15+$0x50] =	vst v5  }
0x89: {  	v8 =	vmul.f32 v1, v8;
	[tilespmem:s15+$0x60] =	vst v7;
	v5 =	vld [tilespmem:s15+$0xD0]  }
0x8a: {  	s17 =	simm.s32 $0x6786;
	s16 =	simm.s32 $0x0;
	s18 =	simm.s32 $0x6980;
	v7 =	vmul.f32 v9, v1;
	[tilespmem:s15+$0x70] =	vst v6;
	v6 =	vld [tilespmem:s15+$0xE0]  }
.LBB2_6:
0x8b: {  	v9 =	vld.msk [tilespmem:s17+$0x1 ss:$0x0], $0xffff;
	s16 =	sadd.s32 $0x4, s16;
	[tilespmem:s15+$0x80] =	vst v8;
	v3 =	vmul.f32 v3, v1;
	s18 =	sadd.s32 $0x200, s18  }
0x8c: {  	v8 =	vld [tilespmem:s18+$0xF0];
	p0 =	slt.u32 s16, $0x4C;
	[tilespmem:s15+$0x90] =	vst v7;
	v2 =	vmul.f32 v2, v1  }
0x8d: {  	v7 =	vld.msk [tilespmem:s17+$0xFFFFFFFF ss:$0x0], $0xffff;
	[tilespmem:s15+$0xA0] =	vst v3;
	v3 =	vmul.f32 v4, v1  }
0x8e: {  	v4 =	vld.msk [tilespmem:s17+$0x0 ss:$0x0], $0xffff;
	[tilespmem:s15+$0xB0] =	vst v2;
	v2 =	vmul.f32 v5, v1  }
0x8f: {  	v5 =	vld.msk [tilespmem:s17+$0xFFFFFFFE ss:$0x0], $0xffff;
	[tilespmem:s15+$0xC0] =	vst v3;
	v10 =	vmul.f32 v6, v1  }
0x90: {  	v3 =	vld [tilespmem:s18+$0xFFFFFF00];
	[tilespmem:s15+$0xD0] =	vst v2  }
0x91: {  	v1 =	vmov v9;
	v2 =	vld [tilespmem:s18+$0xFFFFFF10];
	v6 =	vmul.f32 v8, v9;
	[tilespmem:s15+$0xE0] =	vst v10;
	s15 =	smov.u32 s18  }
0x92: {  	v8 =	vld [tilespmem:s18+$0xFFFFFF20]  }
0x93: {  	v9 =	vld [tilespmem:s18+$0xFFFFFF30];
	[tilespmem:s18+$0xF0] =	vst v6  }
0x94: {  	v6 =	vld [tilespmem:s18+$0xFFFFFF40]  }
0x95: {  	v3 =	vmul.f32 v5, v3;
	v10 =	vld [tilespmem:s18+$0xFFFFFF50]  }
0x96: {  	v2 =	vmul.f32 v2, v5;
	v11 =	vld [tilespmem:s18+$0xFFFFFF60]  }
0x97: {  	[tilespmem:s18+$0xFFFFFF00] =	vst v3;
	v3 =	vmul.f32 v8, v5;
	v8 =	vld [tilespmem:s18+$0xFFFFFF70]  }
0x98: {  	[tilespmem:s18+$0xFFFFFF10] =	vst v2;
	v2 =	vmul.f32 v9, v5;
	v9 =	vld [tilespmem:s18+$0xFFFFFF80]  }
0x99: {  	[tilespmem:s18+$0xFFFFFF20] =	vst v3;
	v3 =	vmul.f32 v6, v5;
	v6 =	vld [tilespmem:s18+$0xFFFFFF90]  }
0x9a: {  	[tilespmem:s18+$0xFFFFFF30] =	vst v2;
	v2 =	vmul.f32 v10, v5;
	v10 =	vld [tilespmem:s18+$0xFFFFFFA0]  }
0x9b: {  	[tilespmem:s18+$0xFFFFFF40] =	vst v3;
	v3 =	vmul.f32 v11, v5;
	v11 =	vld [tilespmem:s18+$0xFFFFFFB0]  }
0x9c: {  	[tilespmem:s18+$0xFFFFFF50] =	vst v2;
	v2 =	vmul.f32 v8, v5;
	v5 =	vld [tilespmem:s18+$0xFFFFFFC0]  }
0x9d: {  	[tilespmem:s18+$0xFFFFFF60] =	vst v3;
	v3 =	vmul.f32 v7, v9;
	v8 =	vld [tilespmem:s18+$0xFFFFFFD0]  }
0x9e: {  	[tilespmem:s18+$0xFFFFFF70] =	vst v2;
	v2 =	vmul.f32 v6, v7;
	v6 =	vld [tilespmem:s18+$0xFFFFFFE0]  }
0x9f: {  	[tilespmem:s18+$0xFFFFFF80] =	vst v3;
	v3 =	vmul.f32 v10, v7;
	v9 =	vld [tilespmem:s18+$0xFFFFFFF0]  }
0xa0: {  	[tilespmem:s18+$0xFFFFFF90] =	vst v2;
	v2 =	vmul.f32 v11, v7;
	v10 =	vld [tilespmem:s18+$0x0]  }
0xa1: {  	[tilespmem:s18+$0xFFFFFFA0] =	vst v3;
	v3 =	vmul.f32 v5, v7;
	v5 =	vld [tilespmem:s18+$0x10]  }
0xa2: {  	[tilespmem:s18+$0xFFFFFFB0] =	vst v2;
	v2 =	vmul.f32 v8, v7;
	v8 =	vld [tilespmem:s18+$0x20]  }
0xa3: {  	[tilespmem:s18+$0xFFFFFFC0] =	vst v3;
	v3 =	vmul.f32 v6, v7;
	v6 =	vld [tilespmem:s18+$0x30]  }
0xa4: {  	[tilespmem:s18+$0xFFFFFFD0] =	vst v2;
	v2 =	vmul.f32 v9, v7;
	v7 =	vld [tilespmem:s18+$0x40]  }
0xa5: {  	[tilespmem:s18+$0xFFFFFFE0] =	vst v3;
	v3 =	vmul.f32 v4, v10;
	v9 =	vld [tilespmem:s18+$0x50]  }
0xa6: {  	[tilespmem:s18+$0xFFFFFFF0] =	vst v2;
	v2 =	vmul.f32 v5, v4;
	v5 =	vld [tilespmem:s18+$0x60]  }
0xa7: {  	[tilespmem:s18+$0x0] =	vst v3;
	v3 =	vmul.f32 v8, v4;
	v8 =	vld [tilespmem:s18+$0x70]  }
0xa8: {  	[tilespmem:s18+$0x10] =	vst v2;
	v2 =	vmul.f32 v6, v4;
	v6 =	vld [tilespmem:s18+$0x80]  }
0xa9: {  	[tilespmem:s18+$0x20] =	vst v3;
	v7 =	vmul.f32 v7, v4;
	v10 =	vld [tilespmem:s18+$0x90]  }
.Ltmp1:
0xaa: {  	[tilespmem:s18+$0x30] =	vst v2;
	v9 =	vmul.f32 v9, v4;
	v3 =	vld [tilespmem:s18+$0xA0];
	(pc) =	sbr.rel @p0 .LBB2_6-.Ltmp1, $4  }
0xab: {  	[tilespmem:s18+$0x40] =	vst v7;
	v5 =	vmul.f32 v5, v4;
	v2 =	vld [tilespmem:s18+$0xB0]  }
0xac: {  	[tilespmem:s18+$0x50] =	vst v9;
	v7 =	vmul.f32 v8, v4;
	v4 =	vld [tilespmem:s18+$0xC0]  }
0xad: {  	[tilespmem:s18+$0x60] =	vst v5;
	v8 =	vmul.f32 v1, v6;
	v5 =	vld [tilespmem:s18+$0xD0]  }
0xae: {  	s17 =	sadd.s32 $0x4, s17;
	[tilespmem:s18+$0x70] =	vst v7;
	v7 =	vmul.f32 v10, v1;
	v6 =	vld [tilespmem:s18+$0xE0]  }
0xaf: {  	[tilespmem:s15+$0x80] =	vst v8;
	v3 =	vmul.f32 v3, v1  }
0xb0: {  	[tilespmem:s15+$0x90] =	vst v7;
	v2 =	vmul.f32 v2, v1  }
0xb1: {  	[tilespmem:s15+$0xA0] =	vst v3;
	v3 =	vmul.f32 v4, v1  }
0xb2: {  	[tilespmem:s15+$0xB0] =	vst v2;
	v2 =	vmul.f32 v5, v1  }
0xb3: {  	[tilespmem:s15+$0xC0] =	vst v3;
	v1 =	vmul.f32 v6, v1  }
0xb4: {  	s16 =	sshll.u32 s13, $0x8;
	[tilespmem:s15+$0xD0] =	vst v2  }
0xb5: {  	s17 =	sand.u32 $0x3FFFFF00, s16;
	[tilespmem:s15+$0xE0] =	vst v1  }
0xb6: {  	[spmem:s2] =	stream.indirect.scatter.add.f32 [tilespmem:s22], [sflag:$0x1], $0x80, s17, s23, $0xb8;
	[tilespmem:$0x1F880] =	vst v63  }
0xb7: {  	_ =	swait.ge [sflag:s30], $0x2800  }
0xb8: {  	[sflag:s30] =	ssyncset.done $0x0  }
0xb9: {  	[sflag:s30] =	ssyncadd.s32 $0xFFFFD800  }
0xba: {  	_ =	swait.ge [sflag:s31], $0x50  }
0xbb: {  	[sflag:s31] =	ssyncset.done $0x0  }
0xbc: {  	s18 =	simm.s32 $0x6802;
	[sflag:s31] =	ssyncadd.s32 $0xFFFFFFB0  }
0xbd: {  	s15 =	simm.s32 $0x9180;
	v1 =	vld.msk [tilespmem:s18+$0x1 ss:$0x0], $0xffff  }
0xbe: {  	v2 =	vld [tilespmem:s15+$0xF0]  }
0xbf: {  	v3 =	vld.msk [tilespmem:s18+$0xFFFFFFFE ss:$0x0], $0xffff  }
0xc0: {  	v4 =	vld [tilespmem:s15+$0xFFFFFF00]  }
0xc1: {  	v5 =	vld [tilespmem:s15+$0xFFFFFF10]  }
0xc2: {  	v6 =	vld [tilespmem:s15+$0xFFFFFF20]  }
0xc3: {  	v7 =	vld [tilespmem:s15+$0xFFFFFF30]  }
0xc4: {  	v10 =	vld [tilespmem:s15+$0xFFFFFF60]  }
0xc5: {  	v8 =	vld [tilespmem:s15+$0xFFFFFF40]  }
0xc6: {  	v9 =	vld [tilespmem:s15+$0xFFFFFF50];
	v4 =	vmul.f32 v3, v4  }
0xc7: {  	v11 =	vld.msk [tilespmem:s18+$0xFFFFFFFF ss:$0x0], $0xffff;
	v2 =	vmul.f32 v2, v1  }
0xc8: {  	v12 =	vld [tilespmem:s15+$0xFFFFFF80];
	v5 =	vmul.f32 v5, v3;
	[tilespmem:s15+$0xFFFFFF00] =	vst v4  }
0xc9: {  	v63 =	vld [tilespmem:s15+$0xFFFFFFD0];
	v10 =	vmul.f32 v10, v3;
	[tilespmem:s15+$0xF0] =	vst v2  }
0xca: {  	v4 =	vld [tilespmem:s15+$0xFFFFFF70];
	v2 =	vmul.f32 v6, v3;
	[tilespmem:s15+$0xFFFFFF10] =	vst v5  }
0xcb: {  	v6 =	vld [tilespmem:s15+$0xFFFFFF90];
	v5 =	vmul.f32 v7, v3;
	[tilespmem:s15+$0xFFFFFF60] =	vst v10  }
0xcc: {  	v7 =	vld [tilespmem:s15+$0xFFFFFFA0];
	[tilespmem:s15+$0xFFFFFF20] =	vst v2;
	v2 =	vmul.f32 v8, v3  }
0xcd: {  	v8 =	vld [tilespmem:s15+$0xFFFFFFB0];
	[tilespmem:s15+$0xFFFFFF30] =	vst v5;
	v5 =	vmul.f32 v9, v3  }
0xce: {  	v9 =	vld [tilespmem:s15+$0xFFFFFFC0];
	[tilespmem:s15+$0xFFFFFF40] =	vst v2;
	v2 =	vmul.f32 v11, v12  }
0xcf: {  	[tilespmem:s15+$0xFFFFFF50] =	vst v5;
	v5 =	vld [tilespmem:s15+$0xFFFFFFE0];
	v3 =	vmul.f32 v4, v3  }
0xd0: {  	v4 =	vld.msk [tilespmem:s18+$0x0 ss:$0x0], $0xffff;
	[tilespmem:s15+$0xFFFFFF80] =	vst v2;
	v2 =	vmul.f32 v6, v11  }
0xd1: {  	v6 =	vld [tilespmem:s15+$0xFFFFFFF0];
	[tilespmem:s15+$0xFFFFFF70] =	vst v3;
	v3 =	vmul.f32 v7, v11  }
0xd2: {  	v7 =	vld [tilespmem:s15+$0x0];
	[tilespmem:s15+$0xFFFFFF90] =	vst v2;
	v2 =	vmul.f32 v8, v11  }
0xd3: {  	v8 =	vld [tilespmem:s15+$0x10];
	[tilespmem:s15+$0xFFFFFFA0] =	vst v3;
	v3 =	vmul.f32 v9, v11  }
0xd4: {  	v9 =	vld [tilespmem:s15+$0x20];
	[tilespmem:s15+$0xFFFFFFB0] =	vst v2;
	v2 =	vmul.f32 v63, v11  }
0xd5: {  	v10 =	vld [tilespmem:s15+$0x30];
	[tilespmem:s15+$0xFFFFFFC0] =	vst v3;
	v3 =	vmul.f32 v5, v11  }
0xd6: {  	v5 =	vld [tilespmem:s15+$0x40];
	v6 =	vmul.f32 v6, v11;
	[tilespmem:s15+$0xFFFFFFD0] =	vst v2  }
0xd7: {  	v2 =	vmul.f32 v4, v7;
	v7 =	vld [tilespmem:s15+$0x50];
	[tilespmem:s15+$0xFFFFFFE0] =	vst v3  }
0xd8: {  	v11 =	vld [tilespmem:s15+$0x60];
	v3 =	vmul.f32 v8, v4;
	[tilespmem:s15+$0xFFFFFFF0] =	vst v6  }
0xd9: {  	v6 =	vld [tilespmem:s15+$0x70];
	[tilespmem:s15+$0x0] =	vst v2;
	v2 =	vmul.f32 v9, v4  }
0xda: {  	v8 =	vld [tilespmem:s15+$0x80];
	[tilespmem:s15+$0x10] =	vst v3;
	v3 =	vmul.f32 v10, v4  }
0xdb: {  	v9 =	vld [tilespmem:s15+$0x90];
	[tilespmem:s15+$0x20] =	vst v2;
	v2 =	vmul.f32 v5, v4  }
0xdc: {  	[tilespmem:s15+$0x30] =	vst v3;
	v5 =	vmul.f32 v7, v4;
	v3 =	vld [tilespmem:s15+$0xA0]  }
0xdd: {  	v7 =	vmul.f32 v11, v4;
	[tilespmem:s15+$0x40] =	vst v2;
	v2 =	vld [tilespmem:s15+$0xB0]  }
0xde: {  	v6 =	vmul.f32 v6, v4;
	v4 =	vld [tilespmem:s15+$0xC0];
	[tilespmem:s15+$0x50] =	vst v5  }
0xdf: {  	v8 =	vmul.f32 v1, v8;
	[tilespmem:s15+$0x60] =	vst v7;
	v5 =	vld [tilespmem:s15+$0xD0]  }
0xe0: {  	s16 =	simm.s32 $0x0;
	s17 =	simm.s32 $0x6806;
	s18 =	simm.s32 $0x9180;
	v7 =	vmul.f32 v9, v1;
	[tilespmem:s15+$0x70] =	vst v6;
	v6 =	vld [tilespmem:s15+$0xE0]  }
.LBB2_8:
0xe1: {  	v9 =	vld.msk [tilespmem:s17+$0x1 ss:$0x0], $0xffff;
	s16 =	sadd.s32 $0x4, s16;
	[tilespmem:s15+$0x80] =	vst v8;
	v3 =	vmul.f32 v3, v1;
	s18 =	sadd.s32 $0x200, s18  }
0xe2: {  	v8 =	vld [tilespmem:s18+$0xF0];
	p0 =	slt.u32 s16, $0x4C;
	[tilespmem:s15+$0x90] =	vst v7;
	v2 =	vmul.f32 v2, v1  }
0xe3: {  	v7 =	vld.msk [tilespmem:s17+$0xFFFFFFFF ss:$0x0], $0xffff;
	[tilespmem:s15+$0xA0] =	vst v3;
	v3 =	vmul.f32 v4, v1  }
0xe4: {  	v4 =	vld.msk [tilespmem:s17+$0x0 ss:$0x0], $0xffff;
	[tilespmem:s15+$0xB0] =	vst v2;
	v2 =	vmul.f32 v5, v1  }
0xe5: {  	v5 =	vld.msk [tilespmem:s17+$0xFFFFFFFE ss:$0x0], $0xffff;
	[tilespmem:s15+$0xC0] =	vst v3;
	v10 =	vmul.f32 v6, v1  }
0xe6: {  	v3 =	vld [tilespmem:s18+$0xFFFFFF00];
	[tilespmem:s15+$0xD0] =	vst v2  }
0xe7: {  	v1 =	vmov v9;
	v2 =	vld [tilespmem:s18+$0xFFFFFF10];
	v6 =	vmul.f32 v8, v9;
	[tilespmem:s15+$0xE0] =	vst v10;
	s15 =	smov.u32 s18  }
0xe8: {  	v8 =	vld [tilespmem:s18+$0xFFFFFF20]  }
0xe9: {  	v9 =	vld [tilespmem:s18+$0xFFFFFF30];
	[tilespmem:s18+$0xF0] =	vst v6  }
0xea: {  	v6 =	vld [tilespmem:s18+$0xFFFFFF40]  }
0xeb: {  	v3 =	vmul.f32 v5, v3;
	v10 =	vld [tilespmem:s18+$0xFFFFFF50]  }
0xec: {  	v2 =	vmul.f32 v2, v5;
	v11 =	vld [tilespmem:s18+$0xFFFFFF60]  }
0xed: {  	[tilespmem:s18+$0xFFFFFF00] =	vst v3;
	v3 =	vmul.f32 v8, v5;
	v8 =	vld [tilespmem:s18+$0xFFFFFF70]  }
0xee: {  	[tilespmem:s18+$0xFFFFFF10] =	vst v2;
	v2 =	vmul.f32 v9, v5;
	v9 =	vld [tilespmem:s18+$0xFFFFFF80]  }
0xef: {  	[tilespmem:s18+$0xFFFFFF20] =	vst v3;
	v3 =	vmul.f32 v6, v5;
	v6 =	vld [tilespmem:s18+$0xFFFFFF90]  }
0xf0: {  	[tilespmem:s18+$0xFFFFFF30] =	vst v2;
	v2 =	vmul.f32 v10, v5;
	v10 =	vld [tilespmem:s18+$0xFFFFFFA0]  }
0xf1: {  	[tilespmem:s18+$0xFFFFFF40] =	vst v3;
	v3 =	vmul.f32 v11, v5;
	v11 =	vld [tilespmem:s18+$0xFFFFFFB0]  }
0xf2: {  	[tilespmem:s18+$0xFFFFFF50] =	vst v2;
	v2 =	vmul.f32 v8, v5;
	v5 =	vld [tilespmem:s18+$0xFFFFFFC0]  }
0xf3: {  	[tilespmem:s18+$0xFFFFFF60] =	vst v3;
	v3 =	vmul.f32 v7, v9;
	v8 =	vld [tilespmem:s18+$0xFFFFFFD0]  }
0xf4: {  	[tilespmem:s18+$0xFFFFFF70] =	vst v2;
	v2 =	vmul.f32 v6, v7;
	v6 =	vld [tilespmem:s18+$0xFFFFFFE0]  }
0xf5: {  	[tilespmem:s18+$0xFFFFFF80] =	vst v3;
	v3 =	vmul.f32 v10, v7;
	v9 =	vld [tilespmem:s18+$0xFFFFFFF0]  }
0xf6: {  	[tilespmem:s18+$0xFFFFFF90] =	vst v2;
	v2 =	vmul.f32 v11, v7;
	v10 =	vld [tilespmem:s18+$0x0]  }
0xf7: {  	[tilespmem:s18+$0xFFFFFFA0] =	vst v3;
	v3 =	vmul.f32 v5, v7;
	v5 =	vld [tilespmem:s18+$0x10]  }
0xf8: {  	[tilespmem:s18+$0xFFFFFFB0] =	vst v2;
	v2 =	vmul.f32 v8, v7;
	v8 =	vld [tilespmem:s18+$0x20]  }
0xf9: {  	[tilespmem:s18+$0xFFFFFFC0] =	vst v3;
	v3 =	vmul.f32 v6, v7;
	v6 =	vld [tilespmem:s18+$0x30]  }
0xfa: {  	[tilespmem:s18+$0xFFFFFFD0] =	vst v2;
	v2 =	vmul.f32 v9, v7;
	v7 =	vld [tilespmem:s18+$0x40]  }
0xfb: {  	[tilespmem:s18+$0xFFFFFFE0] =	vst v3;
	v3 =	vmul.f32 v4, v10;
	v9 =	vld [tilespmem:s18+$0x50]  }
0xfc: {  	[tilespmem:s18+$0xFFFFFFF0] =	vst v2;
	v2 =	vmul.f32 v5, v4;
	v5 =	vld [tilespmem:s18+$0x60]  }
0xfd: {  	[tilespmem:s18+$0x0] =	vst v3;
	v3 =	vmul.f32 v8, v4;
	v8 =	vld [tilespmem:s18+$0x70]  }
0xfe: {  	[tilespmem:s18+$0x10] =	vst v2;
	v2 =	vmul.f32 v6, v4;
	v6 =	vld [tilespmem:s18+$0x80]  }
0xff: {  	[tilespmem:s18+$0x20] =	vst v3;
	v7 =	vmul.f32 v7, v4;
	v10 =	vld [tilespmem:s18+$0x90]  }
.Ltmp2:
0x100: {  	[tilespmem:s18+$0x30] =	vst v2;
	v9 =	vmul.f32 v9, v4;
	v3 =	vld [tilespmem:s18+$0xA0];
	(pc) =	sbr.rel @p0 .LBB2_8-.Ltmp2, $4  }
0x101: {  	[tilespmem:s18+$0x40] =	vst v7;
	v5 =	vmul.f32 v5, v4;
	v2 =	vld [tilespmem:s18+$0xB0]  }
0x102: {  	[tilespmem:s18+$0x50] =	vst v9;
	v7 =	vmul.f32 v8, v4;
	v4 =	vld [tilespmem:s18+$0xC0]  }
0x103: {  	[tilespmem:s18+$0x60] =	vst v5;
	v8 =	vmul.f32 v1, v6;
	v5 =	vld [tilespmem:s18+$0xD0]  }
0x104: {  	s17 =	sadd.s32 $0x4, s17;
	[tilespmem:s18+$0x70] =	vst v7;
	v7 =	vmul.f32 v10, v1;
	v6 =	vld [tilespmem:s18+$0xE0]  }
0x105: {  	[tilespmem:s15+$0x80] =	vst v8;
	v3 =	vmul.f32 v3, v1  }
0x106: {  	[tilespmem:s15+$0x90] =	vst v7;
	v2 =	vmul.f32 v2, v1  }
0x107: {  	[tilespmem:s15+$0xA0] =	vst v3;
	v3 =	vmul.f32 v4, v1  }
0x108: {  	[tilespmem:s15+$0xB0] =	vst v2;
	v2 =	vmul.f32 v5, v1  }
0x109: {  	[tilespmem:s15+$0xC0] =	vst v3;
	v1 =	vmul.f32 v6, v1  }
0x10a: {  	s14 =	sshll.u32 s14, $0x7;
	[tilespmem:s15+$0xD0] =	vst v2  }
0x10b: {  	s16 =	smul.u32 $0xA0, s13;
	s14 =	sand.u32 $0x3FFFFF80, s14;
	[tilespmem:s15+$0xE0] =	vst v1  }
0x10c: {  	[spmem:s2] =	stream.indirect.scatter.add.f32 [tilespmem:s25], [sflag:$0x2], $0x80, s14, s23, $0xb8;
	[tilespmem:$0x1F880] =	vst v63  }
0x10d: {  	_ =	swait.ge [sflag:s28], $0x2800  }
0x10e: {  	s13 =	sadd.s32 $0x1, s13;
	s17 =	sadd.s32 s11, s16;
	[sflag:s28] =	ssyncset.done $0x0  }
0x10f: {  	s18 =	sshrl.u32 s17, $0x3;
	s14 =	sadd.s32 $0x40A0, s16;
	[sflag:s28] =	ssyncadd.s32 $0xFFFFD800  }
0x110: {  	[tilespmem:s22], [sflag:$0x1] =	stream.indirect.gather [hbm4b:s12+s23], $0x80, s14, s23, $0xb8;
	[tilespmem:$0x1F880] =	vst v63  }
0x111: {  	p0 =	sne.s32 s13, $0x3E;
	s14 =	sadd.s32 s1, s18  }
.Ltmp3:
0x112: {  	s14 =	sadd.s32 $0x14, s14;
	(pc) =	sbr.rel @p0 .LBB2_5-.Ltmp3, $4  }
0x113: {  	[tilespmem:s24], [sflag:$0x3] =	stream.linear.gather [hbm4b:s14+s4], $0x50, $0x38;
	[tilespmem:$0x1F880] =	vst v63  }
0x114: {  	_ =	swait.ge [sflag:s30], $0x2800  }
0x115: {  	[sflag:s30] =	ssyncset.done $0x0  }
0x116: {  	[sflag:s30] =	ssyncadd.s32 $0xFFFFD800  }
0x117: {  	_ =	swait.ge [sflag:s28], $0x2800  }
0x118: {  	[sflag:s28] =	ssyncset.done $0x0  }
0x119: {  	[sflag:s28] =	ssyncadd.s32 $0xFFFFD800  }
0x11a: {  	_ =	swait.ge [sflag:s29], $0x50  }
0x11b: {  	[sflag:s29] =	ssyncset.done $0x0  }
0x11c: {  	s12 =	simm.s32 $0x6782;
	[sflag:s29] =	ssyncadd.s32 $0xFFFFFFB0  }
0x11d: {  	s11 =	simm.s32 $0x6980;
	v1 =	vld.msk [tilespmem:s12+$0x1 ss:$0x0], $0xffff  }
0x11e: {  	v2 =	vld [tilespmem:s11+$0xF0]  }
0x11f: {  	v3 =	vld.msk [tilespmem:s12+$0xFFFFFFFE ss:$0x0], $0xffff  }
0x120: {  	v4 =	vld [tilespmem:s11+$0xFFFFFF00]  }
0x121: {  	v5 =	vld [tilespmem:s11+$0xFFFFFF10]  }
0x122: {  	v6 =	vld [tilespmem:s11+$0xFFFFFF20]  }
0x123: {  	v7 =	vld [tilespmem:s11+$0xFFFFFF30]  }
0x124: {  	v10 =	vld [tilespmem:s11+$0xFFFFFF60]  }
0x125: {  	v8 =	vld [tilespmem:s11+$0xFFFFFF40]  }
0x126: {  	v9 =	vld [tilespmem:s11+$0xFFFFFF50];
	v4 =	vmul.f32 v3, v4  }
0x127: {  	v11 =	vld.msk [tilespmem:s12+$0xFFFFFFFF ss:$0x0], $0xffff;
	v2 =	vmul.f32 v2, v1  }
0x128: {  	v12 =	vld [tilespmem:s11+$0xFFFFFF80];
	v5 =	vmul.f32 v5, v3;
	[tilespmem:s11+$0xFFFFFF00] =	vst v4  }
0x129: {  	v63 =	vld [tilespmem:s11+$0xFFFFFFD0];
	v10 =	vmul.f32 v10, v3;
	[tilespmem:s11+$0xF0] =	vst v2  }
0x12a: {  	v4 =	vld [tilespmem:s11+$0xFFFFFF70];
	v2 =	vmul.f32 v6, v3;
	[tilespmem:s11+$0xFFFFFF10] =	vst v5  }
0x12b: {  	v6 =	vld [tilespmem:s11+$0xFFFFFF90];
	v5 =	vmul.f32 v7, v3;
	[tilespmem:s11+$0xFFFFFF60] =	vst v10  }
0x12c: {  	v7 =	vld [tilespmem:s11+$0xFFFFFFA0];
	[tilespmem:s11+$0xFFFFFF20] =	vst v2;
	v2 =	vmul.f32 v8, v3  }
0x12d: {  	v8 =	vld [tilespmem:s11+$0xFFFFFFB0];
	[tilespmem:s11+$0xFFFFFF30] =	vst v5;
	v5 =	vmul.f32 v9, v3  }
0x12e: {  	v9 =	vld [tilespmem:s11+$0xFFFFFFC0];
	[tilespmem:s11+$0xFFFFFF40] =	vst v2;
	v2 =	vmul.f32 v11, v12  }
0x12f: {  	[tilespmem:s11+$0xFFFFFF50] =	vst v5;
	v5 =	vld [tilespmem:s11+$0xFFFFFFE0];
	v3 =	vmul.f32 v4, v3  }
0x130: {  	v4 =	vld.msk [tilespmem:s12+$0x0 ss:$0x0], $0xffff;
	[tilespmem:s11+$0xFFFFFF80] =	vst v2;
	v2 =	vmul.f32 v6, v11  }
0x131: {  	v6 =	vld [tilespmem:s11+$0xFFFFFFF0];
	[tilespmem:s11+$0xFFFFFF70] =	vst v3;
	v3 =	vmul.f32 v7, v11  }
0x132: {  	v7 =	vld [tilespmem:s11+$0x0];
	[tilespmem:s11+$0xFFFFFF90] =	vst v2;
	v2 =	vmul.f32 v8, v11  }
0x133: {  	v8 =	vld [tilespmem:s11+$0x10];
	[tilespmem:s11+$0xFFFFFFA0] =	vst v3;
	v3 =	vmul.f32 v9, v11  }
0x134: {  	v9 =	vld [tilespmem:s11+$0x20];
	[tilespmem:s11+$0xFFFFFFB0] =	vst v2;
	v2 =	vmul.f32 v63, v11  }
0x135: {  	v10 =	vld [tilespmem:s11+$0x30];
	[tilespmem:s11+$0xFFFFFFC0] =	vst v3;
	v3 =	vmul.f32 v5, v11  }
0x136: {  	v5 =	vld [tilespmem:s11+$0x40];
	v6 =	vmul.f32 v6, v11;
	[tilespmem:s11+$0xFFFFFFD0] =	vst v2  }
0x137: {  	v2 =	vmul.f32 v4, v7;
	v7 =	vld [tilespmem:s11+$0x50];
	[tilespmem:s11+$0xFFFFFFE0] =	vst v3  }
0x138: {  	v11 =	vld [tilespmem:s11+$0x60];
	v3 =	vmul.f32 v8, v4;
	[tilespmem:s11+$0xFFFFFFF0] =	vst v6  }
0x139: {  	v6 =	vld [tilespmem:s11+$0x70];
	[tilespmem:s11+$0x0] =	vst v2;
	v2 =	vmul.f32 v9, v4  }
0x13a: {  	v8 =	vld [tilespmem:s11+$0x80];
	[tilespmem:s11+$0x10] =	vst v3;
	v3 =	vmul.f32 v10, v4  }
0x13b: {  	v9 =	vld [tilespmem:s11+$0x90];
	[tilespmem:s11+$0x20] =	vst v2;
	v2 =	vmul.f32 v5, v4  }
0x13c: {  	[tilespmem:s11+$0x30] =	vst v3;
	v5 =	vmul.f32 v7, v4;
	v3 =	vld [tilespmem:s11+$0xA0]  }
0x13d: {  	v7 =	vmul.f32 v11, v4;
	[tilespmem:s11+$0x40] =	vst v2;
	v2 =	vld [tilespmem:s11+$0xB0]  }
0x13e: {  	v6 =	vmul.f32 v6, v4;
	v4 =	vld [tilespmem:s11+$0xC0];
	[tilespmem:s11+$0x50] =	vst v5  }
0x13f: {  	v8 =	vmul.f32 v1, v8;
	[tilespmem:s11+$0x60] =	vst v7;
	v5 =	vld [tilespmem:s11+$0xD0]  }
0x140: {  	s13 =	simm.s32 $0x6786;
	s14 =	simm.s32 $0x6980;
	s12 =	simm.s32 $0x0;
	v7 =	vmul.f32 v9, v1;
	[tilespmem:s11+$0x70] =	vst v6;
	v6 =	vld [tilespmem:s11+$0xE0]  }
.LBB2_11:
0x141: {  	v9 =	vld.msk [tilespmem:s13+$0x1 ss:$0x0], $0xffff;
	s12 =	sadd.s32 $0x4, s12;
	[tilespmem:s11+$0x80] =	vst v8;
	v3 =	vmul.f32 v3, v1;
	s14 =	sadd.s32 $0x200, s14  }
0x142: {  	v8 =	vld [tilespmem:s14+$0xF0];
	p0 =	slt.u32 s12, $0x4C;
	[tilespmem:s11+$0x90] =	vst v7;
	v2 =	vmul.f32 v2, v1  }
0x143: {  	v7 =	vld.msk [tilespmem:s13+$0xFFFFFFFF ss:$0x0], $0xffff;
	[tilespmem:s11+$0xA0] =	vst v3;
	v3 =	vmul.f32 v4, v1  }
0x144: {  	v4 =	vld.msk [tilespmem:s13+$0x0 ss:$0x0], $0xffff;
	[tilespmem:s11+$0xB0] =	vst v2;
	v2 =	vmul.f32 v5, v1  }
0x145: {  	v5 =	vld.msk [tilespmem:s13+$0xFFFFFFFE ss:$0x0], $0xffff;
	[tilespmem:s11+$0xC0] =	vst v3;
	v10 =	vmul.f32 v6, v1  }
0x146: {  	v3 =	vld [tilespmem:s14+$0xFFFFFF00];
	[tilespmem:s11+$0xD0] =	vst v2  }
0x147: {  	v1 =	vmov v9;
	v2 =	vld [tilespmem:s14+$0xFFFFFF10];
	v6 =	vmul.f32 v8, v9;
	[tilespmem:s11+$0xE0] =	vst v10;
	s11 =	smov.u32 s14  }
0x148: {  	v8 =	vld [tilespmem:s14+$0xFFFFFF20]  }
0x149: {  	v9 =	vld [tilespmem:s14+$0xFFFFFF30];
	[tilespmem:s14+$0xF0] =	vst v6  }
0x14a: {  	v6 =	vld [tilespmem:s14+$0xFFFFFF40]  }
0x14b: {  	v3 =	vmul.f32 v5, v3;
	v10 =	vld [tilespmem:s14+$0xFFFFFF50]  }
0x14c: {  	v2 =	vmul.f32 v2, v5;
	v11 =	vld [tilespmem:s14+$0xFFFFFF60]  }
0x14d: {  	[tilespmem:s14+$0xFFFFFF00] =	vst v3;
	v3 =	vmul.f32 v8, v5;
	v8 =	vld [tilespmem:s14+$0xFFFFFF70]  }
0x14e: {  	[tilespmem:s14+$0xFFFFFF10] =	vst v2;
	v2 =	vmul.f32 v9, v5;
	v9 =	vld [tilespmem:s14+$0xFFFFFF80]  }
0x14f: {  	[tilespmem:s14+$0xFFFFFF20] =	vst v3;
	v3 =	vmul.f32 v6, v5;
	v6 =	vld [tilespmem:s14+$0xFFFFFF90]  }
0x150: {  	[tilespmem:s14+$0xFFFFFF30] =	vst v2;
	v2 =	vmul.f32 v10, v5;
	v10 =	vld [tilespmem:s14+$0xFFFFFFA0]  }
0x151: {  	[tilespmem:s14+$0xFFFFFF40] =	vst v3;
	v3 =	vmul.f32 v11, v5;
	v11 =	vld [tilespmem:s14+$0xFFFFFFB0]  }
0x152: {  	[tilespmem:s14+$0xFFFFFF50] =	vst v2;
	v2 =	vmul.f32 v8, v5;
	v5 =	vld [tilespmem:s14+$0xFFFFFFC0]  }
0x153: {  	[tilespmem:s14+$0xFFFFFF60] =	vst v3;
	v3 =	vmul.f32 v7, v9;
	v8 =	vld [tilespmem:s14+$0xFFFFFFD0]  }
0x154: {  	[tilespmem:s14+$0xFFFFFF70] =	vst v2;
	v2 =	vmul.f32 v6, v7;
	v6 =	vld [tilespmem:s14+$0xFFFFFFE0]  }
0x155: {  	[tilespmem:s14+$0xFFFFFF80] =	vst v3;
	v3 =	vmul.f32 v10, v7;
	v9 =	vld [tilespmem:s14+$0xFFFFFFF0]  }
0x156: {  	[tilespmem:s14+$0xFFFFFF90] =	vst v2;
	v2 =	vmul.f32 v11, v7;
	v10 =	vld [tilespmem:s14+$0x0]  }
0x157: {  	[tilespmem:s14+$0xFFFFFFA0] =	vst v3;
	v3 =	vmul.f32 v5, v7;
	v5 =	vld [tilespmem:s14+$0x10]  }
0x158: {  	[tilespmem:s14+$0xFFFFFFB0] =	vst v2;
	v2 =	vmul.f32 v8, v7;
	v8 =	vld [tilespmem:s14+$0x20]  }
0x159: {  	[tilespmem:s14+$0xFFFFFFC0] =	vst v3;
	v3 =	vmul.f32 v6, v7;
	v6 =	vld [tilespmem:s14+$0x30]  }
0x15a: {  	[tilespmem:s14+$0xFFFFFFD0] =	vst v2;
	v2 =	vmul.f32 v9, v7;
	v7 =	vld [tilespmem:s14+$0x40]  }
0x15b: {  	[tilespmem:s14+$0xFFFFFFE0] =	vst v3;
	v3 =	vmul.f32 v4, v10;
	v9 =	vld [tilespmem:s14+$0x50]  }
0x15c: {  	[tilespmem:s14+$0xFFFFFFF0] =	vst v2;
	v2 =	vmul.f32 v5, v4;
	v5 =	vld [tilespmem:s14+$0x60]  }
0x15d: {  	[tilespmem:s14+$0x0] =	vst v3;
	v3 =	vmul.f32 v8, v4;
	v8 =	vld [tilespmem:s14+$0x70]  }
0x15e: {  	[tilespmem:s14+$0x10] =	vst v2;
	v2 =	vmul.f32 v6, v4;
	v6 =	vld [tilespmem:s14+$0x80]  }
0x15f: {  	[tilespmem:s14+$0x20] =	vst v3;
	v7 =	vmul.f32 v7, v4;
	v10 =	vld [tilespmem:s14+$0x90]  }
.Ltmp4:
0x160: {  	[tilespmem:s14+$0x30] =	vst v2;
	v9 =	vmul.f32 v9, v4;
	v3 =	vld [tilespmem:s14+$0xA0];
	(pc) =	sbr.rel @p0 .LBB2_11-.Ltmp4, $4  }
0x161: {  	[tilespmem:s14+$0x40] =	vst v7;
	v5 =	vmul.f32 v5, v4;
	v2 =	vld [tilespmem:s14+$0xB0]  }
0x162: {  	[tilespmem:s14+$0x50] =	vst v9;
	v7 =	vmul.f32 v8, v4;
	v4 =	vld [tilespmem:s14+$0xC0]  }
0x163: {  	[tilespmem:s14+$0x60] =	vst v5;
	v8 =	vmul.f32 v1, v6;
	v5 =	vld [tilespmem:s14+$0xD0]  }
0x164: {  	s13 =	sadd.s32 $0x4, s13;
	[tilespmem:s14+$0x70] =	vst v7;
	v7 =	vmul.f32 v10, v1;
	v6 =	vld [tilespmem:s14+$0xE0]  }
0x165: {  	[tilespmem:s11+$0x80] =	vst v8;
	v3 =	vmul.f32 v3, v1  }
0x166: {  	[tilespmem:s11+$0x90] =	vst v7;
	v2 =	vmul.f32 v2, v1  }
0x167: {  	[tilespmem:s11+$0xA0] =	vst v3;
	v3 =	vmul.f32 v4, v1  }
0x168: {  	[tilespmem:s11+$0xB0] =	vst v2;
	v2 =	vmul.f32 v5, v1  }
0x169: {  	s10 =	sadd.s32 $0x1, s10;
	[tilespmem:s11+$0xC0] =	vst v3;
	v1 =	vmul.f32 v6, v1  }
0x16a: {  	p0 =	sne.s32 s10, $0x8;
	[tilespmem:s11+$0xD0] =	vst v2  }
.Ltmp5:
0x16b: {  	[tilespmem:s11+$0xE0] =	vst v1;
	(pc) =	sbr.rel @p0 .LBB2_4-.Ltmp5, $4  }
0x16c: {  	[spmem:s2] =	stream.indirect.scatter.add.f32 [tilespmem:s22], [sflag:$0x1], $0x80, s0, s23, $0xb8;
	[tilespmem:$0x1F880] =	vst v63  }
0x16d: {  	_ =	swait.ge [sflag:s28], $0x2800  }
0x16e: {  	[sflag:s28] =	ssyncset.done $0x0  }
0x16f: {  	[sflag:s28] =	ssyncadd.s32 $0xFFFFD800  }
0x170: {  	s9 =	stileid.u32;
	[bflag:$0x0] =	sbarrier.arrive $0xFFFF;
	s10 =	sshrl.u32 s8, $0x3  }
0x171: {  	s12 =	simm.s32 $0x8;
	s13 =	simm.s32 $0x100;
	s3 =	sadd.s32 $0x1, s3  }
0x172: {  	s14 =	simm.s32 $0x80;
	s9 =	sshll.u32 s9, $0x6;
	p0 =	sne.s32 s3, s19  }
.Ltmp6:
0x173: {  	s11 =	rddreg [dreg:$0xd];
	s9 =	sor.u32 $0x1C05, s9;
	(pc) =	sbr.rel @p0 .LBB2_1-.Ltmp6, $4  }
0x174: {  	[hbm:s11@s13], [sflag:s9] =	dma.strided [spmem:s10@s14], $0x2800, s12, $0x10   }
0x175: {  	_ =	swait.ge [sflag:s20], $0x2800  }
0x176: {  	[sflag:s20] =	ssyncset.done $0x0  }
0x177: {  	[sflag:s20] =	ssyncadd.s32 $0xFFFFD800  }
0x178: {  	_ =	sfence.sel $0x180000  }
0x179: {  	[bflag:$0x0] =	sbarrier.arrive $0xFFFF  }
0x17a: {  	_ =	strace $0x9000004A  }
0x17b: {  	s0 =	stileid.u32;
	[bflag:$0x2] =	sbarrier.arrive $0xFFFF  }
0x17c: {  	p0 =	sne.s32 s0, $0x0;
	s0 =	rddreg [dreg:$0x3]  }
0x17d: {  	s0 =	sadd.s32 @!p0 $0x100000, s0  }
0x17e: {  	[sflag:s0] =	ssyncadd.tile.s32 @!p0 $0x1;
	_ =	shalt  }
.Lfunc_end2:
_tile_overlayer_lowered:
.L_overlay_start_2:
0x17f: {  	(tag) =	ssettag $0x2  }
0x180: {  	s0 =	rddreg [dreg:$0x0];
	s2 =	stileid.u32  }
0x181: {  	s1 =	rddreg [dreg:$0x1];
	p0 =	sne.s32 s2, $0x0  }
0x182: {  	s3 =	rddreg [dreg:$0x2];
	[bflag:$0x3] =	sbarrier.arrive $0xFFFF;
	s2 =	simm.s32 @!p0 $0x1C05  }
0x183: {  	[timem:s3], [sflag:s2] =	dma.local @!p0 [hbm:s0], s1  }
0x184: {  	s0 =	simm.s32 @!p0 $0x5  }
0x185: {  	_ =	swait.ge @!p0 [sflag:s0], s1  }
0x186: {  	s1 =	ssub.s32 @!p0 $0x0, s1;
	[sflag:s0] =	ssyncset.done @!p0 $0x0  }
0x187: {  	[sflag:s0] =	ssyncadd.s32 @!p0 s1  }
0x188: {  	[bflag:$0x3] =	sbarrier.arrive $0xFFFF  }
0x189: {  	_ =	shalt  }

</sc_bundles>
